<compile_context>
chip_gen: v7x
topology: tpu7x:2x2x1
jax: 0.10.2.dev20260603
libtpu: 0.0.44.dev20260713+nightly
codegen_flags: <defaults>
</compile_context>

<pallas_src>
import functools

import jax
import jax.numpy as jnp
from jax import lax
from jax.experimental import pallas as pl
from jax.experimental.pallas import tpu as pltpu
from jax.experimental.pallas import tpu_sc as plsc

_NP = 64
_PS = 32
_N = 16384
_B = 32
_L = 16
_STRIPS = _N // _L
_CAP = 1024
_NROWS = _B * _NP
_RPW = _NROWS // 32


def _fps_body(xs_ref, ys_ref, zs_ref, ctx_ref, cty_ref, ctz_ref):
    xs = xs_ref[...]
    ys = ys_ref[...]
    zs = zs_ref[...]
    li = jax.lax.broadcasted_iota(jnp.int32, (_B, _N), 1)
    eye = (jax.lax.broadcasted_iota(jnp.int32, (_B, _B), 0)
           == jax.lax.broadcasted_iota(jnp.int32, (_B, _B), 1))
    kio = jax.lax.broadcasted_iota(jnp.int32, (_NP, _B), 0)

    def transpose_col(v):
        return jnp.sum(jnp.where(eye, jnp.broadcast_to(v, (_B, _B)), 0.0),
                       axis=0, keepdims=True)

    def step(t, carry):
        dmin, cur, ctx, cty, ctz = carry
        sel = li == cur
        cx = jnp.sum(jnp.where(sel, xs, 0.0), axis=1, keepdims=True)
        cy = jnp.sum(jnp.where(sel, ys, 0.0), axis=1, keepdims=True)
        cz = jnp.sum(jnp.where(sel, zs, 0.0), axis=1, keepdims=True)
        hit = kio == t
        ctx = jnp.where(hit, jnp.broadcast_to(transpose_col(cx), (_NP, _B)), ctx)
        cty = jnp.where(hit, jnp.broadcast_to(transpose_col(cy), (_NP, _B)), cty)
        ctz = jnp.where(hit, jnp.broadcast_to(transpose_col(cz), (_NP, _B)), ctz)
        dx = xs - cx
        dy = ys - cy
        dz = zs - cz
        d = (dx * dx + dy * dy) + dz * dz
        dmin = jnp.minimum(dmin, d)
        m = jnp.max(dmin, axis=1, keepdims=True)
        nxt = jnp.min(jnp.where(dmin == m, li, _N), axis=1, keepdims=True)
        return dmin, nxt, ctx, cty, ctz

    init = (
        jnp.full((_B, _N), jnp.inf, jnp.float32),
        jnp.zeros((_B, 1), jnp.int32),
        jnp.zeros((_NP, _B), jnp.float32),
        jnp.zeros((_NP, _B), jnp.float32),
        jnp.zeros((_NP, _B), jnp.float32),
    )
    _, _, ctx, cty, ctz = jax.lax.fori_loop(0, _NP, step, init)
    ctx_ref[...] = ctx
    cty_ref[...] = cty
    ctz_ref[...] = ctz


def _d2_body(xs_ref, ys_ref, zs_ref, cx_ref, cy_ref, cz_ref, d2_ref):
    b = pl.program_id(0)
    xr = xs_ref[0]
    yr = ys_ref[0]
    zr = zs_ref[0]
    lane = jax.lax.broadcasted_iota(jnp.int32, (_NP, _B), 1)
    sel = lane == b

    def col(ref):
        return jnp.sum(jnp.where(sel, ref[...], 0.0), axis=1, keepdims=True)

    acol = col(cx_ref)
    bcol = col(cy_ref)
    ccol = col(cz_ref)
    amat = jnp.concatenate([acol, bcol, ccol], axis=1)
    pmat = jnp.concatenate([xr, yr, zr], axis=0)
    dot = jax.lax.dot_general(
        amat.astype(jnp.bfloat16), pmat.astype(jnp.bfloat16),
        (((1,), (0,)), ((), ())), preferred_element_type=jnp.float32)
    c2 = (acol * acol + bcol * bcol) + ccol * ccol
    p2 = (xr * xr + yr * yr) + zr * zr
    d2_ref[0] = (c2 - 2.0 * dot) + p2


def _topk_body(d2_hbm, out_hbm, rowbuf0, rowbuf1, cvals, cidx, outbuf,
               sem0, sem1):
    wid = lax.axis_index("s") * 2 + lax.axis_index("c")
    lanes = lax.broadcasted_iota(jnp.int32, (_L,), 0)
    lane0 = lanes == 0
    inf_v = jnp.full((_L,), jnp.inf, jnp.float32)
    big_i = jnp.full((_L,), jnp.int32(2 ** 30), jnp.int32)
    base_row = wid * _RPW

    def row_src(rr):
        r = jnp.minimum(base_row + rr, _NROWS - 1)
        return d2_hbm.at[pl.ds(r * _N, _N)]

    def process_row(rr, rowbuf):
        def p1(s, carry):
            mn1, mn2 = carry
            v = rowbuf[pl.ds(s * _L, _L)]
            hi = jnp.maximum(mn1, v)
            mn1 = jnp.minimum(mn1, v)
            mn2 = jnp.minimum(mn2, hi)
            return mn1, mn2

        _, mn2 = lax.fori_loop(0, _STRIPS, p1, (inf_v, inf_v), unroll=16)
        t_scal = jnp.max(mn2)
        t_vec = jnp.full((_L,), t_scal, jnp.float32)

        for t in range(_CAP // _L):
            cvals[pl.ds(t * _L, _L)] = inf_v

        def p2(s, carry):
            pos_vec, base = carry
            v = rowbuf[pl.ds(s * _L, _L)]
            m = v <= t_vec
            okm = m & (pos_vec < _CAP)
            plsc.store_scatter(cvals, [pos_vec], v, mask=okm)
            plsc.store_scatter(cidx, [pos_vec], base, mask=okm)
            pos_vec = pos_vec + (m.astype(jnp.int32) << 4)
            return pos_vec, base + _L

        pos_vec, _ = lax.fori_loop(0, _STRIPS, p2, (lanes, lanes), unroll=16)
        nstrips = jnp.minimum(jnp.max((pos_vec - lanes) >> 4), _CAP // _L)

        def mk_emit(nscan, unroll):
            def emit(j, outpos):
                def scan(s, carry):
                    bv, bi, bp = carry
                    v = cvals[pl.ds(s * _L, _L)]
                    i = cidx[pl.ds(s * _L, _L)]
                    p = s * _L + lanes
                    better = (v < bv) | ((v == bv) & (i < bi))
                    bv = jnp.where(better, v, bv)
                    bi = jnp.where(better, i, bi)
                    bp = jnp.where(better, p, bp)
                    return bv, bi, bp

                bv, bi, bp = lax.fori_loop(
                    0, nscan, scan, (inf_v, big_i, big_i), unroll=unroll)
                mval = jnp.min(bv)
                msel = bv == jnp.full((_L,), mval, jnp.float32)
                midx = jnp.min(jnp.where(msel, bi, big_i))
                midx_vec = jnp.full((_L,), midx, jnp.int32)
                wsel = msel & (bi == midx_vec)
                pw = jnp.min(jnp.where(wsel, bp, big_i))
                pw_vec = jnp.full((_L,), pw, jnp.int32)
                plsc.store_scatter(cvals, [pw_vec], inf_v, mask=lane0)
                plsc.store_scatter(outbuf, [outpos], midx_vec, mask=lane0)
                return outpos + 1

            return emit

        out0 = rr * _PS + jnp.zeros((_L,), jnp.int32)

        def fast_sel():
            lax.fori_loop(0, _PS, mk_emit(16, 4), out0)
            return 0

        def slow_sel():
            lax.fori_loop(0, _PS, mk_emit(nstrips, 1), out0)
            return 0

        lax.cond(nstrips <= 16, fast_sel, slow_sel)

    pltpu.async_copy(row_src(0), rowbuf0, sem0)
    pltpu.async_copy(row_src(1), rowbuf1, sem1)

    def do_pair(i, _):
        rr = 2 * i
        pltpu.make_async_copy(row_src(rr), rowbuf0, sem0).wait()
        process_row(rr, rowbuf0)
        pltpu.async_copy(row_src(rr + 2), rowbuf0, sem0)
        pltpu.make_async_copy(row_src(rr + 1), rowbuf1, sem1).wait()
        process_row(rr + 1, rowbuf1)
        pltpu.async_copy(row_src(rr + 3), rowbuf1, sem1)
        return 0

    lax.fori_loop(0, _RPW // 2, do_pair, 0)
    pltpu.make_async_copy(row_src(0), rowbuf0, sem0).wait()
    pltpu.make_async_copy(row_src(1), rowbuf1, sem1).wait()
    pltpu.sync_copy(outbuf, out_hbm.at[pl.ds(wid * (_RPW * _PS), _RPW * _PS)])


def _sc_topk(d2_flat):
    mesh = plsc.VectorSubcoreMesh(core_axis_name="c", subcore_axis_name="s")
    kfn = functools.partial(
        pl.kernel,
        out_type=jax.ShapeDtypeStruct((_NROWS * _PS,), jnp.int32),
        mesh=mesh,
        scratch_types=[
            pltpu.VMEM((_N,), jnp.float32),
            pltpu.VMEM((_N,), jnp.float32),
            pltpu.VMEM((_CAP,), jnp.float32),
            pltpu.VMEM((_CAP,), jnp.int32),
            pltpu.VMEM((_RPW * _PS,), jnp.int32),
            pltpu.SemaphoreType.DMA,
            pltpu.SemaphoreType.DMA,
        ],
        compiler_params=pltpu.CompilerParams(needs_layout_passes=False),
    )(_topk_body)
    return kfn(d2_flat)


def kernel(points):
    B, N, _ = points.shape
    pts = jnp.transpose(points, (0, 2, 1))
    xs = pts[:, 0, :]
    ys = pts[:, 1, :]
    zs = pts[:, 2, :]

    cen_shape = jax.ShapeDtypeStruct((_NP, _B), jnp.float32)
    ctx, cty, ctz = pl.pallas_call(
        _fps_body,
        out_shape=[cen_shape, cen_shape, cen_shape],
    )(xs, ys, zs)

    xs3 = xs.reshape(B, 1, N)
    ys3 = ys.reshape(B, 1, N)
    zs3 = zs.reshape(B, 1, N)
    row_spec = pl.BlockSpec((1, 1, _N), lambda b: (b, 0, 0))
    cen_spec = pl.BlockSpec((_NP, _B), lambda b: (0, 0))
    d2 = pl.pallas_call(
        _d2_body,
        grid=(B,),
        in_specs=[row_spec, row_spec, row_spec, cen_spec, cen_spec, cen_spec],
        out_specs=pl.BlockSpec((1, _NP, _N), lambda b: (b, 0, 0)),
        out_shape=jax.ShapeDtypeStruct((B, _NP, _N), jnp.float32),
    )(xs3, ys3, zs3, ctx, cty, ctz)

    centers = jnp.transpose(jnp.stack([ctx, cty, ctz], axis=0), (2, 1, 0))
    idx = _sc_topk(d2.reshape(-1)).reshape(B, _NP, _PS)
    return idx, centers

# --- scband reference (transcript-rebuilt; emitter-appended) ---
"""Pipeline reference for scband-point-patchify-idx-72241349919077 (READ-ONLY COPY).

The authoritative reference and input builder live on the scoring server;
editing this copy changes nothing except your own understanding.
"""

import jax, jax.numpy as jnp
import numpy as np

NUM_PATCHES = 64
PATCH_SIZE = 32


def setup_inputs(seed: int = 0) -> dict:
    key = jax.random.key(seed)
    points = jax.random.normal(key, (32, 16384, 3), dtype=jnp.float32)
    return {"points": points}


def _fps(points, K):
    # iterative farthest point sampling; deterministic start index 0
    B, N, D = points.shape
    dists0 = jnp.full((B, N), jnp.inf, dtype=points.dtype)
    idx0 = jnp.zeros((B,), dtype=jnp.int32)

    def step(carry, _):
        dists, last_idx = carry
        last_pt = jnp.take_along_axis(points, last_idx[:, None, None], axis=1)  # [B,1,D]
        d = jnp.sum((points - last_pt) ** 2, axis=-1)  # [B,N]
        dists = jnp.minimum(dists, d)
        nxt = jnp.argmax(dists, axis=-1).astype(jnp.int32)
        return (dists, nxt), last_idx

    (_, _), idxs = jax.lax.scan(step, (dists0, idx0), None, length=K)
    idxs = jnp.transpose(idxs)  # [B, K]
    centers = jnp.take_along_axis(points, idxs[..., None], axis=1)  # [B,K,D]
    return centers, idxs


def _knn_idx(centers, points, k):
    # squared euclidean distances [B, K, N]
    d2 = (jnp.sum(centers ** 2, axis=-1)[..., None]
          - 2.0 * jnp.einsum('bkd,bnd->bkn', centers, points)
          + jnp.sum(points ** 2, axis=-1)[:, None, :])
    # top_k on negated distances -> k nearest, sorted ascending by distance
    _, idx = jax.lax.top_k(-d2, k)
    return idx


def reference(points):
    centers, _ = _fps(points, NUM_PATCHES)
    idx = _knn_idx(centers, points, PATCH_SIZE)  # [B, num_patches, patch_size]
    return idx, centers

if __name__ == "__main__":
    import jax
    _d = setup_inputs()
    print(jax.jit(kernel)(*tuple(_d.values())))

</pallas_src>

<mosaic_0001>
#map = affine_map<(d0, d1) -> (0)>
module attributes {stable_mosaic.version = 14 : i64} {
  func.func @_topk_body(%arg0: i32, %arg1: i32, %arg2: memref<33554432xf32, #tpu.memory_space<hbm>>, %arg3: memref<65536xi32, #tpu.memory_space<hbm>>, %arg4: memref<16384xf32, #tpu.memory_space<vmem>>, %arg5: memref<16384xf32, #tpu.memory_space<vmem>>, %arg6: memref<1024xf32, #tpu.memory_space<vmem>>, %arg7: memref<1024xi32, #tpu.memory_space<vmem>>, %arg8: memref<2048xi32, #tpu.memory_space<vmem>>, %arg9: memref<!tpu.dma_semaphore, #tpu.memory_space<semaphore_mem>>, %arg10: memref<!tpu.dma_semaphore, #tpu.memory_space<semaphore_mem>>) attributes {dimension_semantics = [#tpu.dimension_semantics<core_parallel>, #tpu.dimension_semantics<subcore_parallel>], iteration_bounds = array<i64: 2, 16>, scalar_prefetch = 0 : i64, scratch_operands = 7 : i64, tpu.core_type = #tpu.core_type<sc_vector_subcore>, window_params = [{transform_indices = #map}, {transform_indices = #map}]} {
    %mul3A = arith.constant 2 : i32
    %mul3A_0 = arith.muli %arg1, %mul3A : i32
    %add3A = arith.addi %mul3A_0, %arg0 : i32
    %iota3A = tpu.iota {dimensions = array<i32: 0>} : vector<16xi32>
    %eq3A = arith.constant 0 : i32
    %eq3A_1 = vector.broadcast %eq3A : i32 to vector<16xi32>
    %eq3A_2 = arith.cmpi eq, %iota3A, %eq3A_1 : vector<16xi32>
    %broadcast_in_dim3A = arith.constant 0x7F800000 : f32
    %broadcast_in_dim3A_3 = vector.broadcast %broadcast_in_dim3A : f32 to vector<16xf32>
    %broadcast_in_dim3A_4 = arith.constant 1073741824 : i32
    %broadcast_in_dim3A_5 = vector.broadcast %broadcast_in_dim3A_4 : i32 to vector<16xi32>
    %mul3A_6 = arith.constant 64 : i32
    %mul3A_7 = arith.muli %add3A, %mul3A_6 : i32
    %add3A_8 = arith.constant 0 : i32
    %add3A_9 = arith.addi %mul3A_7, %add3A_8 : i32
    %min3A = arith.constant 2047 : i32
    %min3A_10 = arith.minsi %add3A_9, %min3A : i32
    %mul3A_11 = arith.constant 16384 : i32
    %mul3A_12 = arith.muli %min3A_10, %mul3A_11 : i32
    %dma_start3A = tpu.memref_slice %arg2[%mul3A_12] : memref<33554432xf32, #tpu.memory_space<hbm>> -> memref<16384xf32, #tpu.memory_space<hbm>>
    %dma_start3A_13 = tpu.memref_slice %arg2[%mul3A_12] : memref<33554432xf32, #tpu.memory_space<hbm>> -> memref<16384xf32, #tpu.memory_space<hbm>>
    tpu.enqueue_dma source(%dma_start3A_13 : memref<16384xf32, #tpu.memory_space<hbm>>) target(%arg4 : memref<16384xf32, #tpu.memory_space<vmem>>) target_semaphore(%arg9 : memref<!tpu.dma_semaphore, #tpu.memory_space<semaphore_mem>>)
    %add3A_14 = arith.constant 1 : i32
    %add3A_15 = arith.addi %mul3A_7, %add3A_14 : i32
    %min3A_16 = arith.constant 2047 : i32
    %min3A_17 = arith.minsi %add3A_15, %min3A_16 : i32
    %mul3A_18 = arith.constant 16384 : i32
    %mul3A_19 = arith.muli %min3A_17, %mul3A_18 : i32
    %dma_start3A_20 = tpu.memref_slice %arg2[%mul3A_19] : memref<33554432xf32, #tpu.memory_space<hbm>> -> memref<16384xf32, #tpu.memory_space<hbm>>
    %dma_start3A_21 = tpu.memref_slice %arg2[%mul3A_19] : memref<33554432xf32, #tpu.memory_space<hbm>> -> memref<16384xf32, #tpu.memory_space<hbm>>
    tpu.enqueue_dma source(%dma_start3A_21 : memref<16384xf32, #tpu.memory_space<hbm>>) target(%arg5 : memref<16384xf32, #tpu.memory_space<vmem>>) target_semaphore(%arg10 : memref<!tpu.dma_semaphore, #tpu.memory_space<semaphore_mem>>)
    %scan3A = arith.constant 0 : i32
    %scan3A_22 = arith.constant 0 : i32
    %scan3A_23 = arith.constant 32 : i32
    %scan3A_24 = arith.addi %scan3A_22, %scan3A_23 : i32
    %scan3A_25 = arith.constant 1 : i32
    %scan3A_26 = scf.for %scan3A_45 = %scan3A_22 to %scan3A_24 step %scan3A_25 iter_args(%scan3A_46 = %scan3A) -> (i32)  : i32 {
      %mul3A_47 = arith.constant 2 : i32
      %mul3A_48 = arith.muli %mul3A_47, %scan3A_45 : i32
      %add3A_49 = arith.addi %mul3A_7, %mul3A_48 : i32
      %min3A_50 = arith.constant 2047 : i32
      %min3A_51 = arith.minsi %add3A_49, %min3A_50 : i32
      %mul3A_52 = arith.constant 16384 : i32
      %mul3A_53 = arith.muli %min3A_51, %mul3A_52 : i32
      %dma_wait3A_54 = tpu.memref_slice %arg2[%mul3A_53] : memref<33554432xf32, #tpu.memory_space<hbm>> -> memref<16384xf32, #tpu.memory_space<hbm>>
      %dma_wait3A_55 = tpu.memref_slice %arg2[%mul3A_53] : memref<33554432xf32, #tpu.memory_space<hbm>> -> memref<16384xf32, #tpu.memory_space<hbm>>
      tpu.wait_dma2 semaphore(%arg9 : memref<!tpu.dma_semaphore, #tpu.memory_space<semaphore_mem>>) src(%dma_wait3A_55 : memref<16384xf32, #tpu.memory_space<hbm>>) dst(%arg4 : memref<16384xf32, #tpu.memory_space<vmem>>)
      %scan3A_56 = arith.constant 0 : i32
      %scan3A_57 = arith.constant 1024 : i32
      %scan3A_58 = arith.addi %scan3A_56, %scan3A_57 : i32
      %scan3A_59 = arith.constant 16 : i32
      %scan3A_60:2 = scf.for %scan3A_421 = %scan3A_56 to %scan3A_58 step %scan3A_59 iter_args(%scan3A_422 = %broadcast_in_dim3A_3, %scan3A_423 = %broadcast_in_dim3A_3) -> (vector<16xf32>, vector<16xf32>)  : i32 {
        %mul3A_424 = arith.constant 16 : i32
        %mul3A_425 = arith.muli %scan3A_421, %mul3A_424 : i32
        %get3A = arith.index_cast %mul3A_425 : i32 to index
        %get3A_426 = tpu.vector_load %arg4[%get3A] {strides = array<i32>} : memref<16384xf32, #tpu.memory_space<vmem>>, vector<16xf32>,
        %max3A = arith.maximumf %scan3A_422, %get3A_426 : vector<16xf32>
        %min3A_427 = arith.minimumf %scan3A_422, %get3A_426 : vector<16xf32>
        %min3A_428 = arith.minimumf %scan3A_423, %max3A : vector<16xf32>
        %scan3A_429 = arith.constant 1 : i32
        %scan3A_430 = arith.addi %scan3A_421, %scan3A_429 : i32
        %mul3A_431 = arith.constant 16 : i32
        %mul3A_432 = arith.muli %scan3A_430, %mul3A_431 : i32
        %get3A_433 = arith.index_cast %mul3A_432 : i32 to index
        %get3A_434 = tpu.vector_load %arg4[%get3A_433] {strides = array<i32>} : memref<16384xf32, #tpu.memory_space<vmem>>, vector<16xf32>,
        %max3A_435 = arith.maximumf %min3A_427, %get3A_434 : vector<16xf32>
        %min3A_436 = arith.minimumf %min3A_427, %get3A_434 : vector<16xf32>
        %min3A_437 = arith.minimumf %min3A_428, %max3A_435 : vector<16xf32>
        %scan3A_438 = arith.constant 2 : i32
        %scan3A_439 = arith.addi %scan3A_421, %scan3A_438 : i32
        %mul3A_440 = arith.constant 16 : i32
        %mul3A_441 = arith.muli %scan3A_439, %mul3A_440 : i32
        %get3A_442 = arith.index_cast %mul3A_441 : i32 to index
        %get3A_443 = tpu.vector_load %arg4[%get3A_442] {strides = array<i32>} : memref<16384xf32, #tpu.memory_space<vmem>>, vector<16xf32>,
        %max3A_444 = arith.maximumf %min3A_436, %get3A_443 : vector<16xf32>
        %min3A_445 = arith.minimumf %min3A_436, %get3A_443 : vector<16xf32>
        %min3A_446 = arith.minimumf %min3A_437, %max3A_444 : vector<16xf32>
        %scan3A_447 = arith.constant 3 : i32
        %scan3A_448 = arith.addi %scan3A_421, %scan3A_447 : i32
        %mul3A_449 = arith.constant 16 : i32
        %mul3A_450 = arith.muli %scan3A_448, %mul3A_449 : i32
        %get3A_451 = arith.index_cast %mul3A_450 : i32 to index
        %get3A_452 = tpu.vector_load %arg4[%get3A_451] {strides = array<i32>} : memref<16384xf32, #tpu.memory_space<vmem>>, vector<16xf32>,
        %max3A_453 = arith.maximumf %min3A_445, %get3A_452 : vector<16xf32>
        %min3A_454 = arith.minimumf %min3A_445, %get3A_452 : vector<16xf32>
        %min3A_455 = arith.minimumf %min3A_446, %max3A_453 : vector<16xf32>
        %scan3A_456 = arith.constant 4 : i32
        %scan3A_457 = arith.addi %scan3A_421, %scan3A_456 : i32
        %mul3A_458 = arith.constant 16 : i32
        %mul3A_459 = arith.muli %scan3A_457, %mul3A_458 : i32
        %get3A_460 = arith.index_cast %mul3A_459 : i32 to index
        %get3A_461 = tpu.vector_load %arg4[%get3A_460] {strides = array<i32>} : memref<16384xf32, #tpu.memory_space<vmem>>, vector<16xf32>,
        %max3A_462 = arith.maximumf %min3A_454, %get3A_461 : vector<16xf32>
        %min3A_463 = arith.minimumf %min3A_454, %get3A_461 : vector<16xf32>
        %min3A_464 = arith.minimumf %min3A_455, %max3A_462 : vector<16xf32>
        %scan3A_465 = arith.constant 5 : i32
        %scan3A_466 = arith.addi %scan3A_421, %scan3A_465 : i32
        %mul3A_467 = arith.constant 16 : i32
        %mul3A_468 = arith.muli %scan3A_466, %mul3A_467 : i32
        %get3A_469 = arith.index_cast %mul3A_468 : i32 to index
        %get3A_470 = tpu.vector_load %arg4[%get3A_469] {strides = array<i32>} : memref<16384xf32, #tpu.memory_space<vmem>>, vector<16xf32>,
        %max3A_471 = arith.maximumf %min3A_463, %get3A_470 : vector<16xf32>
        %min3A_472 = arith.minimumf %min3A_463, %get3A_470 : vector<16xf32>
        %min3A_473 = arith.minimumf %min3A_464, %max3A_471 : vector<16xf32>
        %scan3A_474 = arith.constant 6 : i32
        %scan3A_475 = arith.addi %scan3A_421, %scan3A_474 : i32
        %mul3A_476 = arith.constant 16 : i32
        %mul3A_477 = arith.muli %scan3A_475, %mul3A_476 : i32
        %get3A_478 = arith.index_cast %mul3A_477 : i32 to index
        %get3A_479 = tpu.vector_load %arg4[%get3A_478] {strides = array<i32>} : memref<16384xf32, #tpu.memory_space<vmem>>, vector<16xf32>,
        %max3A_480 = arith.maximumf %min3A_472, %get3A_479 : vector<16xf32>
        %min3A_481 = arith.minimumf %min3A_472, %get3A_479 : vector<16xf32>
        %min3A_482 = arith.minimumf %min3A_473, %max3A_480 : vector<16xf32>
        %scan3A_483 = arith.constant 7 : i32
        %scan3A_484 = arith.addi %scan3A_421, %scan3A_483 : i32
        %mul3A_485 = arith.constant 16 : i32
        %mul3A_486 = arith.muli %scan3A_484, %mul3A_485 : i32
        %get3A_487 = arith.index_cast %mul3A_486 : i32 to index
        %get3A_488 = tpu.vector_load %arg4[%get3A_487] {strides = array<i32>} : memref<16384xf32, #tpu.memory_space<vmem>>, vector<16xf32>,
        %max3A_489 = arith.maximumf %min3A_481, %get3A_488 : vector<16xf32>
        %min3A_490 = arith.minimumf %min3A_481, %get3A_488 : vector<16xf32>
        %min3A_491 = arith.minimumf %min3A_482, %max3A_489 : vector<16xf32>
        %scan3A_492 = arith.constant 8 : i32
        %scan3A_493 = arith.addi %scan3A_421, %scan3A_492 : i32
        %mul3A_494 = arith.constant 16 : i32
        %mul3A_495 = arith.muli %scan3A_493, %mul3A_494 : i32
        %get3A_496 = arith.index_cast %mul3A_495 : i32 to index
        %get3A_497 = tpu.vector_load %arg4[%get3A_496] {strides = array<i32>} : memref<16384xf32, #tpu.memory_space<vmem>>, vector<16xf32>,
        %max3A_498 = arith.maximumf %min3A_490, %get3A_497 : vector<16xf32>
        %min3A_499 = arith.minimumf %min3A_490, %get3A_497 : vector<16xf32>
        %min3A_500 = arith.minimumf %min3A_491, %max3A_498 : vector<16xf32>
        %scan3A_501 = arith.constant 9 : i32
        %scan3A_502 = arith.addi %scan3A_421, %scan3A_501 : i32
        %mul3A_503 = arith.constant 16 : i32
        %mul3A_504 = arith.muli %scan3A_502, %mul3A_503 : i32
        %get3A_505 = arith.index_cast %mul3A_504 : i32 to index
        %get3A_506 = tpu.vector_load %arg4[%get3A_505] {strides = array<i32>} : memref<16384xf32, #tpu.memory_space<vmem>>, vector<16xf32>,
        %max3A_507 = arith.maximumf %min3A_499, %get3A_506 : vector<16xf32>
        %min3A_508 = arith.minimumf %min3A_499, %get3A_506 : vector<16xf32>
        %min3A_509 = arith.minimumf %min3A_500, %max3A_507 : vector<16xf32>
        %scan3A_510 = arith.constant 10 : i32
        %scan3A_511 = arith.addi %scan3A_421, %scan3A_510 : i32
        %mul3A_512 = arith.constant 16 : i32
        %mul3A_513 = arith.muli %scan3A_511, %mul3A_512 : i32
        %get3A_514 = arith.index_cast %mul3A_513 : i32 to index
        %get3A_515 = tpu.vector_load %arg4[%get3A_514] {strides = array<i32>} : memref<16384xf32, #tpu.memory_space<vmem>>, vector<16xf32>,
        %max3A_516 = arith.maximumf %min3A_508, %get3A_515 : vector<16xf32>
        %min3A_517 = arith.minimumf %min3A_508, %get3A_515 : vector<16xf32>
        %min3A_518 = arith.minimumf %min3A_509, %max3A_516 : vector<16xf32>
        %scan3A_519 = arith.constant 11 : i32
        %scan3A_520 = arith.addi %scan3A_421, %scan3A_519 : i32
        %mul3A_521 = arith.constant 16 : i32
        %mul3A_522 = arith.muli %scan3A_520, %mul3A_521 : i32
        %get3A_523 = arith.index_cast %mul3A_522 : i32 to index
        %get3A_524 = tpu.vector_load %arg4[%get3A_523] {strides = array<i32>} : memref<16384xf32, #tpu.memory_space<vmem>>, vector<16xf32>,
        %max3A_525 = arith.maximumf %min3A_517, %get3A_524 : vector<16xf32>
        %min3A_526 = arith.minimumf %min3A_517, %get3A_524 : vector<16xf32>
        %min3A_527 = arith.minimumf %min3A_518, %max3A_525 : vector<16xf32>
        %scan3A_528 = arith.constant 12 : i32
        %scan3A_529 = arith.addi %scan3A_421, %scan3A_528 : i32
        %mul3A_530 = arith.constant 16 : i32
        %mul3A_531 = arith.muli %scan3A_529, %mul3A_530 : i32
        %get3A_532 = arith.index_cast %mul3A_531 : i32 to index
        %get3A_533 = tpu.vector_load %arg4[%get3A_532] {strides = array<i32>} : memref<16384xf32, #tpu.memory_space<vmem>>, vector<16xf32>,
        %max3A_534 = arith.maximumf %min3A_526, %get3A_533 : vector<16xf32>
        %min3A_535 = arith.minimumf %min3A_526, %get3A_533 : vector<16xf32>
        %min3A_536 = arith.minimumf %min3A_527, %max3A_534 : vector<16xf32>
        %scan3A_537 = arith.constant 13 : i32
        %scan3A_538 = arith.addi %scan3A_421, %scan3A_537 : i32
        %mul3A_539 = arith.constant 16 : i32
        %mul3A_540 = arith.muli %scan3A_538, %mul3A_539 : i32
        %get3A_541 = arith.index_cast %mul3A_540 : i32 to index
        %get3A_542 = tpu.vector_load %arg4[%get3A_541] {strides = array<i32>} : memref<16384xf32, #tpu.memory_space<vmem>>, vector<16xf32>,
        %max3A_543 = arith.maximumf %min3A_535, %get3A_542 : vector<16xf32>
        %min3A_544 = arith.minimumf %min3A_535, %get3A_542 : vector<16xf32>
        %min3A_545 = arith.minimumf %min3A_536, %max3A_543 : vector<16xf32>
        %scan3A_546 = arith.constant 14 : i32
        %scan3A_547 = arith.addi %scan3A_421, %scan3A_546 : i32
        %mul3A_548 = arith.constant 16 : i32
        %mul3A_549 = arith.muli %scan3A_547, %mul3A_548 : i32
        %get3A_550 = arith.index_cast %mul3A_549 : i32 to index
        %get3A_551 = tpu.vector_load %arg4[%get3A_550] {strides = array<i32>} : memref<16384xf32, #tpu.memory_space<vmem>>, vector<16xf32>,
        %max3A_552 = arith.maximumf %min3A_544, %get3A_551 : vector<16xf32>
        %min3A_553 = arith.minimumf %min3A_544, %get3A_551 : vector<16xf32>
        %min3A_554 = arith.minimumf %min3A_545, %max3A_552 : vector<16xf32>
        %scan3A_555 = arith.constant 15 : i32
        %scan3A_556 = arith.addi %scan3A_421, %scan3A_555 : i32
        %mul3A_557 = arith.constant 16 : i32
        %mul3A_558 = arith.muli %scan3A_556, %mul3A_557 : i32
        %get3A_559 = arith.index_cast %mul3A_558 : i32 to index
        %get3A_560 = tpu.vector_load %arg4[%get3A_559] {strides = array<i32>} : memref<16384xf32, #tpu.memory_space<vmem>>, vector<16xf32>,
        %max3A_561 = arith.maximumf %min3A_553, %get3A_560 : vector<16xf32>
        %min3A_562 = arith.minimumf %min3A_553, %get3A_560 : vector<16xf32>
        %min3A_563 = arith.minimumf %min3A_554, %max3A_561 : vector<16xf32>
        scf.yield %min3A_562, %min3A_563 : vector<16xf32>, vector<16xf32>
      }
      %scan3A_61 = arith.constant 1024 : i32
      %reduce_max3A = arith.constant true
      %reduce_max3A_62 = vector.broadcast %reduce_max3A : i1 to vector<16xi1>
      %reduce_max3A_63 = tpu.scan <max>, %scan3A_60#1 masked %reduce_max3A_62 : vector<16xf32>, vector<16xi1> -> vector<16xf32>
      %reduce_max3A_64 = vector.extract %reduce_max3A_63[15] : f32 from vector<16xf32>
      %broadcast_in_dim3A_65 = vector.broadcast %reduce_max3A_64 : f32 to vector<16xf32>
      %swap3A = arith.constant 0 : index
      %swap3A_66 = tpu.vector_load %arg6[%swap3A] {strides = array<i32>} : memref<1024xf32, #tpu.memory_space<vmem>>, vector<16xf32>,
      tpu.vector_store %arg6[%swap3A], %broadcast_in_dim3A_3 {strides = array<i32>} : memref<1024xf32, #tpu.memory_space<vmem>>, vector<16xf32>,
      %swap3A_67 = arith.constant 16 : index
      %swap3A_68 = tpu.vector_load %arg6[%swap3A_67] {strides = array<i32>} : memref<1024xf32, #tpu.memory_space<vmem>>, vector<16xf32>,
      tpu.vector_store %arg6[%swap3A_67], %broadcast_in_dim3A_3 {strides = array<i32>} : memref<1024xf32, #tpu.memory_space<vmem>>, vector<16xf32>,
      %swap3A_69 = arith.constant 32 : index
      %swap3A_70 = tpu.vector_load %arg6[%swap3A_69] {strides = array<i32>} : memref<1024xf32, #tpu.memory_space<vmem>>, vector<16xf32>,
      tpu.vector_store %arg6[%swap3A_69], %broadcast_in_dim3A_3 {strides = array<i32>} : memref<1024xf32, #tpu.memory_space<vmem>>, vector<16xf32>,
      %swap3A_71 = arith.constant 48 : index
      %swap3A_72 = tpu.vector_load %arg6[%swap3A_71] {strides = array<i32>} : memref<1024xf32, #tpu.memory_space<vmem>>, vector<16xf32>,
      tpu.vector_store %arg6[%swap3A_71], %broadcast_in_dim3A_3 {strides = array<i32>} : memref<1024xf32, #tpu.memory_space<vmem>>, vector<16xf32>,
      %swap3A_73 = arith.constant 64 : index
      %swap3A_74 = tpu.vector_load %arg6[%swap3A_73] {strides = array<i32>} : memref<1024xf32, #tpu.memory_space<vmem>>, vector<16xf32>,
      tpu.vector_store %arg6[%swap3A_73], %broadcast_in_dim3A_3 {strides = array<i32>} : memref<1024xf32, #tpu.memory_space<vmem>>, vector<16xf32>,
      %swap3A_75 = arith.constant 80 : index
      %swap3A_76 = tpu.vector_load %arg6[%swap3A_75] {strides = array<i32>} : memref<1024xf32, #tpu.memory_space<vmem>>, vector<16xf32>,
      tpu.vector_store %arg6[%swap3A_75], %broadcast_in_dim3A_3 {strides = array<i32>} : memref<1024xf32, #tpu.memory_space<vmem>>, vector<16xf32>,
      %swap3A_77 = arith.constant 96 : index
      %swap3A_78 = tpu.vector_load %arg6[%swap3A_77] {strides = array<i32>} : memref<1024xf32, #tpu.memory_space<vmem>>, vector<16xf32>,
      tpu.vector_store %arg6[%swap3A_77], %broadcast_in_dim3A_3 {strides = array<i32>} : memref<1024xf32, #tpu.memory_space<vmem>>, vector<16xf32>,
      %swap3A_79 = arith.constant 112 : index
      %swap3A_80 = tpu.vector_load %arg6[%swap3A_79] {strides = array<i32>} : memref<1024xf32, #tpu.memory_space<vmem>>, vector<16xf32>,
      tpu.vector_store %arg6[%swap3A_79], %broadcast_in_dim3A_3 {strides = array<i32>} : memref<1024xf32, #tpu.memory_space<vmem>>, vector<16xf32>,
      %swap3A_81 = arith.constant 128 : index
      %swap3A_82 = tpu.vector_load %arg6[%swap3A_81] {strides = array<i32>} : memref<1024xf32, #tpu.memory_space<vmem>>, vector<16xf32>,
      tpu.vector_store %arg6[%swap3A_81], %broadcast_in_dim3A_3 {strides = array<i32>} : memref<1024xf32, #tpu.memory_space<vmem>>, vector<16xf32>,
      %swap3A_83 = arith.constant 144 : index
      %swap3A_84 = tpu.vector_load %arg6[%swap3A_83] {strides = array<i32>} : memref<1024xf32, #tpu.memory_space<vmem>>, vector<16xf32>,
      tpu.vector_store %arg6[%swap3A_83], %broadcast_in_dim3A_3 {strides = array<i32>} : memref<1024xf32, #tpu.memory_space<vmem>>, vector<16xf32>,
      %swap3A_85 = arith.constant 160 : index
      %swap3A_86 = tpu.vector_load %arg6[%swap3A_85] {strides = array<i32>} : memref<1024xf32, #tpu.memory_space<vmem>>, vector<16xf32>,
      tpu.vector_store %arg6[%swap3A_85], %broadcast_in_dim3A_3 {strides = array<i32>} : memref<1024xf32, #tpu.memory_space<vmem>>, vector<16xf32>,
      %swap3A_87 = arith.constant 176 : index
      %swap3A_88 = tpu.vector_load %arg6[%swap3A_87] {strides = array<i32>} : memref<1024xf32, #tpu.memory_space<vmem>>, vector<16xf32>,
      tpu.vector_store %arg6[%swap3A_87], %broadcast_in_dim3A_3 {strides = array<i32>} : memref<1024xf32, #tpu.memory_space<vmem>>, vector<16xf32>,
      %swap3A_89 = arith.constant 192 : index
      %swap3A_90 = tpu.vector_load %arg6[%swap3A_89] {strides = array<i32>} : memref<1024xf32, #tpu.memory_space<vmem>>, vector<16xf32>,
      tpu.vector_store %arg6[%swap3A_89], %broadcast_in_dim3A_3 {strides = array<i32>} : memref<1024xf32, #tpu.memory_space<vmem>>, vector<16xf32>,
      %swap3A_91 = arith.constant 208 : index
      %swap3A_92 = tpu.vector_load %arg6[%swap3A_91] {strides = array<i32>} : memref<1024xf32, #tpu.memory_space<vmem>>, vector<16xf32>,
      tpu.vector_store %arg6[%swap3A_91], %broadcast_in_dim3A_3 {strides = array<i32>} : memref<1024xf32, #tpu.memory_space<vmem>>, vector<16xf32>,
      %swap3A_93 = arith.constant 224 : index
      %swap3A_94 = tpu.vector_load %arg6[%swap3A_93] {strides = array<i32>} : memref<1024xf32, #tpu.memory_space<vmem>>, vector<16xf32>,
      tpu.vector_store %arg6[%swap3A_93], %broadcast_in_dim3A_3 {strides = array<i32>} : memref<1024xf32, #tpu.memory_space<vmem>>, vector<16xf32>,
      %swap3A_95 = arith.constant 240 : index
      %swap3A_96 = tpu.vector_load %arg6[%swap3A_95] {strides = array<i32>} : memref<1024xf32, #tpu.memory_space<vmem>>, vector<16xf32>,
      tpu.vector_store %arg6[%swap3A_95], %broadcast_in_dim3A_3 {strides = array<i32>} : memref<1024xf32, #tpu.memory_space<vmem>>, vector<16xf32>,
      %swap3A_97 = arith.constant 256 : index
      %swap3A_98 = tpu.vector_load %arg6[%swap3A_97] {strides = array<i32>} : memref<1024xf32, #tpu.memory_space<vmem>>, vector<16xf32>,
      tpu.vector_store %arg6[%swap3A_97], %broadcast_in_dim3A_3 {strides = array<i32>} : memref<1024xf32, #tpu.memory_space<vmem>>, vector<16xf32>,
      %swap3A_99 = arith.constant 272 : index
      %swap3A_100 = tpu.vector_load %arg6[%swap3A_99] {strides = array<i32>} : memref<1024xf32, #tpu.memory_space<vmem>>, vector<16xf32>,
      tpu.vector_store %arg6[%swap3A_99], %broadcast_in_dim3A_3 {strides = array<i32>} : memref<1024xf32, #tpu.memory_space<vmem>>, vector<16xf32>,
      %swap3A_101 = arith.constant 288 : index
      %swap3A_102 = tpu.vector_load %arg6[%swap3A_101] {strides = array<i32>} : memref<1024xf32, #tpu.memory_space<vmem>>, vector<16xf32>,
      tpu.vector_store %arg6[%swap3A_101], %broadcast_in_dim3A_3 {strides = array<i32>} : memref<1024xf32, #tpu.memory_space<vmem>>, vector<16xf32>,
      %swap3A_103 = arith.constant 304 : index
      %swap3A_104 = tpu.vector_load %arg6[%swap3A_103] {strides = array<i32>} : memref<1024xf32, #tpu.memory_space<vmem>>, vector<16xf32>,
      tpu.vector_store %arg6[%swap3A_103], %broadcast_in_dim3A_3 {strides = array<i32>} : memref<1024xf32, #tpu.memory_space<vmem>>, vector<16xf32>,
      %swap3A_105 = arith.constant 320 : index
      %swap3A_106 = tpu.vector_load %arg6[%swap3A_105] {strides = array<i32>} : memref<1024xf32, #tpu.memory_space<vmem>>, vector<16xf32>,
      tpu.vector_store %arg6[%swap3A_105], %broadcast_in_dim3A_3 {strides = array<i32>} : memref<1024xf32, #tpu.memory_space<vmem>>, vector<16xf32>,
      %swap3A_107 = arith.constant 336 : index
      %swap3A_108 = tpu.vector_load %arg6[%swap3A_107] {strides = array<i32>} : memref<1024xf32, #tpu.memory_space<vmem>>, vector<16xf32>,
      tpu.vector_store %arg6[%swap3A_107], %broadcast_in_dim3A_3 {strides = array<i32>} : memref<1024xf32, #tpu.memory_space<vmem>>, vector<16xf32>,
      %swap3A_109 = arith.constant 352 : index
      %swap3A_110 = tpu.vector_load %arg6[%swap3A_109] {strides = array<i32>} : memref<1024xf32, #tpu.memory_space<vmem>>, vector<16xf32>,
      tpu.vector_store %arg6[%swap3A_109], %broadcast_in_dim3A_3 {strides = array<i32>} : memref<1024xf32, #tpu.memory_space<vmem>>, vector<16xf32>,
      %swap3A_111 = arith.constant 368 : index
      %swap3A_112 = tpu.vector_load %arg6[%swap3A_111] {strides = array<i32>} : memref<1024xf32, #tpu.memory_space<vmem>>, vector<16xf32>,
      tpu.vector_store %arg6[%swap3A_111], %broadcast_in_dim3A_3 {strides = array<i32>} : memref<1024xf32, #tpu.memory_space<vmem>>, vector<16xf32>,
      %swap3A_113 = arith.constant 384 : index
      %swap3A_114 = tpu.vector_load %arg6[%swap3A_113] {strides = array<i32>} : memref<1024xf32, #tpu.memory_space<vmem>>, vector<16xf32>,
      tpu.vector_store %arg6[%swap3A_113], %broadcast_in_dim3A_3 {strides = array<i32>} : memref<1024xf32, #tpu.memory_space<vmem>>, vector<16xf32>,
      %swap3A_115 = arith.constant 400 : index
      %swap3A_116 = tpu.vector_load %arg6[%swap3A_115] {strides = array<i32>} : memref<1024xf32, #tpu.memory_space<vmem>>, vector<16xf32>,
      tpu.vector_store %arg6[%swap3A_115], %broadcast_in_dim3A_3 {strides = array<i32>} : memref<1024xf32, #tpu.memory_space<vmem>>, vector<16xf32>,
      %swap3A_117 = arith.constant 416 : index
      %swap3A_118 = tpu.vector_load %arg6[%swap3A_117] {strides = array<i32>} : memref<1024xf32, #tpu.memory_space<vmem>>, vector<16xf32>,
      tpu.vector_store %arg6[%swap3A_117], %broadcast_in_dim3A_3 {strides = array<i32>} : memref<1024xf32, #tpu.memory_space<vmem>>, vector<16xf32>,
      %swap3A_119 = arith.constant 432 : index
      %swap3A_120 = tpu.vector_load %arg6[%swap3A_119] {strides = array<i32>} : memref<1024xf32, #tpu.memory_space<vmem>>, vector<16xf32>,
      tpu.vector_store %arg6[%swap3A_119], %broadcast_in_dim3A_3 {strides = array<i32>} : memref<1024xf32, #tpu.memory_space<vmem>>, vector<16xf32>,
      %swap3A_121 = arith.constant 448 : index
      %swap3A_122 = tpu.vector_load %arg6[%swap3A_121] {strides = array<i32>} : memref<1024xf32, #tpu.memory_space<vmem>>, vector<16xf32>,
      tpu.vector_store %arg6[%swap3A_121], %broadcast_in_dim3A_3 {strides = array<i32>} : memref<1024xf32, #tpu.memory_space<vmem>>, vector<16xf32>,
      %swap3A_123 = arith.constant 464 : index
      %swap3A_124 = tpu.vector_load %arg6[%swap3A_123] {strides = array<i32>} : memref<1024xf32, #tpu.memory_space<vmem>>, vector<16xf32>,
      tpu.vector_store %arg6[%swap3A_123], %broadcast_in_dim3A_3 {strides = array<i32>} : memref<1024xf32, #tpu.memory_space<vmem>>, vector<16xf32>,
      %swap3A_125 = arith.constant 480 : index
      %swap3A_126 = tpu.vector_load %arg6[%swap3A_125] {strides = array<i32>} : memref<1024xf32, #tpu.memory_space<vmem>>, vector<16xf32>,
      tpu.vector_store %arg6[%swap3A_125], %broadcast_in_dim3A_3 {strides = array<i32>} : memref<1024xf32, #tpu.memory_space<vmem>>, vector<16xf32>,
      %swap3A_127 = arith.constant 496 : index
      %swap3A_128 = tpu.vector_load %arg6[%swap3A_127] {strides = array<i32>} : memref<1024xf32, #tpu.memory_space<vmem>>, vector<16xf32>,
      tpu.vector_store %arg6[%swap3A_127], %broadcast_in_dim3A_3 {strides = array<i32>} : memref<1024xf32, #tpu.memory_space<vmem>>, vector<16xf32>,
      %swap3A_129 = arith.constant 512 : index
      %swap3A_130 = tpu.vector_load %arg6[%swap3A_129] {strides = array<i32>} : memref<1024xf32, #tpu.memory_space<vmem>>, vector<16xf32>,
      tpu.vector_store %arg6[%swap3A_129], %broadcast_in_dim3A_3 {strides = array<i32>} : memref<1024xf32, #tpu.memory_space<vmem>>, vector<16xf32>,
      %swap3A_131 = arith.constant 528 : index
      %swap3A_132 = tpu.vector_load %arg6[%swap3A_131] {strides = array<i32>} : memref<1024xf32, #tpu.memory_space<vmem>>, vector<16xf32>,
      tpu.vector_store %arg6[%swap3A_131], %broadcast_in_dim3A_3 {strides = array<i32>} : memref<1024xf32, #tpu.memory_space<vmem>>, vector<16xf32>,
      %swap3A_133 = arith.constant 544 : index
      %swap3A_134 = tpu.vector_load %arg6[%swap3A_133] {strides = array<i32>} : memref<1024xf32, #tpu.memory_space<vmem>>, vector<16xf32>,
      tpu.vector_store %arg6[%swap3A_133], %broadcast_in_dim3A_3 {strides = array<i32>} : memref<1024xf32, #tpu.memory_space<vmem>>, vector<16xf32>,
      %swap3A_135 = arith.constant 560 : index
      %swap3A_136 = tpu.vector_load %arg6[%swap3A_135] {strides = array<i32>} : memref<1024xf32, #tpu.memory_space<vmem>>, vector<16xf32>,
      tpu.vector_store %arg6[%swap3A_135], %broadcast_in_dim3A_3 {strides = array<i32>} : memref<1024xf32, #tpu.memory_space<vmem>>, vector<16xf32>,
      %swap3A_137 = arith.constant 576 : index
      %swap3A_138 = tpu.vector_load %arg6[%swap3A_137] {strides = array<i32>} : memref<1024xf32, #tpu.memory_space<vmem>>, vector<16xf32>,
      tpu.vector_store %arg6[%swap3A_137], %broadcast_in_dim3A_3 {strides = array<i32>} : memref<1024xf32, #tpu.memory_space<vmem>>, vector<16xf32>,
      %swap3A_139 = arith.constant 592 : index
      %swap3A_140 = tpu.vector_load %arg6[%swap3A_139] {strides = array<i32>} : memref<1024xf32, #tpu.memory_space<vmem>>, vector<16xf32>,
      tpu.vector_store %arg6[%swap3A_139], %broadcast_in_dim3A_3 {strides = array<i32>} : memref<1024xf32, #tpu.memory_space<vmem>>, vector<16xf32>,
      %swap3A_141 = arith.constant 608 : index
      %swap3A_142 = tpu.vector_load %arg6[%swap3A_141] {strides = array<i32>} : memref<1024xf32, #tpu.memory_space<vmem>>, vector<16xf32>,
      tpu.vector_store %arg6[%swap3A_141], %broadcast_in_dim3A_3 {strides = array<i32>} : memref<1024xf32, #tpu.memory_space<vmem>>, vector<16xf32>,
      %swap3A_143 = arith.constant 624 : index
      %swap3A_144 = tpu.vector_load %arg6[%swap3A_143] {strides = array<i32>} : memref<1024xf32, #tpu.memory_space<vmem>>, vector<16xf32>,
      tpu.vector_store %arg6[%swap3A_143], %broadcast_in_dim3A_3 {strides = array<i32>} : memref<1024xf32, #tpu.memory_space<vmem>>, vector<16xf32>,
      %swap3A_145 = arith.constant 640 : index
      %swap3A_146 = tpu.vector_load %arg6[%swap3A_145] {strides = array<i32>} : memref<1024xf32, #tpu.memory_space<vmem>>, vector<16xf32>,
      tpu.vector_store %arg6[%swap3A_145], %broadcast_in_dim3A_3 {strides = array<i32>} : memref<1024xf32, #tpu.memory_space<vmem>>, vector<16xf32>,
      %swap3A_147 = arith.constant 656 : index
      %swap3A_148 = tpu.vector_load %arg6[%swap3A_147] {strides = array<i32>} : memref<1024xf32, #tpu.memory_space<vmem>>, vector<16xf32>,
      tpu.vector_store %arg6[%swap3A_147], %broadcast_in_dim3A_3 {strides = array<i32>} : memref<1024xf32, #tpu.memory_space<vmem>>, vector<16xf32>,
      %swap3A_149 = arith.constant 672 : index
      %swap3A_150 = tpu.vector_load %arg6[%swap3A_149] {strides = array<i32>} : memref<1024xf32, #tpu.memory_space<vmem>>, vector<16xf32>,
      tpu.vector_store %arg6[%swap3A_149], %broadcast_in_dim3A_3 {strides = array<i32>} : memref<1024xf32, #tpu.memory_space<vmem>>, vector<16xf32>,
      %swap3A_151 = arith.constant 688 : index
      %swap3A_152 = tpu.vector_load %arg6[%swap3A_151] {strides = array<i32>} : memref<1024xf32, #tpu.memory_space<vmem>>, vector<16xf32>,
      tpu.vector_store %arg6[%swap3A_151], %broadcast_in_dim3A_3 {strides = array<i32>} : memref<1024xf32, #tpu.memory_space<vmem>>, vector<16xf32>,
      %swap3A_153 = arith.constant 704 : index
      %swap3A_154 = tpu.vector_load %arg6[%swap3A_153] {strides = array<i32>} : memref<1024xf32, #tpu.memory_space<vmem>>, vector<16xf32>,
      tpu.vector_store %arg6[%swap3A_153], %broadcast_in_dim3A_3 {strides = array<i32>} : memref<1024xf32, #tpu.memory_space<vmem>>, vector<16xf32>,
      %swap3A_155 = arith.constant 720 : index
      %swap3A_156 = tpu.vector_load %arg6[%swap3A_155] {strides = array<i32>} : memref<1024xf32, #tpu.memory_space<vmem>>, vector<16xf32>,
      tpu.vector_store %arg6[%swap3A_155], %broadcast_in_dim3A_3 {strides = array<i32>} : memref<1024xf32, #tpu.memory_space<vmem>>, vector<16xf32>,
      %swap3A_157 = arith.constant 736 : index
      %swap3A_158 = tpu.vector_load %arg6[%swap3A_157] {strides = array<i32>} : memref<1024xf32, #tpu.memory_space<vmem>>, vector<16xf32>,
      tpu.vector_store %arg6[%swap3A_157], %broadcast_in_dim3A_3 {strides = array<i32>} : memref<1024xf32, #tpu.memory_space<vmem>>, vector<16xf32>,
      %swap3A_159 = arith.constant 752 : index
      %swap3A_160 = tpu.vector_load %arg6[%swap3A_159] {strides = array<i32>} : memref<1024xf32, #tpu.memory_space<vmem>>, vector<16xf32>,
      tpu.vector_store %arg6[%swap3A_159], %broadcast_in_dim3A_3 {strides = array<i32>} : memref<1024xf32, #tpu.memory_space<vmem>>, vector<16xf32>,
      %swap3A_161 = arith.constant 768 : index
      %swap3A_162 = tpu.vector_load %arg6[%swap3A_161] {strides = array<i32>} : memref<1024xf32, #tpu.memory_space<vmem>>, vector<16xf32>,
      tpu.vector_store %arg6[%swap3A_161], %broadcast_in_dim3A_3 {strides = array<i32>} : memref<1024xf32, #tpu.memory_space<vmem>>, vector<16xf32>,
      %swap3A_163 = arith.constant 784 : index
      %swap3A_164 = tpu.vector_load %arg6[%swap3A_163] {strides = array<i32>} : memref<1024xf32, #tpu.memory_space<vmem>>, vector<16xf32>,
      tpu.vector_store %arg6[%swap3A_163], %broadcast_in_dim3A_3 {strides = array<i32>} : memref<1024xf32, #tpu.memory_space<vmem>>, vector<16xf32>,
      %swap3A_165 = arith.constant 800 : index
      %swap3A_166 = tpu.vector_load %arg6[%swap3A_165] {strides = array<i32>} : memref<1024xf32, #tpu.memory_space<vmem>>, vector<16xf32>,
      tpu.vector_store %arg6[%swap3A_165], %broadcast_in_dim3A_3 {strides = array<i32>} : memref<1024xf32, #tpu.memory_space<vmem>>, vector<16xf32>,
      %swap3A_167 = arith.constant 816 : index
      %swap3A_168 = tpu.vector_load %arg6[%swap3A_167] {strides = array<i32>} : memref<1024xf32, #tpu.memory_space<vmem>>, vector<16xf32>,
      tpu.vector_store %arg6[%swap3A_167], %broadcast_in_dim3A_3 {strides = array<i32>} : memref<1024xf32, #tpu.memory_space<vmem>>, vector<16xf32>,
      %swap3A_169 = arith.constant 832 : index
      %swap3A_170 = tpu.vector_load %arg6[%swap3A_169] {strides = array<i32>} : memref<1024xf32, #tpu.memory_space<vmem>>, vector<16xf32>,
      tpu.vector_store %arg6[%swap3A_169], %broadcast_in_dim3A_3 {strides = array<i32>} : memref<1024xf32, #tpu.memory_space<vmem>>, vector<16xf32>,
      %swap3A_171 = arith.constant 848 : index
      %swap3A_172 = tpu.vector_load %arg6[%swap3A_171] {strides = array<i32>} : memref<1024xf32, #tpu.memory_space<vmem>>, vector<16xf32>,
      tpu.vector_store %arg6[%swap3A_171], %broadcast_in_dim3A_3 {strides = array<i32>} : memref<1024xf32, #tpu.memory_space<vmem>>, vector<16xf32>,
      %swap3A_173 = arith.constant 864 : index
      %swap3A_174 = tpu.vector_load %arg6[%swap3A_173] {strides = array<i32>} : memref<1024xf32, #tpu.memory_space<vmem>>, vector<16xf32>,
      tpu.vector_store %arg6[%swap3A_173], %broadcast_in_dim3A_3 {strides = array<i32>} : memref<1024xf32, #tpu.memory_space<vmem>>, vector<16xf32>,
      %swap3A_175 = arith.constant 880 : index
      %swap3A_176 = tpu.vector_load %arg6[%swap3A_175] {strides = array<i32>} : memref<1024xf32, #tpu.memory_space<vmem>>, vector<16xf32>,
      tpu.vector_store %arg6[%swap3A_175], %broadcast_in_dim3A_3 {strides = array<i32>} : memref<1024xf32, #tpu.memory_space<vmem>>, vector<16xf32>,
      %swap3A_177 = arith.constant 896 : index
      %swap3A_178 = tpu.vector_load %arg6[%swap3A_177] {strides = array<i32>} : memref<1024xf32, #tpu.memory_space<vmem>>, vector<16xf32>,
      tpu.vector_store %arg6[%swap3A_177], %broadcast_in_dim3A_3 {strides = array<i32>} : memref<1024xf32, #tpu.memory_space<vmem>>, vector<16xf32>,
      %swap3A_179 = arith.constant 912 : index
      %swap3A_180 = tpu.vector_load %arg6[%swap3A_179] {strides = array<i32>} : memref<1024xf32, #tpu.memory_space<vmem>>, vector<16xf32>,
      tpu.vector_store %arg6[%swap3A_179], %broadcast_in_dim3A_3 {strides = array<i32>} : memref<1024xf32, #tpu.memory_space<vmem>>, vector<16xf32>,
      %swap3A_181 = arith.constant 928 : index
      %swap3A_182 = tpu.vector_load %arg6[%swap3A_181] {strides = array<i32>} : memref<1024xf32, #tpu.memory_space<vmem>>, vector<16xf32>,
      tpu.vector_store %arg6[%swap3A_181], %broadcast_in_dim3A_3 {strides = array<i32>} : memref<1024xf32, #tpu.memory_space<vmem>>, vector<16xf32>,
      %swap3A_183 = arith.constant 944 : index
      %swap3A_184 = tpu.vector_load %arg6[%swap3A_183] {strides = array<i32>} : memref<1024xf32, #tpu.memory_space<vmem>>, vector<16xf32>,
      tpu.vector_store %arg6[%swap3A_183], %broadcast_in_dim3A_3 {strides = array<i32>} : memref<1024xf32, #tpu.memory_space<vmem>>, vector<16xf32>,
      %swap3A_185 = arith.constant 960 : index
      %swap3A_186 = tpu.vector_load %arg6[%swap3A_185] {strides = array<i32>} : memref<1024xf32, #tpu.memory_space<vmem>>, vector<16xf32>,
      tpu.vector_store %arg6[%swap3A_185], %broadcast_in_dim3A_3 {strides = array<i32>} : memref<1024xf32, #tpu.memory_space<vmem>>, vector<16xf32>,
      %swap3A_187 = arith.constant 976 : index
      %swap3A_188 = tpu.vector_load %arg6[%swap3A_187] {strides = array<i32>} : memref<1024xf32, #tpu.memory_space<vmem>>, vector<16xf32>,
      tpu.vector_store %arg6[%swap3A_187], %broadcast_in_dim3A_3 {strides = array<i32>} : memref<1024xf32, #tpu.memory_space<vmem>>, vector<16xf32>,
      %swap3A_189 = arith.constant 992 : index
      %swap3A_190 = tpu.vector_load %arg6[%swap3A_189] {strides = array<i32>} : memref<1024xf32, #tpu.memory_space<vmem>>, vector<16xf32>,
      tpu.vector_store %arg6[%swap3A_189], %broadcast_in_dim3A_3 {strides = array<i32>} : memref<1024xf32, #tpu.memory_space<vmem>>, vector<16xf32>,
      %swap3A_191 = arith.constant 1008 : index
      %swap3A_192 = tpu.vector_load %arg6[%swap3A_191] {strides = array<i32>} : memref<1024xf32, #tpu.memory_space<vmem>>, vector<16xf32>,
      tpu.vector_store %arg6[%swap3A_191], %broadcast_in_dim3A_3 {strides = array<i32>} : memref<1024xf32, #tpu.memory_space<vmem>>, vector<16xf32>,
      %scan3A_193 = arith.constant 0 : i32
      %scan3A_194 = arith.constant 1024 : i32
      %scan3A_195 = arith.addi %scan3A_193, %scan3A_194 : i32
      %scan3A_196 = arith.constant 16 : i32
      %scan3A_197:2 = scf.for %scan3A_421 = %scan3A_193 to %scan3A_195 step %scan3A_196 iter_args(%scan3A_422 = %iota3A, %scan3A_423 = %iota3A) -> (vector<16xi32>, vector<16xi32>)  : i32 {
        %mul3A_424 = arith.constant 16 : i32
        %mul3A_425 = arith.muli %scan3A_421, %mul3A_424 : i32
        %get3A = arith.index_cast %mul3A_425 : i32 to index
        %get3A_426 = tpu.vector_load %arg4[%get3A] {strides = array<i32>} : memref<16384xf32, #tpu.memory_space<vmem>>, vector<16xf32>,
        %le3A_427 = arith.cmpf ole, %get3A_426, %broadcast_in_dim3A_65 : vector<16xf32>
        %lt3A = arith.constant 1024 : i32
        %lt3A_428 = vector.broadcast %lt3A : i32 to vector<16xi32>
        %lt3A_429 = arith.cmpi slt, %scan3A_422, %lt3A_428 : vector<16xi32>
        %and3A = arith.andi %le3A_427, %lt3A_429 : vector<16xi1>
        tpu.vector_store_idx %arg6[%scan3A_422], %get3A_426 masked %and3A : memref<1024xf32, #tpu.memory_space<vmem>>[vector<16xi32>], vector<16xf32>, vector<16xi1>
        tpu.vector_store_idx %arg7[%scan3A_422], %scan3A_423 masked %and3A : memref<1024xi32, #tpu.memory_space<vmem>>[vector<16xi32>], vector<16xi32>, vector<16xi1>
        %convert_element_type3A_430 = arith.extui %le3A_427 : vector<16xi1> to vector<16xi32>
        %shift_left3A = arith.constant 4 : i32
        %shift_left3A_431 = vector.broadcast %shift_left3A : i32 to vector<16xi32>
        %shift_left3A_432 = arith.shli %convert_element_type3A_430, %shift_left3A_431 : vector<16xi32>
        %add3A_433 = arith.addi %scan3A_422, %shift_left3A_432 : vector<16xi32>
        %add3A_434 = arith.constant 16 : i32
        %add3A_435 = vector.broadcast %add3A_434 : i32 to vector<16xi32>
        %add3A_436 = arith.addi %scan3A_423, %add3A_435 : vector<16xi32>
        %scan3A_437 = arith.constant 1 : i32
        %scan3A_438 = arith.addi %scan3A_421, %scan3A_437 : i32
        %mul3A_439 = arith.constant 16 : i32
        %mul3A_440 = arith.muli %scan3A_438, %mul3A_439 : i32
        %get3A_441 = arith.index_cast %mul3A_440 : i32 to index
        %get3A_442 = tpu.vector_load %arg4[%get3A_441] {strides = array<i32>} : memref<16384xf32, #tpu.memory_space<vmem>>, vector<16xf32>,
        %le3A_443 = arith.cmpf ole, %get3A_442, %broadcast_in_dim3A_65 : vector<16xf32>
        %lt3A_444 = arith.constant 1024 : i32
        %lt3A_445 = vector.broadcast %lt3A_444 : i32 to vector<16xi32>
        %lt3A_446 = arith.cmpi slt, %add3A_433, %lt3A_445 : vector<16xi32>
        %and3A_447 = arith.andi %le3A_443, %lt3A_446 : vector<16xi1>
        tpu.vector_store_idx %arg6[%add3A_433], %get3A_442 masked %and3A_447 : memref<1024xf32, #tpu.memory_space<vmem>>[vector<16xi32>], vector<16xf32>, vector<16xi1>
        tpu.vector_store_idx %arg7[%add3A_433], %add3A_436 masked %and3A_447 : memref<1024xi32, #tpu.memory_space<vmem>>[vector<16xi32>], vector<16xi32>, vector<16xi1>
        %convert_element_type3A_448 = arith.extui %le3A_443 : vector<16xi1> to vector<16xi32>
        %shift_left3A_449 = arith.constant 4 : i32
        %shift_left3A_450 = vector.broadcast %shift_left3A_449 : i32 to vector<16xi32>
        %shift_left3A_451 = arith.shli %convert_element_type3A_448, %shift_left3A_450 : vector<16xi32>
        %add3A_452 = arith.addi %add3A_433, %shift_left3A_451 : vector<16xi32>
        %add3A_453 = arith.constant 16 : i32
        %add3A_454 = vector.broadcast %add3A_453 : i32 to vector<16xi32>
        %add3A_455 = arith.addi %add3A_436, %add3A_454 : vector<16xi32>
        %scan3A_456 = arith.constant 2 : i32
        %scan3A_457 = arith.addi %scan3A_421, %scan3A_456 : i32
        %mul3A_458 = arith.constant 16 : i32
        %mul3A_459 = arith.muli %scan3A_457, %mul3A_458 : i32
        %get3A_460 = arith.index_cast %mul3A_459 : i32 to index
        %get3A_461 = tpu.vector_load %arg4[%get3A_460] {strides = array<i32>} : memref<16384xf32, #tpu.memory_space<vmem>>, vector<16xf32>,
        %le3A_462 = arith.cmpf ole, %get3A_461, %broadcast_in_dim3A_65 : vector<16xf32>
        %lt3A_463 = arith.constant 1024 : i32
        %lt3A_464 = vector.broadcast %lt3A_463 : i32 to vector<16xi32>
        %lt3A_465 = arith.cmpi slt, %add3A_452, %lt3A_464 : vector<16xi32>
        %and3A_466 = arith.andi %le3A_462, %lt3A_465 : vector<16xi1>
        tpu.vector_store_idx %arg6[%add3A_452], %get3A_461 masked %and3A_466 : memref<1024xf32, #tpu.memory_space<vmem>>[vector<16xi32>], vector<16xf32>, vector<16xi1>
        tpu.vector_store_idx %arg7[%add3A_452], %add3A_455 masked %and3A_466 : memref<1024xi32, #tpu.memory_space<vmem>>[vector<16xi32>], vector<16xi32>, vector<16xi1>
        %convert_element_type3A_467 = arith.extui %le3A_462 : vector<16xi1> to vector<16xi32>
        %shift_left3A_468 = arith.constant 4 : i32
        %shift_left3A_469 = vector.broadcast %shift_left3A_468 : i32 to vector<16xi32>
        %shift_left3A_470 = arith.shli %convert_element_type3A_467, %shift_left3A_469 : vector<16xi32>
        %add3A_471 = arith.addi %add3A_452, %shift_left3A_470 : vector<16xi32>
        %add3A_472 = arith.constant 16 : i32
        %add3A_473 = vector.broadcast %add3A_472 : i32 to vector<16xi32>
        %add3A_474 = arith.addi %add3A_455, %add3A_473 : vector<16xi32>
        %scan3A_475 = arith.constant 3 : i32
        %scan3A_476 = arith.addi %scan3A_421, %scan3A_475 : i32
        %mul3A_477 = arith.constant 16 : i32
        %mul3A_478 = arith.muli %scan3A_476, %mul3A_477 : i32
        %get3A_479 = arith.index_cast %mul3A_478 : i32 to index
        %get3A_480 = tpu.vector_load %arg4[%get3A_479] {strides = array<i32>} : memref<16384xf32, #tpu.memory_space<vmem>>, vector<16xf32>,
        %le3A_481 = arith.cmpf ole, %get3A_480, %broadcast_in_dim3A_65 : vector<16xf32>
        %lt3A_482 = arith.constant 1024 : i32
        %lt3A_483 = vector.broadcast %lt3A_482 : i32 to vector<16xi32>
        %lt3A_484 = arith.cmpi slt, %add3A_471, %lt3A_483 : vector<16xi32>
        %and3A_485 = arith.andi %le3A_481, %lt3A_484 : vector<16xi1>
        tpu.vector_store_idx %arg6[%add3A_471], %get3A_480 masked %and3A_485 : memref<1024xf32, #tpu.memory_space<vmem>>[vector<16xi32>], vector<16xf32>, vector<16xi1>
        tpu.vector_store_idx %arg7[%add3A_471], %add3A_474 masked %and3A_485 : memref<1024xi32, #tpu.memory_space<vmem>>[vector<16xi32>], vector<16xi32>, vector<16xi1>
        %convert_element_type3A_486 = arith.extui %le3A_481 : vector<16xi1> to vector<16xi32>
        %shift_left3A_487 = arith.constant 4 : i32
        %shift_left3A_488 = vector.broadcast %shift_left3A_487 : i32 to vector<16xi32>
        %shift_left3A_489 = arith.shli %convert_element_type3A_486, %shift_left3A_488 : vector<16xi32>
        %add3A_490 = arith.addi %add3A_471, %shift_left3A_489 : vector<16xi32>
        %add3A_491 = arith.constant 16 : i32
        %add3A_492 = vector.broadcast %add3A_491 : i32 to vector<16xi32>
        %add3A_493 = arith.addi %add3A_474, %add3A_492 : vector<16xi32>
        %scan3A_494 = arith.constant 4 : i32
        %scan3A_495 = arith.addi %scan3A_421, %scan3A_494 : i32
        %mul3A_496 = arith.constant 16 : i32
        %mul3A_497 = arith.muli %scan3A_495, %mul3A_496 : i32
        %get3A_498 = arith.index_cast %mul3A_497 : i32 to index
        %get3A_499 = tpu.vector_load %arg4[%get3A_498] {strides = array<i32>} : memref<16384xf32, #tpu.memory_space<vmem>>, vector<16xf32>,
        %le3A_500 = arith.cmpf ole, %get3A_499, %broadcast_in_dim3A_65 : vector<16xf32>
        %lt3A_501 = arith.constant 1024 : i32
        %lt3A_502 = vector.broadcast %lt3A_501 : i32 to vector<16xi32>
        %lt3A_503 = arith.cmpi slt, %add3A_490, %lt3A_502 : vector<16xi32>
        %and3A_504 = arith.andi %le3A_500, %lt3A_503 : vector<16xi1>
        tpu.vector_store_idx %arg6[%add3A_490], %get3A_499 masked %and3A_504 : memref<1024xf32, #tpu.memory_space<vmem>>[vector<16xi32>], vector<16xf32>, vector<16xi1>
        tpu.vector_store_idx %arg7[%add3A_490], %add3A_493 masked %and3A_504 : memref<1024xi32, #tpu.memory_space<vmem>>[vector<16xi32>], vector<16xi32>, vector<16xi1>
        %convert_element_type3A_505 = arith.extui %le3A_500 : vector<16xi1> to vector<16xi32>
        %shift_left3A_506 = arith.constant 4 : i32
        %shift_left3A_507 = vector.broadcast %shift_left3A_506 : i32 to vector<16xi32>
        %shift_left3A_508 = arith.shli %convert_element_type3A_505, %shift_left3A_507 : vector<16xi32>
        %add3A_509 = arith.addi %add3A_490, %shift_left3A_508 : vector<16xi32>
        %add3A_510 = arith.constant 16 : i32
        %add3A_511 = vector.broadcast %add3A_510 : i32 to vector<16xi32>
        %add3A_512 = arith.addi %add3A_493, %add3A_511 : vector<16xi32>
        %scan3A_513 = arith.constant 5 : i32
        %scan3A_514 = arith.addi %scan3A_421, %scan3A_513 : i32
        %mul3A_515 = arith.constant 16 : i32
        %mul3A_516 = arith.muli %scan3A_514, %mul3A_515 : i32
        %get3A_517 = arith.index_cast %mul3A_516 : i32 to index
        %get3A_518 = tpu.vector_load %arg4[%get3A_517] {strides = array<i32>} : memref<16384xf32, #tpu.memory_space<vmem>>, vector<16xf32>,
        %le3A_519 = arith.cmpf ole, %get3A_518, %broadcast_in_dim3A_65 : vector<16xf32>
        %lt3A_520 = arith.constant 1024 : i32
        %lt3A_521 = vector.broadcast %lt3A_520 : i32 to vector<16xi32>
        %lt3A_522 = arith.cmpi slt, %add3A_509, %lt3A_521 : vector<16xi32>
        %and3A_523 = arith.andi %le3A_519, %lt3A_522 : vector<16xi1>
        tpu.vector_store_idx %arg6[%add3A_509], %get3A_518 masked %and3A_523 : memref<1024xf32, #tpu.memory_space<vmem>>[vector<16xi32>], vector<16xf32>, vector<16xi1>
        tpu.vector_store_idx %arg7[%add3A_509], %add3A_512 masked %and3A_523 : memref<1024xi32, #tpu.memory_space<vmem>>[vector<16xi32>], vector<16xi32>, vector<16xi1>
        %convert_element_type3A_524 = arith.extui %le3A_519 : vector<16xi1> to vector<16xi32>
        %shift_left3A_525 = arith.constant 4 : i32
        %shift_left3A_526 = vector.broadcast %shift_left3A_525 : i32 to vector<16xi32>
        %shift_left3A_527 = arith.shli %convert_element_type3A_524, %shift_left3A_526 : vector<16xi32>
        %add3A_528 = arith.addi %add3A_509, %shift_left3A_527 : vector<16xi32>
        %add3A_529 = arith.constant 16 : i32
        %add3A_530 = vector.broadcast %add3A_529 : i32 to vector<16xi32>
        %add3A_531 = arith.addi %add3A_512, %add3A_530 : vector<16xi32>
        %scan3A_532 = arith.constant 6 : i32
        %scan3A_533 = arith.addi %scan3A_421, %scan3A_532 : i32
        %mul3A_534 = arith.constant 16 : i32
        %mul3A_535 = arith.muli %scan3A_533, %mul3A_534 : i32
        %get3A_536 = arith.index_cast %mul3A_535 : i32 to index
        %get3A_537 = tpu.vector_load %arg4[%get3A_536] {strides = array<i32>} : memref<16384xf32, #tpu.memory_space<vmem>>, vector<16xf32>,
        %le3A_538 = arith.cmpf ole, %get3A_537, %broadcast_in_dim3A_65 : vector<16xf32>
        %lt3A_539 = arith.constant 1024 : i32
        %lt3A_540 = vector.broadcast %lt3A_539 : i32 to vector<16xi32>
        %lt3A_541 = arith.cmpi slt, %add3A_528, %lt3A_540 : vector<16xi32>
        %and3A_542 = arith.andi %le3A_538, %lt3A_541 : vector<16xi1>
        tpu.vector_store_idx %arg6[%add3A_528], %get3A_537 masked %and3A_542 : memref<1024xf32, #tpu.memory_space<vmem>>[vector<16xi32>], vector<16xf32>, vector<16xi1>
        tpu.vector_store_idx %arg7[%add3A_528], %add3A_531 masked %and3A_542 : memref<1024xi32, #tpu.memory_space<vmem>>[vector<16xi32>], vector<16xi32>, vector<16xi1>
        %convert_element_type3A_543 = arith.extui %le3A_538 : vector<16xi1> to vector<16xi32>
        %shift_left3A_544 = arith.constant 4 : i32
        %shift_left3A_545 = vector.broadcast %shift_left3A_544 : i32 to vector<16xi32>
        %shift_left3A_546 = arith.shli %convert_element_type3A_543, %shift_left3A_545 : vector<16xi32>
        %add3A_547 = arith.addi %add3A_528, %shift_left3A_546 : vector<16xi32>
        %add3A_548 = arith.constant 16 : i32
        %add3A_549 = vector.broadcast %add3A_548 : i32 to vector<16xi32>
        %add3A_550 = arith.addi %add3A_531, %add3A_549 : vector<16xi32>
        %scan3A_551 = arith.constant 7 : i32
        %scan3A_552 = arith.addi %scan3A_421, %scan3A_551 : i32
        %mul3A_553 = arith.constant 16 : i32
        %mul3A_554 = arith.muli %scan3A_552, %mul3A_553 : i32
        %get3A_555 = arith.index_cast %mul3A_554 : i32 to index
        %get3A_556 = tpu.vector_load %arg4[%get3A_555] {strides = array<i32>} : memref<16384xf32, #tpu.memory_space<vmem>>, vector<16xf32>,
        %le3A_557 = arith.cmpf ole, %get3A_556, %broadcast_in_dim3A_65 : vector<16xf32>
        %lt3A_558 = arith.constant 1024 : i32
        %lt3A_559 = vector.broadcast %lt3A_558 : i32 to vector<16xi32>
        %lt3A_560 = arith.cmpi slt, %add3A_547, %lt3A_559 : vector<16xi32>
        %and3A_561 = arith.andi %le3A_557, %lt3A_560 : vector<16xi1>
        tpu.vector_store_idx %arg6[%add3A_547], %get3A_556 masked %and3A_561 : memref<1024xf32, #tpu.memory_space<vmem>>[vector<16xi32>], vector<16xf32>, vector<16xi1>
        tpu.vector_store_idx %arg7[%add3A_547], %add3A_550 masked %and3A_561 : memref<1024xi32, #tpu.memory_space<vmem>>[vector<16xi32>], vector<16xi32>, vector<16xi1>
        %convert_element_type3A_562 = arith.extui %le3A_557 : vector<16xi1> to vector<16xi32>
        %shift_left3A_563 = arith.constant 4 : i32
        %shift_left3A_564 = vector.broadcast %shift_left3A_563 : i32 to vector<16xi32>
        %shift_left3A_565 = arith.shli %convert_element_type3A_562, %shift_left3A_564 : vector<16xi32>
        %add3A_566 = arith.addi %add3A_547, %shift_left3A_565 : vector<16xi32>
        %add3A_567 = arith.constant 16 : i32
        %add3A_568 = vector.broadcast %add3A_567 : i32 to vector<16xi32>
        %add3A_569 = arith.addi %add3A_550, %add3A_568 : vector<16xi32>
        %scan3A_570 = arith.constant 8 : i32
        %scan3A_571 = arith.addi %scan3A_421, %scan3A_570 : i32
        %mul3A_572 = arith.constant 16 : i32
        %mul3A_573 = arith.muli %scan3A_571, %mul3A_572 : i32
        %get3A_574 = arith.index_cast %mul3A_573 : i32 to index
        %get3A_575 = tpu.vector_load %arg4[%get3A_574] {strides = array<i32>} : memref<16384xf32, #tpu.memory_space<vmem>>, vector<16xf32>,
        %le3A_576 = arith.cmpf ole, %get3A_575, %broadcast_in_dim3A_65 : vector<16xf32>
        %lt3A_577 = arith.constant 1024 : i32
        %lt3A_578 = vector.broadcast %lt3A_577 : i32 to vector<16xi32>
        %lt3A_579 = arith.cmpi slt, %add3A_566, %lt3A_578 : vector<16xi32>
        %and3A_580 = arith.andi %le3A_576, %lt3A_579 : vector<16xi1>
        tpu.vector_store_idx %arg6[%add3A_566], %get3A_575 masked %and3A_580 : memref<1024xf32, #tpu.memory_space<vmem>>[vector<16xi32>], vector<16xf32>, vector<16xi1>
        tpu.vector_store_idx %arg7[%add3A_566], %add3A_569 masked %and3A_580 : memref<1024xi32, #tpu.memory_space<vmem>>[vector<16xi32>], vector<16xi32>, vector<16xi1>
        %convert_element_type3A_581 = arith.extui %le3A_576 : vector<16xi1> to vector<16xi32>
        %shift_left3A_582 = arith.constant 4 : i32
        %shift_left3A_583 = vector.broadcast %shift_left3A_582 : i32 to vector<16xi32>
        %shift_left3A_584 = arith.shli %convert_element_type3A_581, %shift_left3A_583 : vector<16xi32>
        %add3A_585 = arith.addi %add3A_566, %shift_left3A_584 : vector<16xi32>
        %add3A_586 = arith.constant 16 : i32
        %add3A_587 = vector.broadcast %add3A_586 : i32 to vector<16xi32>
        %add3A_588 = arith.addi %add3A_569, %add3A_587 : vector<16xi32>
        %scan3A_589 = arith.constant 9 : i32
        %scan3A_590 = arith.addi %scan3A_421, %scan3A_589 : i32
        %mul3A_591 = arith.constant 16 : i32
        %mul3A_592 = arith.muli %scan3A_590, %mul3A_591 : i32
        %get3A_593 = arith.index_cast %mul3A_592 : i32 to index
        %get3A_594 = tpu.vector_load %arg4[%get3A_593] {strides = array<i32>} : memref<16384xf32, #tpu.memory_space<vmem>>, vector<16xf32>,
        %le3A_595 = arith.cmpf ole, %get3A_594, %broadcast_in_dim3A_65 : vector<16xf32>
        %lt3A_596 = arith.constant 1024 : i32
        %lt3A_597 = vector.broadcast %lt3A_596 : i32 to vector<16xi32>
        %lt3A_598 = arith.cmpi slt, %add3A_585, %lt3A_597 : vector<16xi32>
        %and3A_599 = arith.andi %le3A_595, %lt3A_598 : vector<16xi1>
        tpu.vector_store_idx %arg6[%add3A_585], %get3A_594 masked %and3A_599 : memref<1024xf32, #tpu.memory_space<vmem>>[vector<16xi32>], vector<16xf32>, vector<16xi1>
        tpu.vector_store_idx %arg7[%add3A_585], %add3A_588 masked %and3A_599 : memref<1024xi32, #tpu.memory_space<vmem>>[vector<16xi32>], vector<16xi32>, vector<16xi1>
        %convert_element_type3A_600 = arith.extui %le3A_595 : vector<16xi1> to vector<16xi32>
        %shift_left3A_601 = arith.constant 4 : i32
        %shift_left3A_602 = vector.broadcast %shift_left3A_601 : i32 to vector<16xi32>
        %shift_left3A_603 = arith.shli %convert_element_type3A_600, %shift_left3A_602 : vector<16xi32>
        %add3A_604 = arith.addi %add3A_585, %shift_left3A_603 : vector<16xi32>
        %add3A_605 = arith.constant 16 : i32
        %add3A_606 = vector.broadcast %add3A_605 : i32 to vector<16xi32>
        %add3A_607 = arith.addi %add3A_588, %add3A_606 : vector<16xi32>
        %scan3A_608 = arith.constant 10 : i32
        %scan3A_609 = arith.addi %scan3A_421, %scan3A_608 : i32
        %mul3A_610 = arith.constant 16 : i32
        %mul3A_611 = arith.muli %scan3A_609, %mul3A_610 : i32
        %get3A_612 = arith.index_cast %mul3A_611 : i32 to index
        %get3A_613 = tpu.vector_load %arg4[%get3A_612] {strides = array<i32>} : memref<16384xf32, #tpu.memory_space<vmem>>, vector<16xf32>,
        %le3A_614 = arith.cmpf ole, %get3A_613, %broadcast_in_dim3A_65 : vector<16xf32>
        %lt3A_615 = arith.constant 1024 : i32
        %lt3A_616 = vector.broadcast %lt3A_615 : i32 to vector<16xi32>
        %lt3A_617 = arith.cmpi slt, %add3A_604, %lt3A_616 : vector<16xi32>
        %and3A_618 = arith.andi %le3A_614, %lt3A_617 : vector<16xi1>
        tpu.vector_store_idx %arg6[%add3A_604], %get3A_613 masked %and3A_618 : memref<1024xf32, #tpu.memory_space<vmem>>[vector<16xi32>], vector<16xf32>, vector<16xi1>
        tpu.vector_store_idx %arg7[%add3A_604], %add3A_607 masked %and3A_618 : memref<1024xi32, #tpu.memory_space<vmem>>[vector<16xi32>], vector<16xi32>, vector<16xi1>
        %convert_element_type3A_619 = arith.extui %le3A_614 : vector<16xi1> to vector<16xi32>
        %shift_left3A_620 = arith.constant 4 : i32
        %shift_left3A_621 = vector.broadcast %shift_left3A_620 : i32 to vector<16xi32>
        %shift_left3A_622 = arith.shli %convert_element_type3A_619, %shift_left3A_621 : vector<16xi32>
        %add3A_623 = arith.addi %add3A_604, %shift_left3A_622 : vector<16xi32>
        %add3A_624 = arith.constant 16 : i32
        %add3A_625 = vector.broadcast %add3A_624 : i32 to vector<16xi32>
        %add3A_626 = arith.addi %add3A_607, %add3A_625 : vector<16xi32>
        %scan3A_627 = arith.constant 11 : i32
        %scan3A_628 = arith.addi %scan3A_421, %scan3A_627 : i32
        %mul3A_629 = arith.constant 16 : i32
        %mul3A_630 = arith.muli %scan3A_628, %mul3A_629 : i32
        %get3A_631 = arith.index_cast %mul3A_630 : i32 to index
        %get3A_632 = tpu.vector_load %arg4[%get3A_631] {strides = array<i32>} : memref<16384xf32, #tpu.memory_space<vmem>>, vector<16xf32>,
        %le3A_633 = arith.cmpf ole, %get3A_632, %broadcast_in_dim3A_65 : vector<16xf32>
        %lt3A_634 = arith.constant 1024 : i32
        %lt3A_635 = vector.broadcast %lt3A_634 : i32 to vector<16xi32>
        %lt3A_636 = arith.cmpi slt, %add3A_623, %lt3A_635 : vector<16xi32>
        %and3A_637 = arith.andi %le3A_633, %lt3A_636 : vector<16xi1>
        tpu.vector_store_idx %arg6[%add3A_623], %get3A_632 masked %and3A_637 : memref<1024xf32, #tpu.memory_space<vmem>>[vector<16xi32>], vector<16xf32>, vector<16xi1>
        tpu.vector_store_idx %arg7[%add3A_623], %add3A_626 masked %and3A_637 : memref<1024xi32, #tpu.memory_space<vmem>>[vector<16xi32>], vector<16xi32>, vector<16xi1>
        %convert_element_type3A_638 = arith.extui %le3A_633 : vector<16xi1> to vector<16xi32>
        %shift_left3A_639 = arith.constant 4 : i32
        %shift_left3A_640 = vector.broadcast %shift_left3A_639 : i32 to vector<16xi32>
        %shift_left3A_641 = arith.shli %convert_element_type3A_638, %shift_left3A_640 : vector<16xi32>
        %add3A_642 = arith.addi %add3A_623, %shift_left3A_641 : vector<16xi32>
        %add3A_643 = arith.constant 16 : i32
        %add3A_644 = vector.broadcast %add3A_643 : i32 to vector<16xi32>
        %add3A_645 = arith.addi %add3A_626, %add3A_644 : vector<16xi32>
        %scan3A_646 = arith.constant 12 : i32
        %scan3A_647 = arith.addi %scan3A_421, %scan3A_646 : i32
        %mul3A_648 = arith.constant 16 : i32
        %mul3A_649 = arith.muli %scan3A_647, %mul3A_648 : i32
        %get3A_650 = arith.index_cast %mul3A_649 : i32 to index
        %get3A_651 = tpu.vector_load %arg4[%get3A_650] {strides = array<i32>} : memref<16384xf32, #tpu.memory_space<vmem>>, vector<16xf32>,
        %le3A_652 = arith.cmpf ole, %get3A_651, %broadcast_in_dim3A_65 : vector<16xf32>
        %lt3A_653 = arith.constant 1024 : i32
        %lt3A_654 = vector.broadcast %lt3A_653 : i32 to vector<16xi32>
        %lt3A_655 = arith.cmpi slt, %add3A_642, %lt3A_654 : vector<16xi32>
        %and3A_656 = arith.andi %le3A_652, %lt3A_655 : vector<16xi1>
        tpu.vector_store_idx %arg6[%add3A_642], %get3A_651 masked %and3A_656 : memref<1024xf32, #tpu.memory_space<vmem>>[vector<16xi32>], vector<16xf32>, vector<16xi1>
        tpu.vector_store_idx %arg7[%add3A_642], %add3A_645 masked %and3A_656 : memref<1024xi32, #tpu.memory_space<vmem>>[vector<16xi32>], vector<16xi32>, vector<16xi1>
        %convert_element_type3A_657 = arith.extui %le3A_652 : vector<16xi1> to vector<16xi32>
        %shift_left3A_658 = arith.constant 4 : i32
        %shift_left3A_659 = vector.broadcast %shift_left3A_658 : i32 to vector<16xi32>
        %shift_left3A_660 = arith.shli %convert_element_type3A_657, %shift_left3A_659 : vector<16xi32>
        %add3A_661 = arith.addi %add3A_642, %shift_left3A_660 : vector<16xi32>
        %add3A_662 = arith.constant 16 : i32
        %add3A_663 = vector.broadcast %add3A_662 : i32 to vector<16xi32>
        %add3A_664 = arith.addi %add3A_645, %add3A_663 : vector<16xi32>
        %scan3A_665 = arith.constant 13 : i32
        %scan3A_666 = arith.addi %scan3A_421, %scan3A_665 : i32
        %mul3A_667 = arith.constant 16 : i32
        %mul3A_668 = arith.muli %scan3A_666, %mul3A_667 : i32
        %get3A_669 = arith.index_cast %mul3A_668 : i32 to index
        %get3A_670 = tpu.vector_load %arg4[%get3A_669] {strides = array<i32>} : memref<16384xf32, #tpu.memory_space<vmem>>, vector<16xf32>,
        %le3A_671 = arith.cmpf ole, %get3A_670, %broadcast_in_dim3A_65 : vector<16xf32>
        %lt3A_672 = arith.constant 1024 : i32
        %lt3A_673 = vector.broadcast %lt3A_672 : i32 to vector<16xi32>
        %lt3A_674 = arith.cmpi slt, %add3A_661, %lt3A_673 : vector<16xi32>
        %and3A_675 = arith.andi %le3A_671, %lt3A_674 : vector<16xi1>
        tpu.vector_store_idx %arg6[%add3A_661], %get3A_670 masked %and3A_675 : memref<1024xf32, #tpu.memory_space<vmem>>[vector<16xi32>], vector<16xf32>, vector<16xi1>
        tpu.vector_store_idx %arg7[%add3A_661], %add3A_664 masked %and3A_675 : memref<1024xi32, #tpu.memory_space<vmem>>[vector<16xi32>], vector<16xi32>, vector<16xi1>
        %convert_element_type3A_676 = arith.extui %le3A_671 : vector<16xi1> to vector<16xi32>
        %shift_left3A_677 = arith.constant 4 : i32
        %shift_left3A_678 = vector.broadcast %shift_left3A_677 : i32 to vector<16xi32>
        %shift_left3A_679 = arith.shli %convert_element_type3A_676, %shift_left3A_678 : vector<16xi32>
        %add3A_680 = arith.addi %add3A_661, %shift_left3A_679 : vector<16xi32>
        %add3A_681 = arith.constant 16 : i32
        %add3A_682 = vector.broadcast %add3A_681 : i32 to vector<16xi32>
        %add3A_683 = arith.addi %add3A_664, %add3A_682 : vector<16xi32>
        %scan3A_684 = arith.constant 14 : i32
        %scan3A_685 = arith.addi %scan3A_421, %scan3A_684 : i32
        %mul3A_686 = arith.constant 16 : i32
        %mul3A_687 = arith.muli %scan3A_685, %mul3A_686 : i32
        %get3A_688 = arith.index_cast %mul3A_687 : i32 to index
        %get3A_689 = tpu.vector_load %arg4[%get3A_688] {strides = array<i32>} : memref<16384xf32, #tpu.memory_space<vmem>>, vector<16xf32>,
        %le3A_690 = arith.cmpf ole, %get3A_689, %broadcast_in_dim3A_65 : vector<16xf32>
        %lt3A_691 = arith.constant 1024 : i32
        %lt3A_692 = vector.broadcast %lt3A_691 : i32 to vector<16xi32>
        %lt3A_693 = arith.cmpi slt, %add3A_680, %lt3A_692 : vector<16xi32>
        %and3A_694 = arith.andi %le3A_690, %lt3A_693 : vector<16xi1>
        tpu.vector_store_idx %arg6[%add3A_680], %get3A_689 masked %and3A_694 : memref<1024xf32, #tpu.memory_space<vmem>>[vector<16xi32>], vector<16xf32>, vector<16xi1>
        tpu.vector_store_idx %arg7[%add3A_680], %add3A_683 masked %and3A_694 : memref<1024xi32, #tpu.memory_space<vmem>>[vector<16xi32>], vector<16xi32>, vector<16xi1>
        %convert_element_type3A_695 = arith.extui %le3A_690 : vector<16xi1> to vector<16xi32>
        %shift_left3A_696 = arith.constant 4 : i32
        %shift_left3A_697 = vector.broadcast %shift_left3A_696 : i32 to vector<16xi32>
        %shift_left3A_698 = arith.shli %convert_element_type3A_695, %shift_left3A_697 : vector<16xi32>
        %add3A_699 = arith.addi %add3A_680, %shift_left3A_698 : vector<16xi32>
        %add3A_700 = arith.constant 16 : i32
        %add3A_701 = vector.broadcast %add3A_700 : i32 to vector<16xi32>
        %add3A_702 = arith.addi %add3A_683, %add3A_701 : vector<16xi32>
        %scan3A_703 = arith.constant 15 : i32
        %scan3A_704 = arith.addi %scan3A_421, %scan3A_703 : i32
        %mul3A_705 = arith.constant 16 : i32
        %mul3A_706 = arith.muli %scan3A_704, %mul3A_705 : i32
        %get3A_707 = arith.index_cast %mul3A_706 : i32 to index
        %get3A_708 = tpu.vector_load %arg4[%get3A_707] {strides = array<i32>} : memref<16384xf32, #tpu.memory_space<vmem>>, vector<16xf32>,
        %le3A_709 = arith.cmpf ole, %get3A_708, %broadcast_in_dim3A_65 : vector<16xf32>
        %lt3A_710 = arith.constant 1024 : i32
        %lt3A_711 = vector.broadcast %lt3A_710 : i32 to vector<16xi32>
        %lt3A_712 = arith.cmpi slt, %add3A_699, %lt3A_711 : vector<16xi32>
        %and3A_713 = arith.andi %le3A_709, %lt3A_712 : vector<16xi1>
        tpu.vector_store_idx %arg6[%add3A_699], %get3A_708 masked %and3A_713 : memref<1024xf32, #tpu.memory_space<vmem>>[vector<16xi32>], vector<16xf32>, vector<16xi1>
        tpu.vector_store_idx %arg7[%add3A_699], %add3A_702 masked %and3A_713 : memref<1024xi32, #tpu.memory_space<vmem>>[vector<16xi32>], vector<16xi32>, vector<16xi1>
        %convert_element_type3A_714 = arith.extui %le3A_709 : vector<16xi1> to vector<16xi32>
        %shift_left3A_715 = arith.constant 4 : i32
        %shift_left3A_716 = vector.broadcast %shift_left3A_715 : i32 to vector<16xi32>
        %shift_left3A_717 = arith.shli %convert_element_type3A_714, %shift_left3A_716 : vector<16xi32>
        %add3A_718 = arith.addi %add3A_699, %shift_left3A_717 : vector<16xi32>
        %add3A_719 = arith.constant 16 : i32
        %add3A_720 = vector.broadcast %add3A_719 : i32 to vector<16xi32>
        %add3A_721 = arith.addi %add3A_702, %add3A_720 : vector<16xi32>
        scf.yield %add3A_718, %add3A_721 : vector<16xi32>, vector<16xi32>
      }
      %scan3A_198 = arith.constant 1024 : i32
      %sub3A = arith.subi %scan3A_197#0, %iota3A : vector<16xi32>
      %shift_right_arithmetic3A = arith.constant 4 : i32
      %shift_right_arithmetic3A_199 = vector.broadcast %shift_right_arithmetic3A : i32 to vector<16xi32>
      %shift_right_arithmetic3A_200 = arith.shrsi %sub3A, %shift_right_arithmetic3A_199 : vector<16xi32>
      %reduce_max3A_201 = arith.constant true
      %reduce_max3A_202 = vector.broadcast %reduce_max3A_201 : i1 to vector<16xi1>
      %reduce_max3A_203 = arith.constant -2147483648 : i32
      %reduce_max3A_204 = vector.broadcast %reduce_max3A_203 : i32 to vector<16xi32>
      %reduce_max3A_205 = arith.xori %shift_right_arithmetic3A_200, %reduce_max3A_204 : vector<16xi32>
      %reduce_max3A_206 = tpu.scan <max>, %reduce_max3A_205 masked %reduce_max3A_202 : vector<16xi32>, vector<16xi1> -> vector<16xi32>
      %reduce_max3A_207 = arith.xori %reduce_max3A_206, %reduce_max3A_204 : vector<16xi32>
      %reduce_max3A_208 = vector.extract %reduce_max3A_207[15] : i32 from vector<16xi32>
      %min3A_209 = arith.constant 64 : i32
      %min3A_210 = arith.minsi %reduce_max3A_208, %min3A_209 : i32
      %mul3A_211 = arith.constant 32 : i32
      %mul3A_212 = arith.muli %mul3A_48, %mul3A_211 : i32
      %broadcast_in_dim3A_213 = arith.constant 0 : i32
      %broadcast_in_dim3A_214 = vector.broadcast %broadcast_in_dim3A_213 : i32 to vector<16xi32>
      %add3A_215 = vector.broadcast %mul3A_212 : i32 to vector<16xi32>
      %add3A_216 = arith.addi %add3A_215, %broadcast_in_dim3A_214 : vector<16xi32>
      %le3A = arith.constant 16 : i32
      %le3A_217 = arith.cmpi sle, %min3A_210, %le3A : i32
      %convert_element_type3A = arith.extui %le3A_217 : i1 to i32
      %cond3A = arith.constant 0 : i32
      %cond3A_218 = arith.cmpi ne, %convert_element_type3A, %cond3A : i32
      %cond3A_219 = scf.if %cond3A_218 -> (i32) {
        %scan3A_421 = arith.constant 0 : i32
        %scan3A_422 = arith.constant 32 : i32
        %scan3A_423 = arith.addi %scan3A_421, %scan3A_422 : i32
        %scan3A_424 = arith.constant 1 : i32
        %scan3A_425 = scf.for %scan3A_428 = %scan3A_421 to %scan3A_423 step %scan3A_424 iter_args(%scan3A_429 = %add3A_216) -> (vector<16xi32>)  : i32 {
          %scan3A_430 = arith.constant 0 : i32
          %scan3A_431 = arith.constant 16 : i32
          %scan3A_432 = arith.addi %scan3A_430, %scan3A_431 : i32
          %scan3A_433 = arith.constant 4 : i32
          %scan3A_434:3 = scf.for %scan3A_464 = %scan3A_430 to %scan3A_432 step %scan3A_433 iter_args(%scan3A_465 = %broadcast_in_dim3A_3, %scan3A_466 = %broadcast_in_dim3A_5, %scan3A_467 = %broadcast_in_dim3A_5) -> (vector<16xf32>, vector<16xi32>, vector<16xi32>)  : i32 {
            %mul3A_468 = arith.constant 16 : i32
            %mul3A_469 = arith.muli %scan3A_464, %mul3A_468 : i32
            %get3A = arith.index_cast %mul3A_469 : i32 to index
            %get3A_470 = tpu.vector_load %arg6[%get3A] {strides = array<i32>} : memref<1024xf32, #tpu.memory_space<vmem>>, vector<16xf32>,
            %mul3A_471 = arith.constant 16 : i32
            %mul3A_472 = arith.muli %scan3A_464, %mul3A_471 : i32
            %get3A_473 = arith.index_cast %mul3A_472 : i32 to index
            %get3A_474 = tpu.vector_load %arg7[%get3A_473] {strides = array<i32>} : memref<1024xi32, #tpu.memory_space<vmem>>, vector<16xi32>,
            %mul3A_475 = arith.constant 16 : i32
            %mul3A_476 = arith.muli %scan3A_464, %mul3A_475 : i32
            %add3A_477 = vector.broadcast %mul3A_476 : i32 to vector<16xi32>
            %add3A_478 = arith.addi %add3A_477, %iota3A : vector<16xi32>
            %lt3A = arith.cmpf olt, %get3A_470, %scan3A_465 : vector<16xf32>
            %eq3A_479 = arith.cmpf oeq, %get3A_470, %scan3A_465 : vector<16xf32>
            %lt3A_480 = arith.cmpi slt, %get3A_474, %scan3A_466 : vector<16xi32>
            %and3A_481 = arith.andi %eq3A_479, %lt3A_480 : vector<16xi1>
            %or3A = arith.ori %lt3A, %and3A_481 : vector<16xi1>
            %select_n3A_482 = arith.select %or3A, %get3A_470, %scan3A_465 : vector<16xi1>, vector<16xf32>
            %select_n3A_483 = arith.select %or3A, %get3A_474, %scan3A_466 : vector<16xi1>, vector<16xi32>
            %select_n3A_484 = arith.select %or3A, %add3A_478, %scan3A_467 : vector<16xi1>, vector<16xi32>
            %scan3A_485 = arith.constant 1 : i32
            %scan3A_486 = arith.addi %scan3A_464, %scan3A_485 : i32
            %mul3A_487 = arith.constant 16 : i32
            %mul3A_488 = arith.muli %scan3A_486, %mul3A_487 : i32
            %get3A_489 = arith.index_cast %mul3A_488 : i32 to index
            %get3A_490 = tpu.vector_load %arg6[%get3A_489] {strides = array<i32>} : memref<1024xf32, #tpu.memory_space<vmem>>, vector<16xf32>,
            %mul3A_491 = arith.constant 16 : i32
            %mul3A_492 = arith.muli %scan3A_486, %mul3A_491 : i32
            %get3A_493 = arith.index_cast %mul3A_492 : i32 to index
            %get3A_494 = tpu.vector_load %arg7[%get3A_493] {strides = array<i32>} : memref<1024xi32, #tpu.memory_space<vmem>>, vector<16xi32>,
            %mul3A_495 = arith.constant 16 : i32
            %mul3A_496 = arith.muli %scan3A_486, %mul3A_495 : i32
            %add3A_497 = vector.broadcast %mul3A_496 : i32 to vector<16xi32>
            %add3A_498 = arith.addi %add3A_497, %iota3A : vector<16xi32>
            %lt3A_499 = arith.cmpf olt, %get3A_490, %select_n3A_482 : vector<16xf32>
            %eq3A_500 = arith.cmpf oeq, %get3A_490, %select_n3A_482 : vector<16xf32>
            %lt3A_501 = arith.cmpi slt, %get3A_494, %select_n3A_483 : vector<16xi32>
            %and3A_502 = arith.andi %eq3A_500, %lt3A_501 : vector<16xi1>
            %or3A_503 = arith.ori %lt3A_499, %and3A_502 : vector<16xi1>
            %select_n3A_504 = arith.select %or3A_503, %get3A_490, %select_n3A_482 : vector<16xi1>, vector<16xf32>
            %select_n3A_505 = arith.select %or3A_503, %get3A_494, %select_n3A_483 : vector<16xi1>, vector<16xi32>
            %select_n3A_506 = arith.select %or3A_503, %add3A_498, %select_n3A_484 : vector<16xi1>, vector<16xi32>
            %scan3A_507 = arith.constant 2 : i32
            %scan3A_508 = arith.addi %scan3A_464, %scan3A_507 : i32
            %mul3A_509 = arith.constant 16 : i32
            %mul3A_510 = arith.muli %scan3A_508, %mul3A_509 : i32
            %get3A_511 = arith.index_cast %mul3A_510 : i32 to index
            %get3A_512 = tpu.vector_load %arg6[%get3A_511] {strides = array<i32>} : memref<1024xf32, #tpu.memory_space<vmem>>, vector<16xf32>,
            %mul3A_513 = arith.constant 16 : i32
            %mul3A_514 = arith.muli %scan3A_508, %mul3A_513 : i32
            %get3A_515 = arith.index_cast %mul3A_514 : i32 to index
            %get3A_516 = tpu.vector_load %arg7[%get3A_515] {strides = array<i32>} : memref<1024xi32, #tpu.memory_space<vmem>>, vector<16xi32>,
            %mul3A_517 = arith.constant 16 : i32
            %mul3A_518 = arith.muli %scan3A_508, %mul3A_517 : i32
            %add3A_519 = vector.broadcast %mul3A_518 : i32 to vector<16xi32>
            %add3A_520 = arith.addi %add3A_519, %iota3A : vector<16xi32>
            %lt3A_521 = arith.cmpf olt, %get3A_512, %select_n3A_504 : vector<16xf32>
            %eq3A_522 = arith.cmpf oeq, %get3A_512, %select_n3A_504 : vector<16xf32>
            %lt3A_523 = arith.cmpi slt, %get3A_516, %select_n3A_505 : vector<16xi32>
            %and3A_524 = arith.andi %eq3A_522, %lt3A_523 : vector<16xi1>
            %or3A_525 = arith.ori %lt3A_521, %and3A_524 : vector<16xi1>
            %select_n3A_526 = arith.select %or3A_525, %get3A_512, %select_n3A_504 : vector<16xi1>, vector<16xf32>
            %select_n3A_527 = arith.select %or3A_525, %get3A_516, %select_n3A_505 : vector<16xi1>, vector<16xi32>
            %select_n3A_528 = arith.select %or3A_525, %add3A_520, %select_n3A_506 : vector<16xi1>, vector<16xi32>
            %scan3A_529 = arith.constant 3 : i32
            %scan3A_530 = arith.addi %scan3A_464, %scan3A_529 : i32
            %mul3A_531 = arith.constant 16 : i32
            %mul3A_532 = arith.muli %scan3A_530, %mul3A_531 : i32
            %get3A_533 = arith.index_cast %mul3A_532 : i32 to index
            %get3A_534 = tpu.vector_load %arg6[%get3A_533] {strides = array<i32>} : memref<1024xf32, #tpu.memory_space<vmem>>, vector<16xf32>,
            %mul3A_535 = arith.constant 16 : i32
            %mul3A_536 = arith.muli %scan3A_530, %mul3A_535 : i32
            %get3A_537 = arith.index_cast %mul3A_536 : i32 to index
            %get3A_538 = tpu.vector_load %arg7[%get3A_537] {strides = array<i32>} : memref<1024xi32, #tpu.memory_space<vmem>>, vector<16xi32>,
            %mul3A_539 = arith.constant 16 : i32
            %mul3A_540 = arith.muli %scan3A_530, %mul3A_539 : i32
            %add3A_541 = vector.broadcast %mul3A_540 : i32 to vector<16xi32>
            %add3A_542 = arith.addi %add3A_541, %iota3A : vector<16xi32>
            %lt3A_543 = arith.cmpf olt, %get3A_534, %select_n3A_526 : vector<16xf32>
            %eq3A_544 = arith.cmpf oeq, %get3A_534, %select_n3A_526 : vector<16xf32>
            %lt3A_545 = arith.cmpi slt, %get3A_538, %select_n3A_527 : vector<16xi32>
            %and3A_546 = arith.andi %eq3A_544, %lt3A_545 : vector<16xi1>
            %or3A_547 = arith.ori %lt3A_543, %and3A_546 : vector<16xi1>
            %select_n3A_548 = arith.select %or3A_547, %get3A_534, %select_n3A_526 : vector<16xi1>, vector<16xf32>
            %select_n3A_549 = arith.select %or3A_547, %get3A_538, %select_n3A_527 : vector<16xi1>, vector<16xi32>
            %select_n3A_550 = arith.select %or3A_547, %add3A_542, %select_n3A_528 : vector<16xi1>, vector<16xi32>
            scf.yield %select_n3A_548, %select_n3A_549, %select_n3A_550 : vector<16xf32>, vector<16xi32>, vector<16xi32>
          }
          %scan3A_435 = arith.constant 16 : i32
          %reduce_min3A = arith.constant true
          %reduce_min3A_436 = vector.broadcast %reduce_min3A : i1 to vector<16xi1>
          %reduce_min3A_437 = tpu.scan <min>, %scan3A_434#0 masked %reduce_min3A_436 : vector<16xf32>, vector<16xi1> -> vector<16xf32>
          %reduce_min3A_438 = vector.extract %reduce_min3A_437[15] : f32 from vector<16xf32>
          %broadcast_in_dim3A_439 = vector.broadcast %reduce_min3A_438 : f32 to vector<16xf32>
          %eq3A_440 = arith.cmpf oeq, %scan3A_434#0, %broadcast_in_dim3A_439 : vector<16xf32>
          %select_n3A = arith.select %eq3A_440, %scan3A_434#1, %broadcast_in_dim3A_5 : vector<16xi1>, vector<16xi32>
          %reduce_min3A_441 = arith.constant true
          %reduce_min3A_442 = vector.broadcast %reduce_min3A_441 : i1 to vector<16xi1>
          %reduce_min3A_443 = arith.constant -2147483648 : i32
          %reduce_min3A_444 = vector.broadcast %reduce_min3A_443 : i32 to vector<16xi32>
          %reduce_min3A_445 = arith.xori %select_n3A, %reduce_min3A_444 : vector<16xi32>
          %reduce_min3A_446 = tpu.scan <min>, %reduce_min3A_445 masked %reduce_min3A_442 : vector<16xi32>, vector<16xi1> -> vector<16xi32>
          %reduce_min3A_447 = arith.xori %reduce_min3A_446, %reduce_min3A_444 : vector<16xi32>
          %reduce_min3A_448 = vector.extract %reduce_min3A_447[15] : i32 from vector<16xi32>
          %broadcast_in_dim3A_449 = vector.broadcast %reduce_min3A_448 : i32 to vector<16xi32>
          %eq3A_450 = arith.cmpi eq, %scan3A_434#1, %broadcast_in_dim3A_449 : vector<16xi32>
          %and3A = arith.andi %eq3A_440, %eq3A_450 : vector<16xi1>
          %select_n3A_451 = arith.select %and3A, %scan3A_434#2, %broadcast_in_dim3A_5 : vector<16xi1>, vector<16xi32>
          %reduce_min3A_452 = arith.constant true
          %reduce_min3A_453 = vector.broadcast %reduce_min3A_452 : i1 to vector<16xi1>
          %reduce_min3A_454 = arith.constant -2147483648 : i32
          %reduce_min3A_455 = vector.broadcast %reduce_min3A_454 : i32 to vector<16xi32>
          %reduce_min3A_456 = arith.xori %select_n3A_451, %reduce_min3A_455 : vector<16xi32>
          %reduce_min3A_457 = tpu.scan <min>, %reduce_min3A_456 masked %reduce_min3A_453 : vector<16xi32>, vector<16xi1> -> vector<16xi32>
          %reduce_min3A_458 = arith.xori %reduce_min3A_457, %reduce_min3A_455 : vector<16xi32>
          %reduce_min3A_459 = vector.extract %reduce_min3A_458[15] : i32 from vector<16xi32>
          %broadcast_in_dim3A_460 = vector.broadcast %reduce_min3A_459 : i32 to vector<16xi32>
          tpu.vector_store_idx %arg6[%broadcast_in_dim3A_460], %broadcast_in_dim3A_3 masked %eq3A_2 : memref<1024xf32, #tpu.memory_space<vmem>>[vector<16xi32>], vector<16xf32>, vector<16xi1>
          tpu.vector_store_idx %arg8[%scan3A_429], %broadcast_in_dim3A_449 masked %eq3A_2 : memref<2048xi32, #tpu.memory_space<vmem>>[vector<16xi32>], vector<16xi32>, vector<16xi1>
          %add3A_461 = arith.constant 1 : i32
          %add3A_462 = vector.broadcast %add3A_461 : i32 to vector<16xi32>
          %add3A_463 = arith.addi %scan3A_429, %add3A_462 : vector<16xi32>
          scf.yield %add3A_463 : vector<16xi32>
        }
        %scan3A_426 = arith.constant 32 : i32
        %cond3A_427 = arith.constant 0 : i32
        scf.yield %cond3A_427 : i32
      } else {
        %scan3A_421 = arith.constant 0 : i32
        %scan3A_422 = arith.constant 32 : i32
        %scan3A_423 = arith.addi %scan3A_421, %scan3A_422 : i32
        %scan3A_424 = arith.constant 1 : i32
        %scan3A_425 = scf.for %scan3A_428 = %scan3A_421 to %scan3A_423 step %scan3A_424 iter_args(%scan3A_429 = %add3A_216) -> (vector<16xi32>)  : i32 {
          %while3A = arith.constant 0 : i32
          %while3A_430 = arith.subi %min3A_210, %while3A : i32
          %while3A_431 = arith.addi %while3A, %while3A_430 : i32
          %while3A_432 = arith.constant 1 : i32
          %while3A_433 = arith.divsi %while3A_430, %while3A_432 : i32
          %while3A_434 = arith.muli %while3A_433, %while3A_432 : i32
          %while3A_435 = arith.addi %while3A, %while3A_434 : i32
          %while3A_436 = arith.constant 1 : i32
          %while3A_437:3 = scf.for %while3A_468 = %while3A to %while3A_435 step %while3A_436 iter_args(%while3A_469 = %broadcast_in_dim3A_3, %while3A_470 = %broadcast_in_dim3A_5, %while3A_471 = %broadcast_in_dim3A_5) -> (vector<16xf32>, vector<16xi32>, vector<16xi32>)  : i32 {
            %mul3A_472 = arith.constant 16 : i32
            %mul3A_473 = arith.muli %while3A_468, %mul3A_472 : i32
            %get3A = arith.index_cast %mul3A_473 : i32 to index
            %get3A_474 = tpu.vector_load %arg6[%get3A] {strides = array<i32>} : memref<1024xf32, #tpu.memory_space<vmem>>, vector<16xf32>,
            %mul3A_475 = arith.constant 16 : i32
            %mul3A_476 = arith.muli %while3A_468, %mul3A_475 : i32
            %get3A_477 = arith.index_cast %mul3A_476 : i32 to index
            %get3A_478 = tpu.vector_load %arg7[%get3A_477] {strides = array<i32>} : memref<1024xi32, #tpu.memory_space<vmem>>, vector<16xi32>,
            %mul3A_479 = arith.constant 16 : i32
            %mul3A_480 = arith.muli %while3A_468, %mul3A_479 : i32
            %add3A_481 = vector.broadcast %mul3A_480 : i32 to vector<16xi32>
            %add3A_482 = arith.addi %add3A_481, %iota3A : vector<16xi32>
            %lt3A = arith.cmpf olt, %get3A_474, %while3A_469 : vector<16xf32>
            %eq3A_483 = arith.cmpf oeq, %get3A_474, %while3A_469 : vector<16xf32>
            %lt3A_484 = arith.cmpi slt, %get3A_478, %while3A_470 : vector<16xi32>
            %and3A_485 = arith.andi %eq3A_483, %lt3A_484 : vector<16xi1>
            %or3A = arith.ori %lt3A, %and3A_485 : vector<16xi1>
            %select_n3A_486 = arith.select %or3A, %get3A_474, %while3A_469 : vector<16xi1>, vector<16xf32>
            %select_n3A_487 = arith.select %or3A, %get3A_478, %while3A_470 : vector<16xi1>, vector<16xi32>
            %select_n3A_488 = arith.select %or3A, %add3A_482, %while3A_471 : vector<16xi1>, vector<16xi32>
            scf.yield %select_n3A_486, %select_n3A_487, %select_n3A_488 : vector<16xf32>, vector<16xi32>, vector<16xi32>
          }
          %while3A_438 = arith.constant 1 : i32
          %while3A_439:3 = scf.for %while3A_468 = %while3A_435 to %while3A_431 step %while3A_438 iter_args(%while3A_469 = %while3A_437#0, %while3A_470 = %while3A_437#1, %while3A_471 = %while3A_437#2) -> (vector<16xf32>, vector<16xi32>, vector<16xi32>)  : i32 {
            %mul3A_472 = arith.constant 16 : i32
            %mul3A_473 = arith.muli %while3A_468, %mul3A_472 : i32
            %get3A = arith.index_cast %mul3A_473 : i32 to index
            %get3A_474 = tpu.vector_load %arg6[%get3A] {strides = array<i32>} : memref<1024xf32, #tpu.memory_space<vmem>>, vector<16xf32>,
            %mul3A_475 = arith.constant 16 : i32
            %mul3A_476 = arith.muli %while3A_468, %mul3A_475 : i32
            %get3A_477 = arith.index_cast %mul3A_476 : i32 to index
            %get3A_478 = tpu.vector_load %arg7[%get3A_477] {strides = array<i32>} : memref<1024xi32, #tpu.memory_space<vmem>>, vector<16xi32>,
            %mul3A_479 = arith.constant 16 : i32
            %mul3A_480 = arith.muli %while3A_468, %mul3A_479 : i32
            %add3A_481 = vector.broadcast %mul3A_480 : i32 to vector<16xi32>
            %add3A_482 = arith.addi %add3A_481, %iota3A : vector<16xi32>
            %lt3A = arith.cmpf olt, %get3A_474, %while3A_469 : vector<16xf32>
            %eq3A_483 = arith.cmpf oeq, %get3A_474, %while3A_469 : vector<16xf32>
            %lt3A_484 = arith.cmpi slt, %get3A_478, %while3A_470 : vector<16xi32>
            %and3A_485 = arith.andi %eq3A_483, %lt3A_484 : vector<16xi1>
            %or3A = arith.ori %lt3A, %and3A_485 : vector<16xi1>
            %select_n3A_486 = arith.select %or3A, %get3A_474, %while3A_469 : vector<16xi1>, vector<16xf32>
            %select_n3A_487 = arith.select %or3A, %get3A_478, %while3A_470 : vector<16xi1>, vector<16xi32>
            %select_n3A_488 = arith.select %or3A, %add3A_482, %while3A_471 : vector<16xi1>, vector<16xi32>
            scf.yield %select_n3A_486, %select_n3A_487, %select_n3A_488 : vector<16xf32>, vector<16xi32>, vector<16xi32>
          }
          %reduce_min3A = arith.constant true
          %reduce_min3A_440 = vector.broadcast %reduce_min3A : i1 to vector<16xi1>
          %reduce_min3A_441 = tpu.scan <min>, %while3A_439#0 masked %reduce_min3A_440 : vector<16xf32>, vector<16xi1> -> vector<16xf32>
          %reduce_min3A_442 = vector.extract %reduce_min3A_441[15] : f32 from vector<16xf32>
          %broadcast_in_dim3A_443 = vector.broadcast %reduce_min3A_442 : f32 to vector<16xf32>
          %eq3A_444 = arith.cmpf oeq, %while3A_439#0, %broadcast_in_dim3A_443 : vector<16xf32>
          %select_n3A = arith.select %eq3A_444, %while3A_439#1, %broadcast_in_dim3A_5 : vector<16xi1>, vector<16xi32>
          %reduce_min3A_445 = arith.constant true
          %reduce_min3A_446 = vector.broadcast %reduce_min3A_445 : i1 to vector<16xi1>
          %reduce_min3A_447 = arith.constant -2147483648 : i32
          %reduce_min3A_448 = vector.broadcast %reduce_min3A_447 : i32 to vector<16xi32>
          %reduce_min3A_449 = arith.xori %select_n3A, %reduce_min3A_448 : vector<16xi32>
          %reduce_min3A_450 = tpu.scan <min>, %reduce_min3A_449 masked %reduce_min3A_446 : vector<16xi32>, vector<16xi1> -> vector<16xi32>
          %reduce_min3A_451 = arith.xori %reduce_min3A_450, %reduce_min3A_448 : vector<16xi32>
          %reduce_min3A_452 = vector.extract %reduce_min3A_451[15] : i32 from vector<16xi32>
          %broadcast_in_dim3A_453 = vector.broadcast %reduce_min3A_452 : i32 to vector<16xi32>
          %eq3A_454 = arith.cmpi eq, %while3A_439#1, %broadcast_in_dim3A_453 : vector<16xi32>
          %and3A = arith.andi %eq3A_444, %eq3A_454 : vector<16xi1>
          %select_n3A_455 = arith.select %and3A, %while3A_439#2, %broadcast_in_dim3A_5 : vector<16xi1>, vector<16xi32>
          %reduce_min3A_456 = arith.constant true
          %reduce_min3A_457 = vector.broadcast %reduce_min3A_456 : i1 to vector<16xi1>
          %reduce_min3A_458 = arith.constant -2147483648 : i32
          %reduce_min3A_459 = vector.broadcast %reduce_min3A_458 : i32 to vector<16xi32>
          %reduce_min3A_460 = arith.xori %select_n3A_455, %reduce_min3A_459 : vector<16xi32>
          %reduce_min3A_461 = tpu.scan <min>, %reduce_min3A_460 masked %reduce_min3A_457 : vector<16xi32>, vector<16xi1> -> vector<16xi32>
          %reduce_min3A_462 = arith.xori %reduce_min3A_461, %reduce_min3A_459 : vector<16xi32>
          %reduce_min3A_463 = vector.extract %reduce_min3A_462[15] : i32 from vector<16xi32>
          %broadcast_in_dim3A_464 = vector.broadcast %reduce_min3A_463 : i32 to vector<16xi32>
          tpu.vector_store_idx %arg6[%broadcast_in_dim3A_464], %broadcast_in_dim3A_3 masked %eq3A_2 : memref<1024xf32, #tpu.memory_space<vmem>>[vector<16xi32>], vector<16xf32>, vector<16xi1>
          tpu.vector_store_idx %arg8[%scan3A_429], %broadcast_in_dim3A_453 masked %eq3A_2 : memref<2048xi32, #tpu.memory_space<vmem>>[vector<16xi32>], vector<16xi32>, vector<16xi1>
          %add3A_465 = arith.constant 1 : i32
          %add3A_466 = vector.broadcast %add3A_465 : i32 to vector<16xi32>
          %add3A_467 = arith.addi %scan3A_429, %add3A_466 : vector<16xi32>
          scf.yield %add3A_467 : vector<16xi32>
        }
        %scan3A_426 = arith.constant 32 : i32
        %cond3A_427 = arith.constant 0 : i32
        scf.yield %cond3A_427 : i32
      }
      %add3A_220 = arith.constant 2 : i32
      %add3A_221 = arith.addi %mul3A_48, %add3A_220 : i32
      %add3A_222 = arith.addi %mul3A_7, %add3A_221 : i32
      %min3A_223 = arith.constant 2047 : i32
      %min3A_224 = arith.minsi %add3A_222, %min3A_223 : i32
      %mul3A_225 = arith.constant 16384 : i32
      %mul3A_226 = arith.muli %min3A_224, %mul3A_225 : i32
      %dma_start3A_227 = tpu.memref_slice %arg2[%mul3A_226] : memref<33554432xf32, #tpu.memory_space<hbm>> -> memref<16384xf32, #tpu.memory_space<hbm>>
      %dma_start3A_228 = tpu.memref_slice %arg2[%mul3A_226] : memref<33554432xf32, #tpu.memory_space<hbm>> -> memref<16384xf32, #tpu.memory_space<hbm>>
      tpu.enqueue_dma source(%dma_start3A_228 : memref<16384xf32, #tpu.memory_space<hbm>>) target(%arg4 : memref<16384xf32, #tpu.memory_space<vmem>>) target_semaphore(%arg9 : memref<!tpu.dma_semaphore, #tpu.memory_space<semaphore_mem>>)
      %add3A_229 = arith.constant 1 : i32
      %add3A_230 = arith.addi %mul3A_48, %add3A_229 : i32
      %add3A_231 = arith.addi %mul3A_7, %add3A_230 : i32
      %min3A_232 = arith.constant 2047 : i32
      %min3A_233 = arith.minsi %add3A_231, %min3A_232 : i32
      %mul3A_234 = arith.constant 16384 : i32
      %mul3A_235 = arith.muli %min3A_233, %mul3A_234 : i32
      %dma_wait3A_236 = tpu.memref_slice %arg2[%mul3A_235] : memref<33554432xf32, #tpu.memory_space<hbm>> -> memref<16384xf32, #tpu.memory_space<hbm>>
      %dma_wait3A_237 = tpu.memref_slice %arg2[%mul3A_235] : memref<33554432xf32, #tpu.memory_space<hbm>> -> memref<16384xf32, #tpu.memory_space<hbm>>
      tpu.wait_dma2 semaphore(%arg10 : memref<!tpu.dma_semaphore, #tpu.memory_space<semaphore_mem>>) src(%dma_wait3A_237 : memref<16384xf32, #tpu.memory_space<hbm>>) dst(%arg5 : memref<16384xf32, #tpu.memory_space<vmem>>)
      %add3A_238 = arith.constant 1 : i32
      %add3A_239 = arith.addi %mul3A_48, %add3A_238 : i32
      %scan3A_240 = arith.constant 0 : i32
      %scan3A_241 = arith.constant 1024 : i32
      %scan3A_242 = arith.addi %scan3A_240, %scan3A_241 : i32
      %scan3A_243 = arith.constant 16 : i32
      %scan3A_244:2 = scf.for %scan3A_421 = %scan3A_240 to %scan3A_242 step %scan3A_243 iter_args(%scan3A_422 = %broadcast_in_dim3A_3, %scan3A_423 = %broadcast_in_dim3A_3) -> (vector<16xf32>, vector<16xf32>)  : i32 {
        %mul3A_424 = arith.constant 16 : i32
        %mul3A_425 = arith.muli %scan3A_421, %mul3A_424 : i32
        %get3A = arith.index_cast %mul3A_425 : i32 to index
        %get3A_426 = tpu.vector_load %arg5[%get3A] {strides = array<i32>} : memref<16384xf32, #tpu.memory_space<vmem>>, vector<16xf32>,
        %max3A = arith.maximumf %scan3A_422, %get3A_426 : vector<16xf32>
        %min3A_427 = arith.minimumf %scan3A_422, %get3A_426 : vector<16xf32>
        %min3A_428 = arith.minimumf %scan3A_423, %max3A : vector<16xf32>
        %scan3A_429 = arith.constant 1 : i32
        %scan3A_430 = arith.addi %scan3A_421, %scan3A_429 : i32
        %mul3A_431 = arith.constant 16 : i32
        %mul3A_432 = arith.muli %scan3A_430, %mul3A_431 : i32
        %get3A_433 = arith.index_cast %mul3A_432 : i32 to index
        %get3A_434 = tpu.vector_load %arg5[%get3A_433] {strides = array<i32>} : memref<16384xf32, #tpu.memory_space<vmem>>, vector<16xf32>,
        %max3A_435 = arith.maximumf %min3A_427, %get3A_434 : vector<16xf32>
        %min3A_436 = arith.minimumf %min3A_427, %get3A_434 : vector<16xf32>
        %min3A_437 = arith.minimumf %min3A_428, %max3A_435 : vector<16xf32>
        %scan3A_438 = arith.constant 2 : i32
        %scan3A_439 = arith.addi %scan3A_421, %scan3A_438 : i32
        %mul3A_440 = arith.constant 16 : i32
        %mul3A_441 = arith.muli %scan3A_439, %mul3A_440 : i32
        %get3A_442 = arith.index_cast %mul3A_441 : i32 to index
        %get3A_443 = tpu.vector_load %arg5[%get3A_442] {strides = array<i32>} : memref<16384xf32, #tpu.memory_space<vmem>>, vector<16xf32>,
        %max3A_444 = arith.maximumf %min3A_436, %get3A_443 : vector<16xf32>
        %min3A_445 = arith.minimumf %min3A_436, %get3A_443 : vector<16xf32>
        %min3A_446 = arith.minimumf %min3A_437, %max3A_444 : vector<16xf32>
        %scan3A_447 = arith.constant 3 : i32
        %scan3A_448 = arith.addi %scan3A_421, %scan3A_447 : i32
        %mul3A_449 = arith.constant 16 : i32
        %mul3A_450 = arith.muli %scan3A_448, %mul3A_449 : i32
        %get3A_451 = arith.index_cast %mul3A_450 : i32 to index
        %get3A_452 = tpu.vector_load %arg5[%get3A_451] {strides = array<i32>} : memref<16384xf32, #tpu.memory_space<vmem>>, vector<16xf32>,
        %max3A_453 = arith.maximumf %min3A_445, %get3A_452 : vector<16xf32>
        %min3A_454 = arith.minimumf %min3A_445, %get3A_452 : vector<16xf32>
        %min3A_455 = arith.minimumf %min3A_446, %max3A_453 : vector<16xf32>
        %scan3A_456 = arith.constant 4 : i32
        %scan3A_457 = arith.addi %scan3A_421, %scan3A_456 : i32
        %mul3A_458 = arith.constant 16 : i32
        %mul3A_459 = arith.muli %scan3A_457, %mul3A_458 : i32
        %get3A_460 = arith.index_cast %mul3A_459 : i32 to index
        %get3A_461 = tpu.vector_load %arg5[%get3A_460] {strides = array<i32>} : memref<16384xf32, #tpu.memory_space<vmem>>, vector<16xf32>,
        %max3A_462 = arith.maximumf %min3A_454, %get3A_461 : vector<16xf32>
        %min3A_463 = arith.minimumf %min3A_454, %get3A_461 : vector<16xf32>
        %min3A_464 = arith.minimumf %min3A_455, %max3A_462 : vector<16xf32>
        %scan3A_465 = arith.constant 5 : i32
        %scan3A_466 = arith.addi %scan3A_421, %scan3A_465 : i32
        %mul3A_467 = arith.constant 16 : i32
        %mul3A_468 = arith.muli %scan3A_466, %mul3A_467 : i32
        %get3A_469 = arith.index_cast %mul3A_468 : i32 to index
        %get3A_470 = tpu.vector_load %arg5[%get3A_469] {strides = array<i32>} : memref<16384xf32, #tpu.memory_space<vmem>>, vector<16xf32>,
        %max3A_471 = arith.maximumf %min3A_463, %get3A_470 : vector<16xf32>
        %min3A_472 = arith.minimumf %min3A_463, %get3A_470 : vector<16xf32>
        %min3A_473 = arith.minimumf %min3A_464, %max3A_471 : vector<16xf32>
        %scan3A_474 = arith.constant 6 : i32
        %scan3A_475 = arith.addi %scan3A_421, %scan3A_474 : i32
        %mul3A_476 = arith.constant 16 : i32
        %mul3A_477 = arith.muli %scan3A_475, %mul3A_476 : i32
        %get3A_478 = arith.index_cast %mul3A_477 : i32 to index
        %get3A_479 = tpu.vector_load %arg5[%get3A_478] {strides = array<i32>} : memref<16384xf32, #tpu.memory_space<vmem>>, vector<16xf32>,
        %max3A_480 = arith.maximumf %min3A_472, %get3A_479 : vector<16xf32>
        %min3A_481 = arith.minimumf %min3A_472, %get3A_479 : vector<16xf32>
        %min3A_482 = arith.minimumf %min3A_473, %max3A_480 : vector<16xf32>
        %scan3A_483 = arith.constant 7 : i32
        %scan3A_484 = arith.addi %scan3A_421, %scan3A_483 : i32
        %mul3A_485 = arith.constant 16 : i32
        %mul3A_486 = arith.muli %scan3A_484, %mul3A_485 : i32
        %get3A_487 = arith.index_cast %mul3A_486 : i32 to index
        %get3A_488 = tpu.vector_load %arg5[%get3A_487] {strides = array<i32>} : memref<16384xf32, #tpu.memory_space<vmem>>, vector<16xf32>,
        %max3A_489 = arith.maximumf %min3A_481, %get3A_488 : vector<16xf32>
        %min3A_490 = arith.minimumf %min3A_481, %get3A_488 : vector<16xf32>
        %min3A_491 = arith.minimumf %min3A_482, %max3A_489 : vector<16xf32>
        %scan3A_492 = arith.constant 8 : i32
        %scan3A_493 = arith.addi %scan3A_421, %scan3A_492 : i32
        %mul3A_494 = arith.constant 16 : i32
        %mul3A_495 = arith.muli %scan3A_493, %mul3A_494 : i32
        %get3A_496 = arith.index_cast %mul3A_495 : i32 to index
        %get3A_497 = tpu.vector_load %arg5[%get3A_496] {strides = array<i32>} : memref<16384xf32, #tpu.memory_space<vmem>>, vector<16xf32>,
        %max3A_498 = arith.maximumf %min3A_490, %get3A_497 : vector<16xf32>
        %min3A_499 = arith.minimumf %min3A_490, %get3A_497 : vector<16xf32>
        %min3A_500 = arith.minimumf %min3A_491, %max3A_498 : vector<16xf32>
        %scan3A_501 = arith.constant 9 : i32
        %scan3A_502 = arith.addi %scan3A_421, %scan3A_501 : i32
        %mul3A_503 = arith.constant 16 : i32
        %mul3A_504 = arith.muli %scan3A_502, %mul3A_503 : i32
        %get3A_505 = arith.index_cast %mul3A_504 : i32 to index
        %get3A_506 = tpu.vector_load %arg5[%get3A_505] {strides = array<i32>} : memref<16384xf32, #tpu.memory_space<vmem>>, vector<16xf32>,
        %max3A_507 = arith.maximumf %min3A_499, %get3A_506 : vector<16xf32>
        %min3A_508 = arith.minimumf %min3A_499, %get3A_506 : vector<16xf32>
        %min3A_509 = arith.minimumf %min3A_500, %max3A_507 : vector<16xf32>
        %scan3A_510 = arith.constant 10 : i32
        %scan3A_511 = arith.addi %scan3A_421, %scan3A_510 : i32
        %mul3A_512 = arith.constant 16 : i32
        %mul3A_513 = arith.muli %scan3A_511, %mul3A_512 : i32
        %get3A_514 = arith.index_cast %mul3A_513 : i32 to index
        %get3A_515 = tpu.vector_load %arg5[%get3A_514] {strides = array<i32>} : memref<16384xf32, #tpu.memory_space<vmem>>, vector<16xf32>,
        %max3A_516 = arith.maximumf %min3A_508, %get3A_515 : vector<16xf32>
        %min3A_517 = arith.minimumf %min3A_508, %get3A_515 : vector<16xf32>
        %min3A_518 = arith.minimumf %min3A_509, %max3A_516 : vector<16xf32>
        %scan3A_519 = arith.constant 11 : i32
        %scan3A_520 = arith.addi %scan3A_421, %scan3A_519 : i32
        %mul3A_521 = arith.constant 16 : i32
        %mul3A_522 = arith.muli %scan3A_520, %mul3A_521 : i32
        %get3A_523 = arith.index_cast %mul3A_522 : i32 to index
        %get3A_524 = tpu.vector_load %arg5[%get3A_523] {strides = array<i32>} : memref<16384xf32, #tpu.memory_space<vmem>>, vector<16xf32>,
        %max3A_525 = arith.maximumf %min3A_517, %get3A_524 : vector<16xf32>
        %min3A_526 = arith.minimumf %min3A_517, %get3A_524 : vector<16xf32>
        %min3A_527 = arith.minimumf %min3A_518, %max3A_525 : vector<16xf32>
        %scan3A_528 = arith.constant 12 : i32
        %scan3A_529 = arith.addi %scan3A_421, %scan3A_528 : i32
        %mul3A_530 = arith.constant 16 : i32
        %mul3A_531 = arith.muli %scan3A_529, %mul3A_530 : i32
        %get3A_532 = arith.index_cast %mul3A_531 : i32 to index
        %get3A_533 = tpu.vector_load %arg5[%get3A_532] {strides = array<i32>} : memref<16384xf32, #tpu.memory_space<vmem>>, vector<16xf32>,
        %max3A_534 = arith.maximumf %min3A_526, %get3A_533 : vector<16xf32>
        %min3A_535 = arith.minimumf %min3A_526, %get3A_533 : vector<16xf32>
        %min3A_536 = arith.minimumf %min3A_527, %max3A_534 : vector<16xf32>
        %scan3A_537 = arith.constant 13 : i32
        %scan3A_538 = arith.addi %scan3A_421, %scan3A_537 : i32
        %mul3A_539 = arith.constant 16 : i32
        %mul3A_540 = arith.muli %scan3A_538, %mul3A_539 : i32
        %get3A_541 = arith.index_cast %mul3A_540 : i32 to index
        %get3A_542 = tpu.vector_load %arg5[%get3A_541] {strides = array<i32>} : memref<16384xf32, #tpu.memory_space<vmem>>, vector<16xf32>,
        %max3A_543 = arith.maximumf %min3A_535, %get3A_542 : vector<16xf32>
        %min3A_544 = arith.minimumf %min3A_535, %get3A_542 : vector<16xf32>
        %min3A_545 = arith.minimumf %min3A_536, %max3A_543 : vector<16xf32>
        %scan3A_546 = arith.constant 14 : i32
        %scan3A_547 = arith.addi %scan3A_421, %scan3A_546 : i32
        %mul3A_548 = arith.constant 16 : i32
        %mul3A_549 = arith.muli %scan3A_547, %mul3A_548 : i32
        %get3A_550 = arith.index_cast %mul3A_549 : i32 to index
        %get3A_551 = tpu.vector_load %arg5[%get3A_550] {strides = array<i32>} : memref<16384xf32, #tpu.memory_space<vmem>>, vector<16xf32>,
        %max3A_552 = arith.maximumf %min3A_544, %get3A_551 : vector<16xf32>
        %min3A_553 = arith.minimumf %min3A_544, %get3A_551 : vector<16xf32>
        %min3A_554 = arith.minimumf %min3A_545, %max3A_552 : vector<16xf32>
        %scan3A_555 = arith.constant 15 : i32
        %scan3A_556 = arith.addi %scan3A_421, %scan3A_555 : i32
        %mul3A_557 = arith.constant 16 : i32
        %mul3A_558 = arith.muli %scan3A_556, %mul3A_557 : i32
        %get3A_559 = arith.index_cast %mul3A_558 : i32 to index
        %get3A_560 = tpu.vector_load %arg5[%get3A_559] {strides = array<i32>} : memref<16384xf32, #tpu.memory_space<vmem>>, vector<16xf32>,
        %max3A_561 = arith.maximumf %min3A_553, %get3A_560 : vector<16xf32>
        %min3A_562 = arith.minimumf %min3A_553, %get3A_560 : vector<16xf32>
        %min3A_563 = arith.minimumf %min3A_554, %max3A_561 : vector<16xf32>
        scf.yield %min3A_562, %min3A_563 : vector<16xf32>, vector<16xf32>
      }
      %scan3A_245 = arith.constant 1024 : i32
      %reduce_max3A_246 = arith.constant true
      %reduce_max3A_247 = vector.broadcast %reduce_max3A_246 : i1 to vector<16xi1>
      %reduce_max3A_248 = tpu.scan <max>, %scan3A_244#1 masked %reduce_max3A_247 : vector<16xf32>, vector<16xi1> -> vector<16xf32>
      %reduce_max3A_249 = vector.extract %reduce_max3A_248[15] : f32 from vector<16xf32>
      %broadcast_in_dim3A_250 = vector.broadcast %reduce_max3A_249 : f32 to vector<16xf32>
      %swap3A_251 = arith.constant 0 : index
      %swap3A_252 = tpu.vector_load %arg6[%swap3A_251] {strides = array<i32>} : memref<1024xf32, #tpu.memory_space<vmem>>, vector<16xf32>,
      tpu.vector_store %arg6[%swap3A_251], %broadcast_in_dim3A_3 {strides = array<i32>} : memref<1024xf32, #tpu.memory_space<vmem>>, vector<16xf32>,
      %swap3A_253 = arith.constant 16 : index
      %swap3A_254 = tpu.vector_load %arg6[%swap3A_253] {strides = array<i32>} : memref<1024xf32, #tpu.memory_space<vmem>>, vector<16xf32>,
      tpu.vector_store %arg6[%swap3A_253], %broadcast_in_dim3A_3 {strides = array<i32>} : memref<1024xf32, #tpu.memory_space<vmem>>, vector<16xf32>,
      %swap3A_255 = arith.constant 32 : index
      %swap3A_256 = tpu.vector_load %arg6[%swap3A_255] {strides = array<i32>} : memref<1024xf32, #tpu.memory_space<vmem>>, vector<16xf32>,
      tpu.vector_store %arg6[%swap3A_255], %broadcast_in_dim3A_3 {strides = array<i32>} : memref<1024xf32, #tpu.memory_space<vmem>>, vector<16xf32>,
      %swap3A_257 = arith.constant 48 : index
      %swap3A_258 = tpu.vector_load %arg6[%swap3A_257] {strides = array<i32>} : memref<1024xf32, #tpu.memory_space<vmem>>, vector<16xf32>,
      tpu.vector_store %arg6[%swap3A_257], %broadcast_in_dim3A_3 {strides = array<i32>} : memref<1024xf32, #tpu.memory_space<vmem>>, vector<16xf32>,
      %swap3A_259 = arith.constant 64 : index
      %swap3A_260 = tpu.vector_load %arg6[%swap3A_259] {strides = array<i32>} : memref<1024xf32, #tpu.memory_space<vmem>>, vector<16xf32>,
      tpu.vector_store %arg6[%swap3A_259], %broadcast_in_dim3A_3 {strides = array<i32>} : memref<1024xf32, #tpu.memory_space<vmem>>, vector<16xf32>,
      %swap3A_261 = arith.constant 80 : index
      %swap3A_262 = tpu.vector_load %arg6[%swap3A_261] {strides = array<i32>} : memref<1024xf32, #tpu.memory_space<vmem>>, vector<16xf32>,
      tpu.vector_store %arg6[%swap3A_261], %broadcast_in_dim3A_3 {strides = array<i32>} : memref<1024xf32, #tpu.memory_space<vmem>>, vector<16xf32>,
      %swap3A_263 = arith.constant 96 : index
      %swap3A_264 = tpu.vector_load %arg6[%swap3A_263] {strides = array<i32>} : memref<1024xf32, #tpu.memory_space<vmem>>, vector<16xf32>,
      tpu.vector_store %arg6[%swap3A_263], %broadcast_in_dim3A_3 {strides = array<i32>} : memref<1024xf32, #tpu.memory_space<vmem>>, vector<16xf32>,
      %swap3A_265 = arith.constant 112 : index
      %swap3A_266 = tpu.vector_load %arg6[%swap3A_265] {strides = array<i32>} : memref<1024xf32, #tpu.memory_space<vmem>>, vector<16xf32>,
      tpu.vector_store %arg6[%swap3A_265], %broadcast_in_dim3A_3 {strides = array<i32>} : memref<1024xf32, #tpu.memory_space<vmem>>, vector<16xf32>,
      %swap3A_267 = arith.constant 128 : index
      %swap3A_268 = tpu.vector_load %arg6[%swap3A_267] {strides = array<i32>} : memref<1024xf32, #tpu.memory_space<vmem>>, vector<16xf32>,
      tpu.vector_store %arg6[%swap3A_267], %broadcast_in_dim3A_3 {strides = array<i32>} : memref<1024xf32, #tpu.memory_space<vmem>>, vector<16xf32>,
      %swap3A_269 = arith.constant 144 : index
      %swap3A_270 = tpu.vector_load %arg6[%swap3A_269] {strides = array<i32>} : memref<1024xf32, #tpu.memory_space<vmem>>, vector<16xf32>,
      tpu.vector_store %arg6[%swap3A_269], %broadcast_in_dim3A_3 {strides = array<i32>} : memref<1024xf32, #tpu.memory_space<vmem>>, vector<16xf32>,
      %swap3A_271 = arith.constant 160 : index
      %swap3A_272 = tpu.vector_load %arg6[%swap3A_271] {strides = array<i32>} : memref<1024xf32, #tpu.memory_space<vmem>>, vector<16xf32>,
      tpu.vector_store %arg6[%swap3A_271], %broadcast_in_dim3A_3 {strides = array<i32>} : memref<1024xf32, #tpu.memory_space<vmem>>, vector<16xf32>,
      %swap3A_273 = arith.constant 176 : index
      %swap3A_274 = tpu.vector_load %arg6[%swap3A_273] {strides = array<i32>} : memref<1024xf32, #tpu.memory_space<vmem>>, vector<16xf32>,
      tpu.vector_store %arg6[%swap3A_273], %broadcast_in_dim3A_3 {strides = array<i32>} : memref<1024xf32, #tpu.memory_space<vmem>>, vector<16xf32>,
      %swap3A_275 = arith.constant 192 : index
      %swap3A_276 = tpu.vector_load %arg6[%swap3A_275] {strides = array<i32>} : memref<1024xf32, #tpu.memory_space<vmem>>, vector<16xf32>,
      tpu.vector_store %arg6[%swap3A_275], %broadcast_in_dim3A_3 {strides = array<i32>} : memref<1024xf32, #tpu.memory_space<vmem>>, vector<16xf32>,
      %swap3A_277 = arith.constant 208 : index
      %swap3A_278 = tpu.vector_load %arg6[%swap3A_277] {strides = array<i32>} : memref<1024xf32, #tpu.memory_space<vmem>>, vector<16xf32>,
      tpu.vector_store %arg6[%swap3A_277], %broadcast_in_dim3A_3 {strides = array<i32>} : memref<1024xf32, #tpu.memory_space<vmem>>, vector<16xf32>,
      %swap3A_279 = arith.constant 224 : index
      %swap3A_280 = tpu.vector_load %arg6[%swap3A_279] {strides = array<i32>} : memref<1024xf32, #tpu.memory_space<vmem>>, vector<16xf32>,
      tpu.vector_store %arg6[%swap3A_279], %broadcast_in_dim3A_3 {strides = array<i32>} : memref<1024xf32, #tpu.memory_space<vmem>>, vector<16xf32>,
      %swap3A_281 = arith.constant 240 : index
      %swap3A_282 = tpu.vector_load %arg6[%swap3A_281] {strides = array<i32>} : memref<1024xf32, #tpu.memory_space<vmem>>, vector<16xf32>,
      tpu.vector_store %arg6[%swap3A_281], %broadcast_in_dim3A_3 {strides = array<i32>} : memref<1024xf32, #tpu.memory_space<vmem>>, vector<16xf32>,
      %swap3A_283 = arith.constant 256 : index
      %swap3A_284 = tpu.vector_load %arg6[%swap3A_283] {strides = array<i32>} : memref<1024xf32, #tpu.memory_space<vmem>>, vector<16xf32>,
      tpu.vector_store %arg6[%swap3A_283], %broadcast_in_dim3A_3 {strides = array<i32>} : memref<1024xf32, #tpu.memory_space<vmem>>, vector<16xf32>,
      %swap3A_285 = arith.constant 272 : index
      %swap3A_286 = tpu.vector_load %arg6[%swap3A_285] {strides = array<i32>} : memref<1024xf32, #tpu.memory_space<vmem>>, vector<16xf32>,
      tpu.vector_store %arg6[%swap3A_285], %broadcast_in_dim3A_3 {strides = array<i32>} : memref<1024xf32, #tpu.memory_space<vmem>>, vector<16xf32>,
      %swap3A_287 = arith.constant 288 : index
      %swap3A_288 = tpu.vector_load %arg6[%swap3A_287] {strides = array<i32>} : memref<1024xf32, #tpu.memory_space<vmem>>, vector<16xf32>,
      tpu.vector_store %arg6[%swap3A_287], %broadcast_in_dim3A_3 {strides = array<i32>} : memref<1024xf32, #tpu.memory_space<vmem>>, vector<16xf32>,
      %swap3A_289 = arith.constant 304 : index
      %swap3A_290 = tpu.vector_load %arg6[%swap3A_289] {strides = array<i32>} : memref<1024xf32, #tpu.memory_space<vmem>>, vector<16xf32>,
      tpu.vector_store %arg6[%swap3A_289], %broadcast_in_dim3A_3 {strides = array<i32>} : memref<1024xf32, #tpu.memory_space<vmem>>, vector<16xf32>,
      %swap3A_291 = arith.constant 320 : index
      %swap3A_292 = tpu.vector_load %arg6[%swap3A_291] {strides = array<i32>} : memref<1024xf32, #tpu.memory_space<vmem>>, vector<16xf32>,
      tpu.vector_store %arg6[%swap3A_291], %broadcast_in_dim3A_3 {strides = array<i32>} : memref<1024xf32, #tpu.memory_space<vmem>>, vector<16xf32>,
      %swap3A_293 = arith.constant 336 : index
      %swap3A_294 = tpu.vector_load %arg6[%swap3A_293] {strides = array<i32>} : memref<1024xf32, #tpu.memory_space<vmem>>, vector<16xf32>,
      tpu.vector_store %arg6[%swap3A_293], %broadcast_in_dim3A_3 {strides = array<i32>} : memref<1024xf32, #tpu.memory_space<vmem>>, vector<16xf32>,
      %swap3A_295 = arith.constant 352 : index
      %swap3A_296 = tpu.vector_load %arg6[%swap3A_295] {strides = array<i32>} : memref<1024xf32, #tpu.memory_space<vmem>>, vector<16xf32>,
      tpu.vector_store %arg6[%swap3A_295], %broadcast_in_dim3A_3 {strides = array<i32>} : memref<1024xf32, #tpu.memory_space<vmem>>, vector<16xf32>,
      %swap3A_297 = arith.constant 368 : index
      %swap3A_298 = tpu.vector_load %arg6[%swap3A_297] {strides = array<i32>} : memref<1024xf32, #tpu.memory_space<vmem>>, vector<16xf32>,
      tpu.vector_store %arg6[%swap3A_297], %broadcast_in_dim3A_3 {strides = array<i32>} : memref<1024xf32, #tpu.memory_space<vmem>>, vector<16xf32>,
      %swap3A_299 = arith.constant 384 : index
      %swap3A_300 = tpu.vector_load %arg6[%swap3A_299] {strides = array<i32>} : memref<1024xf32, #tpu.memory_space<vmem>>, vector<16xf32>,
      tpu.vector_store %arg6[%swap3A_299], %broadcast_in_dim3A_3 {strides = array<i32>} : memref<1024xf32, #tpu.memory_space<vmem>>, vector<16xf32>,
      %swap3A_301 = arith.constant 400 : index
      %swap3A_302 = tpu.vector_load %arg6[%swap3A_301] {strides = array<i32>} : memref<1024xf32, #tpu.memory_space<vmem>>, vector<16xf32>,
      tpu.vector_store %arg6[%swap3A_301], %broadcast_in_dim3A_3 {strides = array<i32>} : memref<1024xf32, #tpu.memory_space<vmem>>, vector<16xf32>,
      %swap3A_303 = arith.constant 416 : index
      %swap3A_304 = tpu.vector_load %arg6[%swap3A_303] {strides = array<i32>} : memref<1024xf32, #tpu.memory_space<vmem>>, vector<16xf32>,
      tpu.vector_store %arg6[%swap3A_303], %broadcast_in_dim3A_3 {strides = array<i32>} : memref<1024xf32, #tpu.memory_space<vmem>>, vector<16xf32>,
      %swap3A_305 = arith.constant 432 : index
      %swap3A_306 = tpu.vector_load %arg6[%swap3A_305] {strides = array<i32>} : memref<1024xf32, #tpu.memory_space<vmem>>, vector<16xf32>,
      tpu.vector_store %arg6[%swap3A_305], %broadcast_in_dim3A_3 {strides = array<i32>} : memref<1024xf32, #tpu.memory_space<vmem>>, vector<16xf32>,
      %swap3A_307 = arith.constant 448 : index
      %swap3A_308 = tpu.vector_load %arg6[%swap3A_307] {strides = array<i32>} : memref<1024xf32, #tpu.memory_space<vmem>>, vector<16xf32>,
      tpu.vector_store %arg6[%swap3A_307], %broadcast_in_dim3A_3 {strides = array<i32>} : memref<1024xf32, #tpu.memory_space<vmem>>, vector<16xf32>,
      %swap3A_309 = arith.constant 464 : index
      %swap3A_310 = tpu.vector_load %arg6[%swap3A_309] {strides = array<i32>} : memref<1024xf32, #tpu.memory_space<vmem>>, vector<16xf32>,
      tpu.vector_store %arg6[%swap3A_309], %broadcast_in_dim3A_3 {strides = array<i32>} : memref<1024xf32, #tpu.memory_space<vmem>>, vector<16xf32>,
      %swap3A_311 = arith.constant 480 : index
      %swap3A_312 = tpu.vector_load %arg6[%swap3A_311] {strides = array<i32>} : memref<1024xf32, #tpu.memory_space<vmem>>, vector<16xf32>,
      tpu.vector_store %arg6[%swap3A_311], %broadcast_in_dim3A_3 {strides = array<i32>} : memref<1024xf32, #tpu.memory_space<vmem>>, vector<16xf32>,
      %swap3A_313 = arith.constant 496 : index
      %swap3A_314 = tpu.vector_load %arg6[%swap3A_313] {strides = array<i32>} : memref<1024xf32, #tpu.memory_space<vmem>>, vector<16xf32>,
      tpu.vector_store %arg6[%swap3A_313], %broadcast_in_dim3A_3 {strides = array<i32>} : memref<1024xf32, #tpu.memory_space<vmem>>, vector<16xf32>,
      %swap3A_315 = arith.constant 512 : index
      %swap3A_316 = tpu.vector_load %arg6[%swap3A_315] {strides = array<i32>} : memref<1024xf32, #tpu.memory_space<vmem>>, vector<16xf32>,
      tpu.vector_store %arg6[%swap3A_315], %broadcast_in_dim3A_3 {strides = array<i32>} : memref<1024xf32, #tpu.memory_space<vmem>>, vector<16xf32>,
      %swap3A_317 = arith.constant 528 : index
      %swap3A_318 = tpu.vector_load %arg6[%swap3A_317] {strides = array<i32>} : memref<1024xf32, #tpu.memory_space<vmem>>, vector<16xf32>,
      tpu.vector_store %arg6[%swap3A_317], %broadcast_in_dim3A_3 {strides = array<i32>} : memref<1024xf32, #tpu.memory_space<vmem>>, vector<16xf32>,
      %swap3A_319 = arith.constant 544 : index
      %swap3A_320 = tpu.vector_load %arg6[%swap3A_319] {strides = array<i32>} : memref<1024xf32, #tpu.memory_space<vmem>>, vector<16xf32>,
      tpu.vector_store %arg6[%swap3A_319], %broadcast_in_dim3A_3 {strides = array<i32>} : memref<1024xf32, #tpu.memory_space<vmem>>, vector<16xf32>,
      %swap3A_321 = arith.constant 560 : index
      %swap3A_322 = tpu.vector_load %arg6[%swap3A_321] {strides = array<i32>} : memref<1024xf32, #tpu.memory_space<vmem>>, vector<16xf32>,
      tpu.vector_store %arg6[%swap3A_321], %broadcast_in_dim3A_3 {strides = array<i32>} : memref<1024xf32, #tpu.memory_space<vmem>>, vector<16xf32>,
      %swap3A_323 = arith.constant 576 : index
      %swap3A_324 = tpu.vector_load %arg6[%swap3A_323] {strides = array<i32>} : memref<1024xf32, #tpu.memory_space<vmem>>, vector<16xf32>,
      tpu.vector_store %arg6[%swap3A_323], %broadcast_in_dim3A_3 {strides = array<i32>} : memref<1024xf32, #tpu.memory_space<vmem>>, vector<16xf32>,
      %swap3A_325 = arith.constant 592 : index
      %swap3A_326 = tpu.vector_load %arg6[%swap3A_325] {strides = array<i32>} : memref<1024xf32, #tpu.memory_space<vmem>>, vector<16xf32>,
      tpu.vector_store %arg6[%swap3A_325], %broadcast_in_dim3A_3 {strides = array<i32>} : memref<1024xf32, #tpu.memory_space<vmem>>, vector<16xf32>,
      %swap3A_327 = arith.constant 608 : index
      %swap3A_328 = tpu.vector_load %arg6[%swap3A_327] {strides = array<i32>} : memref<1024xf32, #tpu.memory_space<vmem>>, vector<16xf32>,
      tpu.vector_store %arg6[%swap3A_327], %broadcast_in_dim3A_3 {strides = array<i32>} : memref<1024xf32, #tpu.memory_space<vmem>>, vector<16xf32>,
      %swap3A_329 = arith.constant 624 : index
      %swap3A_330 = tpu.vector_load %arg6[%swap3A_329] {strides = array<i32>} : memref<1024xf32, #tpu.memory_space<vmem>>, vector<16xf32>,
      tpu.vector_store %arg6[%swap3A_329], %broadcast_in_dim3A_3 {strides = array<i32>} : memref<1024xf32, #tpu.memory_space<vmem>>, vector<16xf32>,
      %swap3A_331 = arith.constant 640 : index
      %swap3A_332 = tpu.vector_load %arg6[%swap3A_331] {strides = array<i32>} : memref<1024xf32, #tpu.memory_space<vmem>>, vector<16xf32>,
      tpu.vector_store %arg6[%swap3A_331], %broadcast_in_dim3A_3 {strides = array<i32>} : memref<1024xf32, #tpu.memory_space<vmem>>, vector<16xf32>,
      %swap3A_333 = arith.constant 656 : index
      %swap3A_334 = tpu.vector_load %arg6[%swap3A_333] {strides = array<i32>} : memref<1024xf32, #tpu.memory_space<vmem>>, vector<16xf32>,
      tpu.vector_store %arg6[%swap3A_333], %broadcast_in_dim3A_3 {strides = array<i32>} : memref<1024xf32, #tpu.memory_space<vmem>>, vector<16xf32>,
      %swap3A_335 = arith.constant 672 : index
      %swap3A_336 = tpu.vector_load %arg6[%swap3A_335] {strides = array<i32>} : memref<1024xf32, #tpu.memory_space<vmem>>, vector<16xf32>,
      tpu.vector_store %arg6[%swap3A_335], %broadcast_in_dim3A_3 {strides = array<i32>} : memref<1024xf32, #tpu.memory_space<vmem>>, vector<16xf32>,
      %swap3A_337 = arith.constant 688 : index
      %swap3A_338 = tpu.vector_load %arg6[%swap3A_337] {strides = array<i32>} : memref<1024xf32, #tpu.memory_space<vmem>>, vector<16xf32>,
      tpu.vector_store %arg6[%swap3A_337], %broadcast_in_dim3A_3 {strides = array<i32>} : memref<1024xf32, #tpu.memory_space<vmem>>, vector<16xf32>,
      %swap3A_339 = arith.constant 704 : index
      %swap3A_340 = tpu.vector_load %arg6[%swap3A_339] {strides = array<i32>} : memref<1024xf32, #tpu.memory_space<vmem>>, vector<16xf32>,
      tpu.vector_store %arg6[%swap3A_339], %broadcast_in_dim3A_3 {strides = array<i32>} : memref<1024xf32, #tpu.memory_space<vmem>>, vector<16xf32>,
      %swap3A_341 = arith.constant 720 : index
      %swap3A_342 = tpu.vector_load %arg6[%swap3A_341] {strides = array<i32>} : memref<1024xf32, #tpu.memory_space<vmem>>, vector<16xf32>,
      tpu.vector_store %arg6[%swap3A_341], %broadcast_in_dim3A_3 {strides = array<i32>} : memref<1024xf32, #tpu.memory_space<vmem>>, vector<16xf32>,
      %swap3A_343 = arith.constant 736 : index
      %swap3A_344 = tpu.vector_load %arg6[%swap3A_343] {strides = array<i32>} : memref<1024xf32, #tpu.memory_space<vmem>>, vector<16xf32>,
      tpu.vector_store %arg6[%swap3A_343], %broadcast_in_dim3A_3 {strides = array<i32>} : memref<1024xf32, #tpu.memory_space<vmem>>, vector<16xf32>,
      %swap3A_345 = arith.constant 752 : index
      %swap3A_346 = tpu.vector_load %arg6[%swap3A_345] {strides = array<i32>} : memref<1024xf32, #tpu.memory_space<vmem>>, vector<16xf32>,
      tpu.vector_store %arg6[%swap3A_345], %broadcast_in_dim3A_3 {strides = array<i32>} : memref<1024xf32, #tpu.memory_space<vmem>>, vector<16xf32>,
      %swap3A_347 = arith.constant 768 : index
      %swap3A_348 = tpu.vector_load %arg6[%swap3A_347] {strides = array<i32>} : memref<1024xf32, #tpu.memory_space<vmem>>, vector<16xf32>,
      tpu.vector_store %arg6[%swap3A_347], %broadcast_in_dim3A_3 {strides = array<i32>} : memref<1024xf32, #tpu.memory_space<vmem>>, vector<16xf32>,
      %swap3A_349 = arith.constant 784 : index
      %swap3A_350 = tpu.vector_load %arg6[%swap3A_349] {strides = array<i32>} : memref<1024xf32, #tpu.memory_space<vmem>>, vector<16xf32>,
      tpu.vector_store %arg6[%swap3A_349], %broadcast_in_dim3A_3 {strides = array<i32>} : memref<1024xf32, #tpu.memory_space<vmem>>, vector<16xf32>,
      %swap3A_351 = arith.constant 800 : index
      %swap3A_352 = tpu.vector_load %arg6[%swap3A_351] {strides = array<i32>} : memref<1024xf32, #tpu.memory_space<vmem>>, vector<16xf32>,
      tpu.vector_store %arg6[%swap3A_351], %broadcast_in_dim3A_3 {strides = array<i32>} : memref<1024xf32, #tpu.memory_space<vmem>>, vector<16xf32>,
      %swap3A_353 = arith.constant 816 : index
      %swap3A_354 = tpu.vector_load %arg6[%swap3A_353] {strides = array<i32>} : memref<1024xf32, #tpu.memory_space<vmem>>, vector<16xf32>,
      tpu.vector_store %arg6[%swap3A_353], %broadcast_in_dim3A_3 {strides = array<i32>} : memref<1024xf32, #tpu.memory_space<vmem>>, vector<16xf32>,
      %swap3A_355 = arith.constant 832 : index
      %swap3A_356 = tpu.vector_load %arg6[%swap3A_355] {strides = array<i32>} : memref<1024xf32, #tpu.memory_space<vmem>>, vector<16xf32>,
      tpu.vector_store %arg6[%swap3A_355], %broadcast_in_dim3A_3 {strides = array<i32>} : memref<1024xf32, #tpu.memory_space<vmem>>, vector<16xf32>,
      %swap3A_357 = arith.constant 848 : index
      %swap3A_358 = tpu.vector_load %arg6[%swap3A_357] {strides = array<i32>} : memref<1024xf32, #tpu.memory_space<vmem>>, vector<16xf32>,
      tpu.vector_store %arg6[%swap3A_357], %broadcast_in_dim3A_3 {strides = array<i32>} : memref<1024xf32, #tpu.memory_space<vmem>>, vector<16xf32>,
      %swap3A_359 = arith.constant 864 : index
      %swap3A_360 = tpu.vector_load %arg6[%swap3A_359] {strides = array<i32>} : memref<1024xf32, #tpu.memory_space<vmem>>, vector<16xf32>,
      tpu.vector_store %arg6[%swap3A_359], %broadcast_in_dim3A_3 {strides = array<i32>} : memref<1024xf32, #tpu.memory_space<vmem>>, vector<16xf32>,
      %swap3A_361 = arith.constant 880 : index
      %swap3A_362 = tpu.vector_load %arg6[%swap3A_361] {strides = array<i32>} : memref<1024xf32, #tpu.memory_space<vmem>>, vector<16xf32>,
      tpu.vector_store %arg6[%swap3A_361], %broadcast_in_dim3A_3 {strides = array<i32>} : memref<1024xf32, #tpu.memory_space<vmem>>, vector<16xf32>,
      %swap3A_363 = arith.constant 896 : index
      %swap3A_364 = tpu.vector_load %arg6[%swap3A_363] {strides = array<i32>} : memref<1024xf32, #tpu.memory_space<vmem>>, vector<16xf32>,
      tpu.vector_store %arg6[%swap3A_363], %broadcast_in_dim3A_3 {strides = array<i32>} : memref<1024xf32, #tpu.memory_space<vmem>>, vector<16xf32>,
      %swap3A_365 = arith.constant 912 : index
      %swap3A_366 = tpu.vector_load %arg6[%swap3A_365] {strides = array<i32>} : memref<1024xf32, #tpu.memory_space<vmem>>, vector<16xf32>,
      tpu.vector_store %arg6[%swap3A_365], %broadcast_in_dim3A_3 {strides = array<i32>} : memref<1024xf32, #tpu.memory_space<vmem>>, vector<16xf32>,
      %swap3A_367 = arith.constant 928 : index
      %swap3A_368 = tpu.vector_load %arg6[%swap3A_367] {strides = array<i32>} : memref<1024xf32, #tpu.memory_space<vmem>>, vector<16xf32>,
      tpu.vector_store %arg6[%swap3A_367], %broadcast_in_dim3A_3 {strides = array<i32>} : memref<1024xf32, #tpu.memory_space<vmem>>, vector<16xf32>,
      %swap3A_369 = arith.constant 944 : index
      %swap3A_370 = tpu.vector_load %arg6[%swap3A_369] {strides = array<i32>} : memref<1024xf32, #tpu.memory_space<vmem>>, vector<16xf32>,
      tpu.vector_store %arg6[%swap3A_369], %broadcast_in_dim3A_3 {strides = array<i32>} : memref<1024xf32, #tpu.memory_space<vmem>>, vector<16xf32>,
      %swap3A_371 = arith.constant 960 : index
      %swap3A_372 = tpu.vector_load %arg6[%swap3A_371] {strides = array<i32>} : memref<1024xf32, #tpu.memory_space<vmem>>, vector<16xf32>,
      tpu.vector_store %arg6[%swap3A_371], %broadcast_in_dim3A_3 {strides = array<i32>} : memref<1024xf32, #tpu.memory_space<vmem>>, vector<16xf32>,
      %swap3A_373 = arith.constant 976 : index
      %swap3A_374 = tpu.vector_load %arg6[%swap3A_373] {strides = array<i32>} : memref<1024xf32, #tpu.memory_space<vmem>>, vector<16xf32>,
      tpu.vector_store %arg6[%swap3A_373], %broadcast_in_dim3A_3 {strides = array<i32>} : memref<1024xf32, #tpu.memory_space<vmem>>, vector<16xf32>,
      %swap3A_375 = arith.constant 992 : index
      %swap3A_376 = tpu.vector_load %arg6[%swap3A_375] {strides = array<i32>} : memref<1024xf32, #tpu.memory_space<vmem>>, vector<16xf32>,
      tpu.vector_store %arg6[%swap3A_375], %broadcast_in_dim3A_3 {strides = array<i32>} : memref<1024xf32, #tpu.memory_space<vmem>>, vector<16xf32>,
      %swap3A_377 = arith.constant 1008 : index
      %swap3A_378 = tpu.vector_load %arg6[%swap3A_377] {strides = array<i32>} : memref<1024xf32, #tpu.memory_space<vmem>>, vector<16xf32>,
      tpu.vector_store %arg6[%swap3A_377], %broadcast_in_dim3A_3 {strides = array<i32>} : memref<1024xf32, #tpu.memory_space<vmem>>, vector<16xf32>,
      %scan3A_379 = arith.constant 0 : i32
      %scan3A_380 = arith.constant 1024 : i32
      %scan3A_381 = arith.addi %scan3A_379, %scan3A_380 : i32
      %scan3A_382 = arith.constant 16 : i32
      %scan3A_383:2 = scf.for %scan3A_421 = %scan3A_379 to %scan3A_381 step %scan3A_382 iter_args(%scan3A_422 = %iota3A, %scan3A_423 = %iota3A) -> (vector<16xi32>, vector<16xi32>)  : i32 {
        %mul3A_424 = arith.constant 16 : i32
        %mul3A_425 = arith.muli %scan3A_421, %mul3A_424 : i32
        %get3A = arith.index_cast %mul3A_425 : i32 to index
        %get3A_426 = tpu.vector_load %arg5[%get3A] {strides = array<i32>} : memref<16384xf32, #tpu.memory_space<vmem>>, vector<16xf32>,
        %le3A_427 = arith.cmpf ole, %get3A_426, %broadcast_in_dim3A_250 : vector<16xf32>
        %lt3A = arith.constant 1024 : i32
        %lt3A_428 = vector.broadcast %lt3A : i32 to vector<16xi32>
        %lt3A_429 = arith.cmpi slt, %scan3A_422, %lt3A_428 : vector<16xi32>
        %and3A = arith.andi %le3A_427, %lt3A_429 : vector<16xi1>
        tpu.vector_store_idx %arg6[%scan3A_422], %get3A_426 masked %and3A : memref<1024xf32, #tpu.memory_space<vmem>>[vector<16xi32>], vector<16xf32>, vector<16xi1>
        tpu.vector_store_idx %arg7[%scan3A_422], %scan3A_423 masked %and3A : memref<1024xi32, #tpu.memory_space<vmem>>[vector<16xi32>], vector<16xi32>, vector<16xi1>
        %convert_element_type3A_430 = arith.extui %le3A_427 : vector<16xi1> to vector<16xi32>
        %shift_left3A = arith.constant 4 : i32
        %shift_left3A_431 = vector.broadcast %shift_left3A : i32 to vector<16xi32>
        %shift_left3A_432 = arith.shli %convert_element_type3A_430, %shift_left3A_431 : vector<16xi32>
        %add3A_433 = arith.addi %scan3A_422, %shift_left3A_432 : vector<16xi32>
        %add3A_434 = arith.constant 16 : i32
        %add3A_435 = vector.broadcast %add3A_434 : i32 to vector<16xi32>
        %add3A_436 = arith.addi %scan3A_423, %add3A_435 : vector<16xi32>
        %scan3A_437 = arith.constant 1 : i32
        %scan3A_438 = arith.addi %scan3A_421, %scan3A_437 : i32
        %mul3A_439 = arith.constant 16 : i32
        %mul3A_440 = arith.muli %scan3A_438, %mul3A_439 : i32
        %get3A_441 = arith.index_cast %mul3A_440 : i32 to index
        %get3A_442 = tpu.vector_load %arg5[%get3A_441] {strides = array<i32>} : memref<16384xf32, #tpu.memory_space<vmem>>, vector<16xf32>,
        %le3A_443 = arith.cmpf ole, %get3A_442, %broadcast_in_dim3A_250 : vector<16xf32>
        %lt3A_444 = arith.constant 1024 : i32
        %lt3A_445 = vector.broadcast %lt3A_444 : i32 to vector<16xi32>
        %lt3A_446 = arith.cmpi slt, %add3A_433, %lt3A_445 : vector<16xi32>
        %and3A_447 = arith.andi %le3A_443, %lt3A_446 : vector<16xi1>
        tpu.vector_store_idx %arg6[%add3A_433], %get3A_442 masked %and3A_447 : memref<1024xf32, #tpu.memory_space<vmem>>[vector<16xi32>], vector<16xf32>, vector<16xi1>
        tpu.vector_store_idx %arg7[%add3A_433], %add3A_436 masked %and3A_447 : memref<1024xi32, #tpu.memory_space<vmem>>[vector<16xi32>], vector<16xi32>, vector<16xi1>
        %convert_element_type3A_448 = arith.extui %le3A_443 : vector<16xi1> to vector<16xi32>
        %shift_left3A_449 = arith.constant 4 : i32
        %shift_left3A_450 = vector.broadcast %shift_left3A_449 : i32 to vector<16xi32>
        %shift_left3A_451 = arith.shli %convert_element_type3A_448, %shift_left3A_450 : vector<16xi32>
        %add3A_452 = arith.addi %add3A_433, %shift_left3A_451 : vector<16xi32>
        %add3A_453 = arith.constant 16 : i32
        %add3A_454 = vector.broadcast %add3A_453 : i32 to vector<16xi32>
        %add3A_455 = arith.addi %add3A_436, %add3A_454 : vector<16xi32>
        %scan3A_456 = arith.constant 2 : i32
        %scan3A_457 = arith.addi %scan3A_421, %scan3A_456 : i32
        %mul3A_458 = arith.constant 16 : i32
        %mul3A_459 = arith.muli %scan3A_457, %mul3A_458 : i32
        %get3A_460 = arith.index_cast %mul3A_459 : i32 to index
        %get3A_461 = tpu.vector_load %arg5[%get3A_460] {strides = array<i32>} : memref<16384xf32, #tpu.memory_space<vmem>>, vector<16xf32>,
        %le3A_462 = arith.cmpf ole, %get3A_461, %broadcast_in_dim3A_250 : vector<16xf32>
        %lt3A_463 = arith.constant 1024 : i32
        %lt3A_464 = vector.broadcast %lt3A_463 : i32 to vector<16xi32>
        %lt3A_465 = arith.cmpi slt, %add3A_452, %lt3A_464 : vector<16xi32>
        %and3A_466 = arith.andi %le3A_462, %lt3A_465 : vector<16xi1>
        tpu.vector_store_idx %arg6[%add3A_452], %get3A_461 masked %and3A_466 : memref<1024xf32, #tpu.memory_space<vmem>>[vector<16xi32>], vector<16xf32>, vector<16xi1>
        tpu.vector_store_idx %arg7[%add3A_452], %add3A_455 masked %and3A_466 : memref<1024xi32, #tpu.memory_space<vmem>>[vector<16xi32>], vector<16xi32>, vector<16xi1>
        %convert_element_type3A_467 = arith.extui %le3A_462 : vector<16xi1> to vector<16xi32>
        %shift_left3A_468 = arith.constant 4 : i32
        %shift_left3A_469 = vector.broadcast %shift_left3A_468 : i32 to vector<16xi32>
        %shift_left3A_470 = arith.shli %convert_element_type3A_467, %shift_left3A_469 : vector<16xi32>
        %add3A_471 = arith.addi %add3A_452, %shift_left3A_470 : vector<16xi32>
        %add3A_472 = arith.constant 16 : i32
        %add3A_473 = vector.broadcast %add3A_472 : i32 to vector<16xi32>
        %add3A_474 = arith.addi %add3A_455, %add3A_473 : vector<16xi32>
        %scan3A_475 = arith.constant 3 : i32
        %scan3A_476 = arith.addi %scan3A_421, %scan3A_475 : i32
        %mul3A_477 = arith.constant 16 : i32
        %mul3A_478 = arith.muli %scan3A_476, %mul3A_477 : i32
        %get3A_479 = arith.index_cast %mul3A_478 : i32 to index
        %get3A_480 = tpu.vector_load %arg5[%get3A_479] {strides = array<i32>} : memref<16384xf32, #tpu.memory_space<vmem>>, vector<16xf32>,
        %le3A_481 = arith.cmpf ole, %get3A_480, %broadcast_in_dim3A_250 : vector<16xf32>
        %lt3A_482 = arith.constant 1024 : i32
        %lt3A_483 = vector.broadcast %lt3A_482 : i32 to vector<16xi32>
        %lt3A_484 = arith.cmpi slt, %add3A_471, %lt3A_483 : vector<16xi32>
        %and3A_485 = arith.andi %le3A_481, %lt3A_484 : vector<16xi1>
        tpu.vector_store_idx %arg6[%add3A_471], %get3A_480 masked %and3A_485 : memref<1024xf32, #tpu.memory_space<vmem>>[vector<16xi32>], vector<16xf32>, vector<16xi1>
        tpu.vector_store_idx %arg7[%add3A_471], %add3A_474 masked %and3A_485 : memref<1024xi32, #tpu.memory_space<vmem>>[vector<16xi32>], vector<16xi32>, vector<16xi1>
        %convert_element_type3A_486 = arith.extui %le3A_481 : vector<16xi1> to vector<16xi32>
        %shift_left3A_487 = arith.constant 4 : i32
        %shift_left3A_488 = vector.broadcast %shift_left3A_487 : i32 to vector<16xi32>
        %shift_left3A_489 = arith.shli %convert_element_type3A_486, %shift_left3A_488 : vector<16xi32>
        %add3A_490 = arith.addi %add3A_471, %shift_left3A_489 : vector<16xi32>
        %add3A_491 = arith.constant 16 : i32
        %add3A_492 = vector.broadcast %add3A_491 : i32 to vector<16xi32>
        %add3A_493 = arith.addi %add3A_474, %add3A_492 : vector<16xi32>
        %scan3A_494 = arith.constant 4 : i32
        %scan3A_495 = arith.addi %scan3A_421, %scan3A_494 : i32
        %mul3A_496 = arith.constant 16 : i32
        %mul3A_497 = arith.muli %scan3A_495, %mul3A_496 : i32
        %get3A_498 = arith.index_cast %mul3A_497 : i32 to index
        %get3A_499 = tpu.vector_load %arg5[%get3A_498] {strides = array<i32>} : memref<16384xf32, #tpu.memory_space<vmem>>, vector<16xf32>,
        %le3A_500 = arith.cmpf ole, %get3A_499, %broadcast_in_dim3A_250 : vector<16xf32>
        %lt3A_501 = arith.constant 1024 : i32
        %lt3A_502 = vector.broadcast %lt3A_501 : i32 to vector<16xi32>
        %lt3A_503 = arith.cmpi slt, %add3A_490, %lt3A_502 : vector<16xi32>
        %and3A_504 = arith.andi %le3A_500, %lt3A_503 : vector<16xi1>
        tpu.vector_store_idx %arg6[%add3A_490], %get3A_499 masked %and3A_504 : memref<1024xf32, #tpu.memory_space<vmem>>[vector<16xi32>], vector<16xf32>, vector<16xi1>
        tpu.vector_store_idx %arg7[%add3A_490], %add3A_493 masked %and3A_504 : memref<1024xi32, #tpu.memory_space<vmem>>[vector<16xi32>], vector<16xi32>, vector<16xi1>
        %convert_element_type3A_505 = arith.extui %le3A_500 : vector<16xi1> to vector<16xi32>
        %shift_left3A_506 = arith.constant 4 : i32
        %shift_left3A_507 = vector.broadcast %shift_left3A_506 : i32 to vector<16xi32>
        %shift_left3A_508 = arith.shli %convert_element_type3A_505, %shift_left3A_507 : vector<16xi32>
        %add3A_509 = arith.addi %add3A_490, %shift_left3A_508 : vector<16xi32>
        %add3A_510 = arith.constant 16 : i32
        %add3A_511 = vector.broadcast %add3A_510 : i32 to vector<16xi32>
        %add3A_512 = arith.addi %add3A_493, %add3A_511 : vector<16xi32>
        %scan3A_513 = arith.constant 5 : i32
        %scan3A_514 = arith.addi %scan3A_421, %scan3A_513 : i32
        %mul3A_515 = arith.constant 16 : i32
        %mul3A_516 = arith.muli %scan3A_514, %mul3A_515 : i32
        %get3A_517 = arith.index_cast %mul3A_516 : i32 to index
        %get3A_518 = tpu.vector_load %arg5[%get3A_517] {strides = array<i32>} : memref<16384xf32, #tpu.memory_space<vmem>>, vector<16xf32>,
        %le3A_519 = arith.cmpf ole, %get3A_518, %broadcast_in_dim3A_250 : vector<16xf32>
        %lt3A_520 = arith.constant 1024 : i32
        %lt3A_521 = vector.broadcast %lt3A_520 : i32 to vector<16xi32>
        %lt3A_522 = arith.cmpi slt, %add3A_509, %lt3A_521 : vector<16xi32>
        %and3A_523 = arith.andi %le3A_519, %lt3A_522 : vector<16xi1>
        tpu.vector_store_idx %arg6[%add3A_509], %get3A_518 masked %and3A_523 : memref<1024xf32, #tpu.memory_space<vmem>>[vector<16xi32>], vector<16xf32>, vector<16xi1>
        tpu.vector_store_idx %arg7[%add3A_509], %add3A_512 masked %and3A_523 : memref<1024xi32, #tpu.memory_space<vmem>>[vector<16xi32>], vector<16xi32>, vector<16xi1>
        %convert_element_type3A_524 = arith.extui %le3A_519 : vector<16xi1> to vector<16xi32>
        %shift_left3A_525 = arith.constant 4 : i32
        %shift_left3A_526 = vector.broadcast %shift_left3A_525 : i32 to vector<16xi32>
        %shift_left3A_527 = arith.shli %convert_element_type3A_524, %shift_left3A_526 : vector<16xi32>
        %add3A_528 = arith.addi %add3A_509, %shift_left3A_527 : vector<16xi32>
        %add3A_529 = arith.constant 16 : i32
        %add3A_530 = vector.broadcast %add3A_529 : i32 to vector<16xi32>
        %add3A_531 = arith.addi %add3A_512, %add3A_530 : vector<16xi32>
        %scan3A_532 = arith.constant 6 : i32
        %scan3A_533 = arith.addi %scan3A_421, %scan3A_532 : i32
        %mul3A_534 = arith.constant 16 : i32
        %mul3A_535 = arith.muli %scan3A_533, %mul3A_534 : i32
        %get3A_536 = arith.index_cast %mul3A_535 : i32 to index
        %get3A_537 = tpu.vector_load %arg5[%get3A_536] {strides = array<i32>} : memref<16384xf32, #tpu.memory_space<vmem>>, vector<16xf32>,
        %le3A_538 = arith.cmpf ole, %get3A_537, %broadcast_in_dim3A_250 : vector<16xf32>
        %lt3A_539 = arith.constant 1024 : i32
        %lt3A_540 = vector.broadcast %lt3A_539 : i32 to vector<16xi32>
        %lt3A_541 = arith.cmpi slt, %add3A_528, %lt3A_540 : vector<16xi32>
        %and3A_542 = arith.andi %le3A_538, %lt3A_541 : vector<16xi1>
        tpu.vector_store_idx %arg6[%add3A_528], %get3A_537 masked %and3A_542 : memref<1024xf32, #tpu.memory_space<vmem>>[vector<16xi32>], vector<16xf32>, vector<16xi1>
        tpu.vector_store_idx %arg7[%add3A_528], %add3A_531 masked %and3A_542 : memref<1024xi32, #tpu.memory_space<vmem>>[vector<16xi32>], vector<16xi32>, vector<16xi1>
        %convert_element_type3A_543 = arith.extui %le3A_538 : vector<16xi1> to vector<16xi32>
        %shift_left3A_544 = arith.constant 4 : i32
        %shift_left3A_545 = vector.broadcast %shift_left3A_544 : i32 to vector<16xi32>
        %shift_left3A_546 = arith.shli %convert_element_type3A_543, %shift_left3A_545 : vector<16xi32>
        %add3A_547 = arith.addi %add3A_528, %shift_left3A_546 : vector<16xi32>
        %add3A_548 = arith.constant 16 : i32
        %add3A_549 = vector.broadcast %add3A_548 : i32 to vector<16xi32>
        %add3A_550 = arith.addi %add3A_531, %add3A_549 : vector<16xi32>
        %scan3A_551 = arith.constant 7 : i32
        %scan3A_552 = arith.addi %scan3A_421, %scan3A_551 : i32
        %mul3A_553 = arith.constant 16 : i32
        %mul3A_554 = arith.muli %scan3A_552, %mul3A_553 : i32
        %get3A_555 = arith.index_cast %mul3A_554 : i32 to index
        %get3A_556 = tpu.vector_load %arg5[%get3A_555] {strides = array<i32>} : memref<16384xf32, #tpu.memory_space<vmem>>, vector<16xf32>,
        %le3A_557 = arith.cmpf ole, %get3A_556, %broadcast_in_dim3A_250 : vector<16xf32>
        %lt3A_558 = arith.constant 1024 : i32
        %lt3A_559 = vector.broadcast %lt3A_558 : i32 to vector<16xi32>
        %lt3A_560 = arith.cmpi slt, %add3A_547, %lt3A_559 : vector<16xi32>
        %and3A_561 = arith.andi %le3A_557, %lt3A_560 : vector<16xi1>
        tpu.vector_store_idx %arg6[%add3A_547], %get3A_556 masked %and3A_561 : memref<1024xf32, #tpu.memory_space<vmem>>[vector<16xi32>], vector<16xf32>, vector<16xi1>
        tpu.vector_store_idx %arg7[%add3A_547], %add3A_550 masked %and3A_561 : memref<1024xi32, #tpu.memory_space<vmem>>[vector<16xi32>], vector<16xi32>, vector<16xi1>
        %convert_element_type3A_562 = arith.extui %le3A_557 : vector<16xi1> to vector<16xi32>
        %shift_left3A_563 = arith.constant 4 : i32
        %shift_left3A_564 = vector.broadcast %shift_left3A_563 : i32 to vector<16xi32>
        %shift_left3A_565 = arith.shli %convert_element_type3A_562, %shift_left3A_564 : vector<16xi32>
        %add3A_566 = arith.addi %add3A_547, %shift_left3A_565 : vector<16xi32>
        %add3A_567 = arith.constant 16 : i32
        %add3A_568 = vector.broadcast %add3A_567 : i32 to vector<16xi32>
        %add3A_569 = arith.addi %add3A_550, %add3A_568 : vector<16xi32>
        %scan3A_570 = arith.constant 8 : i32
        %scan3A_571 = arith.addi %scan3A_421, %scan3A_570 : i32
        %mul3A_572 = arith.constant 16 : i32
        %mul3A_573 = arith.muli %scan3A_571, %mul3A_572 : i32
        %get3A_574 = arith.index_cast %mul3A_573 : i32 to index
        %get3A_575 = tpu.vector_load %arg5[%get3A_574] {strides = array<i32>} : memref<16384xf32, #tpu.memory_space<vmem>>, vector<16xf32>,
        %le3A_576 = arith.cmpf ole, %get3A_575, %broadcast_in_dim3A_250 : vector<16xf32>
        %lt3A_577 = arith.constant 1024 : i32
        %lt3A_578 = vector.broadcast %lt3A_577 : i32 to vector<16xi32>
        %lt3A_579 = arith.cmpi slt, %add3A_566, %lt3A_578 : vector<16xi32>
        %and3A_580 = arith.andi %le3A_576, %lt3A_579 : vector<16xi1>
        tpu.vector_store_idx %arg6[%add3A_566], %get3A_575 masked %and3A_580 : memref<1024xf32, #tpu.memory_space<vmem>>[vector<16xi32>], vector<16xf32>, vector<16xi1>
        tpu.vector_store_idx %arg7[%add3A_566], %add3A_569 masked %and3A_580 : memref<1024xi32, #tpu.memory_space<vmem>>[vector<16xi32>], vector<16xi32>, vector<16xi1>
        %convert_element_type3A_581 = arith.extui %le3A_576 : vector<16xi1> to vector<16xi32>
        %shift_left3A_582 = arith.constant 4 : i32
        %shift_left3A_583 = vector.broadcast %shift_left3A_582 : i32 to vector<16xi32>
        %shift_left3A_584 = arith.shli %convert_element_type3A_581, %shift_left3A_583 : vector<16xi32>
        %add3A_585 = arith.addi %add3A_566, %shift_left3A_584 : vector<16xi32>
        %add3A_586 = arith.constant 16 : i32
        %add3A_587 = vector.broadcast %add3A_586 : i32 to vector<16xi32>
        %add3A_588 = arith.addi %add3A_569, %add3A_587 : vector<16xi32>
        %scan3A_589 = arith.constant 9 : i32
        %scan3A_590 = arith.addi %scan3A_421, %scan3A_589 : i32
        %mul3A_591 = arith.constant 16 : i32
        %mul3A_592 = arith.muli %scan3A_590, %mul3A_591 : i32
        %get3A_593 = arith.index_cast %mul3A_592 : i32 to index
        %get3A_594 = tpu.vector_load %arg5[%get3A_593] {strides = array<i32>} : memref<16384xf32, #tpu.memory_space<vmem>>, vector<16xf32>,
        %le3A_595 = arith.cmpf ole, %get3A_594, %broadcast_in_dim3A_250 : vector<16xf32>
        %lt3A_596 = arith.constant 1024 : i32
        %lt3A_597 = vector.broadcast %lt3A_596 : i32 to vector<16xi32>
        %lt3A_598 = arith.cmpi slt, %add3A_585, %lt3A_597 : vector<16xi32>
        %and3A_599 = arith.andi %le3A_595, %lt3A_598 : vector<16xi1>
        tpu.vector_store_idx %arg6[%add3A_585], %get3A_594 masked %and3A_599 : memref<1024xf32, #tpu.memory_space<vmem>>[vector<16xi32>], vector<16xf32>, vector<16xi1>
        tpu.vector_store_idx %arg7[%add3A_585], %add3A_588 masked %and3A_599 : memref<1024xi32, #tpu.memory_space<vmem>>[vector<16xi32>], vector<16xi32>, vector<16xi1>
        %convert_element_type3A_600 = arith.extui %le3A_595 : vector<16xi1> to vector<16xi32>
        %shift_left3A_601 = arith.constant 4 : i32
        %shift_left3A_602 = vector.broadcast %shift_left3A_601 : i32 to vector<16xi32>
        %shift_left3A_603 = arith.shli %convert_element_type3A_600, %shift_left3A_602 : vector<16xi32>
        %add3A_604 = arith.addi %add3A_585, %shift_left3A_603 : vector<16xi32>
        %add3A_605 = arith.constant 16 : i32
        %add3A_606 = vector.broadcast %add3A_605 : i32 to vector<16xi32>
        %add3A_607 = arith.addi %add3A_588, %add3A_606 : vector<16xi32>
        %scan3A_608 = arith.constant 10 : i32
        %scan3A_609 = arith.addi %scan3A_421, %scan3A_608 : i32
        %mul3A_610 = arith.constant 16 : i32
        %mul3A_611 = arith.muli %scan3A_609, %mul3A_610 : i32
        %get3A_612 = arith.index_cast %mul3A_611 : i32 to index
        %get3A_613 = tpu.vector_load %arg5[%get3A_612] {strides = array<i32>} : memref<16384xf32, #tpu.memory_space<vmem>>, vector<16xf32>,
        %le3A_614 = arith.cmpf ole, %get3A_613, %broadcast_in_dim3A_250 : vector<16xf32>
        %lt3A_615 = arith.constant 1024 : i32
        %lt3A_616 = vector.broadcast %lt3A_615 : i32 to vector<16xi32>
        %lt3A_617 = arith.cmpi slt, %add3A_604, %lt3A_616 : vector<16xi32>
        %and3A_618 = arith.andi %le3A_614, %lt3A_617 : vector<16xi1>
        tpu.vector_store_idx %arg6[%add3A_604], %get3A_613 masked %and3A_618 : memref<1024xf32, #tpu.memory_space<vmem>>[vector<16xi32>], vector<16xf32>, vector<16xi1>
        tpu.vector_store_idx %arg7[%add3A_604], %add3A_607 masked %and3A_618 : memref<1024xi32, #tpu.memory_space<vmem>>[vector<16xi32>], vector<16xi32>, vector<16xi1>
        %convert_element_type3A_619 = arith.extui %le3A_614 : vector<16xi1> to vector<16xi32>
        %shift_left3A_620 = arith.constant 4 : i32
        %shift_left3A_621 = vector.broadcast %shift_left3A_620 : i32 to vector<16xi32>
        %shift_left3A_622 = arith.shli %convert_element_type3A_619, %shift_left3A_621 : vector<16xi32>
        %add3A_623 = arith.addi %add3A_604, %shift_left3A_622 : vector<16xi32>
        %add3A_624 = arith.constant 16 : i32
        %add3A_625 = vector.broadcast %add3A_624 : i32 to vector<16xi32>
        %add3A_626 = arith.addi %add3A_607, %add3A_625 : vector<16xi32>
        %scan3A_627 = arith.constant 11 : i32
        %scan3A_628 = arith.addi %scan3A_421, %scan3A_627 : i32
        %mul3A_629 = arith.constant 16 : i32
        %mul3A_630 = arith.muli %scan3A_628, %mul3A_629 : i32
        %get3A_631 = arith.index_cast %mul3A_630 : i32 to index
        %get3A_632 = tpu.vector_load %arg5[%get3A_631] {strides = array<i32>} : memref<16384xf32, #tpu.memory_space<vmem>>, vector<16xf32>,
        %le3A_633 = arith.cmpf ole, %get3A_632, %broadcast_in_dim3A_250 : vector<16xf32>
        %lt3A_634 = arith.constant 1024 : i32
        %lt3A_635 = vector.broadcast %lt3A_634 : i32 to vector<16xi32>
        %lt3A_636 = arith.cmpi slt, %add3A_623, %lt3A_635 : vector<16xi32>
        %and3A_637 = arith.andi %le3A_633, %lt3A_636 : vector<16xi1>
        tpu.vector_store_idx %arg6[%add3A_623], %get3A_632 masked %and3A_637 : memref<1024xf32, #tpu.memory_space<vmem>>[vector<16xi32>], vector<16xf32>, vector<16xi1>
        tpu.vector_store_idx %arg7[%add3A_623], %add3A_626 masked %and3A_637 : memref<1024xi32, #tpu.memory_space<vmem>>[vector<16xi32>], vector<16xi32>, vector<16xi1>
        %convert_element_type3A_638 = arith.extui %le3A_633 : vector<16xi1> to vector<16xi32>
        %shift_left3A_639 = arith.constant 4 : i32
        %shift_left3A_640 = vector.broadcast %shift_left3A_639 : i32 to vector<16xi32>
        %shift_left3A_641 = arith.shli %convert_element_type3A_638, %shift_left3A_640 : vector<16xi32>
        %add3A_642 = arith.addi %add3A_623, %shift_left3A_641 : vector<16xi32>
        %add3A_643 = arith.constant 16 : i32
        %add3A_644 = vector.broadcast %add3A_643 : i32 to vector<16xi32>
        %add3A_645 = arith.addi %add3A_626, %add3A_644 : vector<16xi32>
        %scan3A_646 = arith.constant 12 : i32
        %scan3A_647 = arith.addi %scan3A_421, %scan3A_646 : i32
        %mul3A_648 = arith.constant 16 : i32
        %mul3A_649 = arith.muli %scan3A_647, %mul3A_648 : i32
        %get3A_650 = arith.index_cast %mul3A_649 : i32 to index
        %get3A_651 = tpu.vector_load %arg5[%get3A_650] {strides = array<i32>} : memref<16384xf32, #tpu.memory_space<vmem>>, vector<16xf32>,
        %le3A_652 = arith.cmpf ole, %get3A_651, %broadcast_in_dim3A_250 : vector<16xf32>
        %lt3A_653 = arith.constant 1024 : i32
        %lt3A_654 = vector.broadcast %lt3A_653 : i32 to vector<16xi32>
        %lt3A_655 = arith.cmpi slt, %add3A_642, %lt3A_654 : vector<16xi32>
        %and3A_656 = arith.andi %le3A_652, %lt3A_655 : vector<16xi1>
        tpu.vector_store_idx %arg6[%add3A_642], %get3A_651 masked %and3A_656 : memref<1024xf32, #tpu.memory_space<vmem>>[vector<16xi32>], vector<16xf32>, vector<16xi1>
        tpu.vector_store_idx %arg7[%add3A_642], %add3A_645 masked %and3A_656 : memref<1024xi32, #tpu.memory_space<vmem>>[vector<16xi32>], vector<16xi32>, vector<16xi1>
        %convert_element_type3A_657 = arith.extui %le3A_652 : vector<16xi1> to vector<16xi32>
        %shift_left3A_658 = arith.constant 4 : i32
        %shift_left3A_659 = vector.broadcast %shift_left3A_658 : i32 to vector<16xi32>
        %shift_left3A_660 = arith.shli %convert_element_type3A_657, %shift_left3A_659 : vector<16xi32>
        %add3A_661 = arith.addi %add3A_642, %shift_left3A_660 : vector<16xi32>
        %add3A_662 = arith.constant 16 : i32
        %add3A_663 = vector.broadcast %add3A_662 : i32 to vector<16xi32>
        %add3A_664 = arith.addi %add3A_645, %add3A_663 : vector<16xi32>
        %scan3A_665 = arith.constant 13 : i32
        %scan3A_666 = arith.addi %scan3A_421, %scan3A_665 : i32
        %mul3A_667 = arith.constant 16 : i32
        %mul3A_668 = arith.muli %scan3A_666, %mul3A_667 : i32
        %get3A_669 = arith.index_cast %mul3A_668 : i32 to index
        %get3A_670 = tpu.vector_load %arg5[%get3A_669] {strides = array<i32>} : memref<16384xf32, #tpu.memory_space<vmem>>, vector<16xf32>,
        %le3A_671 = arith.cmpf ole, %get3A_670, %broadcast_in_dim3A_250 : vector<16xf32>
        %lt3A_672 = arith.constant 1024 : i32
        %lt3A_673 = vector.broadcast %lt3A_672 : i32 to vector<16xi32>
        %lt3A_674 = arith.cmpi slt, %add3A_661, %lt3A_673 : vector<16xi32>
        %and3A_675 = arith.andi %le3A_671, %lt3A_674 : vector<16xi1>
        tpu.vector_store_idx %arg6[%add3A_661], %get3A_670 masked %and3A_675 : memref<1024xf32, #tpu.memory_space<vmem>>[vector<16xi32>], vector<16xf32>, vector<16xi1>
        tpu.vector_store_idx %arg7[%add3A_661], %add3A_664 masked %and3A_675 : memref<1024xi32, #tpu.memory_space<vmem>>[vector<16xi32>], vector<16xi32>, vector<16xi1>
        %convert_element_type3A_676 = arith.extui %le3A_671 : vector<16xi1> to vector<16xi32>
        %shift_left3A_677 = arith.constant 4 : i32
        %shift_left3A_678 = vector.broadcast %shift_left3A_677 : i32 to vector<16xi32>
        %shift_left3A_679 = arith.shli %convert_element_type3A_676, %shift_left3A_678 : vector<16xi32>
        %add3A_680 = arith.addi %add3A_661, %shift_left3A_679 : vector<16xi32>
        %add3A_681 = arith.constant 16 : i32
        %add3A_682 = vector.broadcast %add3A_681 : i32 to vector<16xi32>
        %add3A_683 = arith.addi %add3A_664, %add3A_682 : vector<16xi32>
        %scan3A_684 = arith.constant 14 : i32
        %scan3A_685 = arith.addi %scan3A_421, %scan3A_684 : i32
        %mul3A_686 = arith.constant 16 : i32
        %mul3A_687 = arith.muli %scan3A_685, %mul3A_686 : i32
        %get3A_688 = arith.index_cast %mul3A_687 : i32 to index
        %get3A_689 = tpu.vector_load %arg5[%get3A_688] {strides = array<i32>} : memref<16384xf32, #tpu.memory_space<vmem>>, vector<16xf32>,
        %le3A_690 = arith.cmpf ole, %get3A_689, %broadcast_in_dim3A_250 : vector<16xf32>
        %lt3A_691 = arith.constant 1024 : i32
        %lt3A_692 = vector.broadcast %lt3A_691 : i32 to vector<16xi32>
        %lt3A_693 = arith.cmpi slt, %add3A_680, %lt3A_692 : vector<16xi32>
        %and3A_694 = arith.andi %le3A_690, %lt3A_693 : vector<16xi1>
        tpu.vector_store_idx %arg6[%add3A_680], %get3A_689 masked %and3A_694 : memref<1024xf32, #tpu.memory_space<vmem>>[vector<16xi32>], vector<16xf32>, vector<16xi1>
        tpu.vector_store_idx %arg7[%add3A_680], %add3A_683 masked %and3A_694 : memref<1024xi32, #tpu.memory_space<vmem>>[vector<16xi32>], vector<16xi32>, vector<16xi1>
        %convert_element_type3A_695 = arith.extui %le3A_690 : vector<16xi1> to vector<16xi32>
        %shift_left3A_696 = arith.constant 4 : i32
        %shift_left3A_697 = vector.broadcast %shift_left3A_696 : i32 to vector<16xi32>
        %shift_left3A_698 = arith.shli %convert_element_type3A_695, %shift_left3A_697 : vector<16xi32>
        %add3A_699 = arith.addi %add3A_680, %shift_left3A_698 : vector<16xi32>
        %add3A_700 = arith.constant 16 : i32
        %add3A_701 = vector.broadcast %add3A_700 : i32 to vector<16xi32>
        %add3A_702 = arith.addi %add3A_683, %add3A_701 : vector<16xi32>
        %scan3A_703 = arith.constant 15 : i32
        %scan3A_704 = arith.addi %scan3A_421, %scan3A_703 : i32
        %mul3A_705 = arith.constant 16 : i32
        %mul3A_706 = arith.muli %scan3A_704, %mul3A_705 : i32
        %get3A_707 = arith.index_cast %mul3A_706 : i32 to index
        %get3A_708 = tpu.vector_load %arg5[%get3A_707] {strides = array<i32>} : memref<16384xf32, #tpu.memory_space<vmem>>, vector<16xf32>,
        %le3A_709 = arith.cmpf ole, %get3A_708, %broadcast_in_dim3A_250 : vector<16xf32>
        %lt3A_710 = arith.constant 1024 : i32
        %lt3A_711 = vector.broadcast %lt3A_710 : i32 to vector<16xi32>
        %lt3A_712 = arith.cmpi slt, %add3A_699, %lt3A_711 : vector<16xi32>
        %and3A_713 = arith.andi %le3A_709, %lt3A_712 : vector<16xi1>
        tpu.vector_store_idx %arg6[%add3A_699], %get3A_708 masked %and3A_713 : memref<1024xf32, #tpu.memory_space<vmem>>[vector<16xi32>], vector<16xf32>, vector<16xi1>
        tpu.vector_store_idx %arg7[%add3A_699], %add3A_702 masked %and3A_713 : memref<1024xi32, #tpu.memory_space<vmem>>[vector<16xi32>], vector<16xi32>, vector<16xi1>
        %convert_element_type3A_714 = arith.extui %le3A_709 : vector<16xi1> to vector<16xi32>
        %shift_left3A_715 = arith.constant 4 : i32
        %shift_left3A_716 = vector.broadcast %shift_left3A_715 : i32 to vector<16xi32>
        %shift_left3A_717 = arith.shli %convert_element_type3A_714, %shift_left3A_716 : vector<16xi32>
        %add3A_718 = arith.addi %add3A_699, %shift_left3A_717 : vector<16xi32>
        %add3A_719 = arith.constant 16 : i32
        %add3A_720 = vector.broadcast %add3A_719 : i32 to vector<16xi32>
        %add3A_721 = arith.addi %add3A_702, %add3A_720 : vector<16xi32>
        scf.yield %add3A_718, %add3A_721 : vector<16xi32>, vector<16xi32>
      }
      %scan3A_384 = arith.constant 1024 : i32
      %sub3A_385 = arith.subi %scan3A_383#0, %iota3A : vector<16xi32>
      %shift_right_arithmetic3A_386 = arith.constant 4 : i32
      %shift_right_arithmetic3A_387 = vector.broadcast %shift_right_arithmetic3A_386 : i32 to vector<16xi32>
      %shift_right_arithmetic3A_388 = arith.shrsi %sub3A_385, %shift_right_arithmetic3A_387 : vector<16xi32>
      %reduce_max3A_389 = arith.constant true
      %reduce_max3A_390 = vector.broadcast %reduce_max3A_389 : i1 to vector<16xi1>
      %reduce_max3A_391 = arith.constant -2147483648 : i32
      %reduce_max3A_392 = vector.broadcast %reduce_max3A_391 : i32 to vector<16xi32>
      %reduce_max3A_393 = arith.xori %shift_right_arithmetic3A_388, %reduce_max3A_392 : vector<16xi32>
      %reduce_max3A_394 = tpu.scan <max>, %reduce_max3A_393 masked %reduce_max3A_390 : vector<16xi32>, vector<16xi1> -> vector<16xi32>
      %reduce_max3A_395 = arith.xori %reduce_max3A_394, %reduce_max3A_392 : vector<16xi32>
      %reduce_max3A_396 = vector.extract %reduce_max3A_395[15] : i32 from vector<16xi32>
      %min3A_397 = arith.constant 64 : i32
      %min3A_398 = arith.minsi %reduce_max3A_396, %min3A_397 : i32
      %mul3A_399 = arith.constant 32 : i32
      %mul3A_400 = arith.muli %add3A_239, %mul3A_399 : i32
      %broadcast_in_dim3A_401 = arith.constant 0 : i32
      %broadcast_in_dim3A_402 = vector.broadcast %broadcast_in_dim3A_401 : i32 to vector<16xi32>
      %add3A_403 = vector.broadcast %mul3A_400 : i32 to vector<16xi32>
      %add3A_404 = arith.addi %add3A_403, %broadcast_in_dim3A_402 : vector<16xi32>
      %le3A_405 = arith.constant 16 : i32
      %le3A_406 = arith.cmpi sle, %min3A_398, %le3A_405 : i32
      %convert_element_type3A_407 = arith.extui %le3A_406 : i1 to i32
      %cond3A_408 = arith.constant 0 : i32
      %cond3A_409 = arith.cmpi ne, %convert_element_type3A_407, %cond3A_408 : i32
      %cond3A_410 = scf.if %cond3A_409 -> (i32) {
        %scan3A_421 = arith.constant 0 : i32
        %scan3A_422 = arith.constant 32 : i32
        %scan3A_423 = arith.addi %scan3A_421, %scan3A_422 : i32
        %scan3A_424 = arith.constant 1 : i32
        %scan3A_425 = scf.for %scan3A_428 = %scan3A_421 to %scan3A_423 step %scan3A_424 iter_args(%scan3A_429 = %add3A_404) -> (vector<16xi32>)  : i32 {
          %scan3A_430 = arith.constant 0 : i32
          %scan3A_431 = arith.constant 16 : i32
          %scan3A_432 = arith.addi %scan3A_430, %scan3A_431 : i32
          %scan3A_433 = arith.constant 4 : i32
          %scan3A_434:3 = scf.for %scan3A_464 = %scan3A_430 to %scan3A_432 step %scan3A_433 iter_args(%scan3A_465 = %broadcast_in_dim3A_3, %scan3A_466 = %broadcast_in_dim3A_5, %scan3A_467 = %broadcast_in_dim3A_5) -> (vector<16xf32>, vector<16xi32>, vector<16xi32>)  : i32 {
            %mul3A_468 = arith.constant 16 : i32
            %mul3A_469 = arith.muli %scan3A_464, %mul3A_468 : i32
            %get3A = arith.index_cast %mul3A_469 : i32 to index
            %get3A_470 = tpu.vector_load %arg6[%get3A] {strides = array<i32>} : memref<1024xf32, #tpu.memory_space<vmem>>, vector<16xf32>,
            %mul3A_471 = arith.constant 16 : i32
            %mul3A_472 = arith.muli %scan3A_464, %mul3A_471 : i32
            %get3A_473 = arith.index_cast %mul3A_472 : i32 to index
            %get3A_474 = tpu.vector_load %arg7[%get3A_473] {strides = array<i32>} : memref<1024xi32, #tpu.memory_space<vmem>>, vector<16xi32>,
            %mul3A_475 = arith.constant 16 : i32
            %mul3A_476 = arith.muli %scan3A_464, %mul3A_475 : i32
            %add3A_477 = vector.broadcast %mul3A_476 : i32 to vector<16xi32>
            %add3A_478 = arith.addi %add3A_477, %iota3A : vector<16xi32>
            %lt3A = arith.cmpf olt, %get3A_470, %scan3A_465 : vector<16xf32>
            %eq3A_479 = arith.cmpf oeq, %get3A_470, %scan3A_465 : vector<16xf32>
            %lt3A_480 = arith.cmpi slt, %get3A_474, %scan3A_466 : vector<16xi32>
            %and3A_481 = arith.andi %eq3A_479, %lt3A_480 : vector<16xi1>
            %or3A = arith.ori %lt3A, %and3A_481 : vector<16xi1>
            %select_n3A_482 = arith.select %or3A, %get3A_470, %scan3A_465 : vector<16xi1>, vector<16xf32>
            %select_n3A_483 = arith.select %or3A, %get3A_474, %scan3A_466 : vector<16xi1>, vector<16xi32>
            %select_n3A_484 = arith.select %or3A, %add3A_478, %scan3A_467 : vector<16xi1>, vector<16xi32>
            %scan3A_485 = arith.constant 1 : i32
            %scan3A_486 = arith.addi %scan3A_464, %scan3A_485 : i32
            %mul3A_487 = arith.constant 16 : i32
            %mul3A_488 = arith.muli %scan3A_486, %mul3A_487 : i32
            %get3A_489 = arith.index_cast %mul3A_488 : i32 to index
            %get3A_490 = tpu.vector_load %arg6[%get3A_489] {strides = array<i32>} : memref<1024xf32, #tpu.memory_space<vmem>>, vector<16xf32>,
            %mul3A_491 = arith.constant 16 : i32
            %mul3A_492 = arith.muli %scan3A_486, %mul3A_491 : i32
            %get3A_493 = arith.index_cast %mul3A_492 : i32 to index
            %get3A_494 = tpu.vector_load %arg7[%get3A_493] {strides = array<i32>} : memref<1024xi32, #tpu.memory_space<vmem>>, vector<16xi32>,
            %mul3A_495 = arith.constant 16 : i32
            %mul3A_496 = arith.muli %scan3A_486, %mul3A_495 : i32
            %add3A_497 = vector.broadcast %mul3A_496 : i32 to vector<16xi32>
            %add3A_498 = arith.addi %add3A_497, %iota3A : vector<16xi32>
            %lt3A_499 = arith.cmpf olt, %get3A_490, %select_n3A_482 : vector<16xf32>
            %eq3A_500 = arith.cmpf oeq, %get3A_490, %select_n3A_482 : vector<16xf32>
            %lt3A_501 = arith.cmpi slt, %get3A_494, %select_n3A_483 : vector<16xi32>
            %and3A_502 = arith.andi %eq3A_500, %lt3A_501 : vector<16xi1>
            %or3A_503 = arith.ori %lt3A_499, %and3A_502 : vector<16xi1>
            %select_n3A_504 = arith.select %or3A_503, %get3A_490, %select_n3A_482 : vector<16xi1>, vector<16xf32>
            %select_n3A_505 = arith.select %or3A_503, %get3A_494, %select_n3A_483 : vector<16xi1>, vector<16xi32>
            %select_n3A_506 = arith.select %or3A_503, %add3A_498, %select_n3A_484 : vector<16xi1>, vector<16xi32>
            %scan3A_507 = arith.constant 2 : i32
            %scan3A_508 = arith.addi %scan3A_464, %scan3A_507 : i32
            %mul3A_509 = arith.constant 16 : i32
            %mul3A_510 = arith.muli %scan3A_508, %mul3A_509 : i32
            %get3A_511 = arith.index_cast %mul3A_510 : i32 to index
            %get3A_512 = tpu.vector_load %arg6[%get3A_511] {strides = array<i32>} : memref<1024xf32, #tpu.memory_space<vmem>>, vector<16xf32>,
            %mul3A_513 = arith.constant 16 : i32
            %mul3A_514 = arith.muli %scan3A_508, %mul3A_513 : i32
            %get3A_515 = arith.index_cast %mul3A_514 : i32 to index
            %get3A_516 = tpu.vector_load %arg7[%get3A_515] {strides = array<i32>} : memref<1024xi32, #tpu.memory_space<vmem>>, vector<16xi32>,
            %mul3A_517 = arith.constant 16 : i32
            %mul3A_518 = arith.muli %scan3A_508, %mul3A_517 : i32
            %add3A_519 = vector.broadcast %mul3A_518 : i32 to vector<16xi32>
            %add3A_520 = arith.addi %add3A_519, %iota3A : vector<16xi32>
            %lt3A_521 = arith.cmpf olt, %get3A_512, %select_n3A_504 : vector<16xf32>
            %eq3A_522 = arith.cmpf oeq, %get3A_512, %select_n3A_504 : vector<16xf32>
            %lt3A_523 = arith.cmpi slt, %get3A_516, %select_n3A_505 : vector<16xi32>
            %and3A_524 = arith.andi %eq3A_522, %lt3A_523 : vector<16xi1>
            %or3A_525 = arith.ori %lt3A_521, %and3A_524 : vector<16xi1>
            %select_n3A_526 = arith.select %or3A_525, %get3A_512, %select_n3A_504 : vector<16xi1>, vector<16xf32>
            %select_n3A_527 = arith.select %or3A_525, %get3A_516, %select_n3A_505 : vector<16xi1>, vector<16xi32>
            %select_n3A_528 = arith.select %or3A_525, %add3A_520, %select_n3A_506 : vector<16xi1>, vector<16xi32>
            %scan3A_529 = arith.constant 3 : i32
            %scan3A_530 = arith.addi %scan3A_464, %scan3A_529 : i32
            %mul3A_531 = arith.constant 16 : i32
            %mul3A_532 = arith.muli %scan3A_530, %mul3A_531 : i32
            %get3A_533 = arith.index_cast %mul3A_532 : i32 to index
            %get3A_534 = tpu.vector_load %arg6[%get3A_533] {strides = array<i32>} : memref<1024xf32, #tpu.memory_space<vmem>>, vector<16xf32>,
            %mul3A_535 = arith.constant 16 : i32
            %mul3A_536 = arith.muli %scan3A_530, %mul3A_535 : i32
            %get3A_537 = arith.index_cast %mul3A_536 : i32 to index
            %get3A_538 = tpu.vector_load %arg7[%get3A_537] {strides = array<i32>} : memref<1024xi32, #tpu.memory_space<vmem>>, vector<16xi32>,
            %mul3A_539 = arith.constant 16 : i32
            %mul3A_540 = arith.muli %scan3A_530, %mul3A_539 : i32
            %add3A_541 = vector.broadcast %mul3A_540 : i32 to vector<16xi32>
            %add3A_542 = arith.addi %add3A_541, %iota3A : vector<16xi32>
            %lt3A_543 = arith.cmpf olt, %get3A_534, %select_n3A_526 : vector<16xf32>
            %eq3A_544 = arith.cmpf oeq, %get3A_534, %select_n3A_526 : vector<16xf32>
            %lt3A_545 = arith.cmpi slt, %get3A_538, %select_n3A_527 : vector<16xi32>
            %and3A_546 = arith.andi %eq3A_544, %lt3A_545 : vector<16xi1>
            %or3A_547 = arith.ori %lt3A_543, %and3A_546 : vector<16xi1>
            %select_n3A_548 = arith.select %or3A_547, %get3A_534, %select_n3A_526 : vector<16xi1>, vector<16xf32>
            %select_n3A_549 = arith.select %or3A_547, %get3A_538, %select_n3A_527 : vector<16xi1>, vector<16xi32>
            %select_n3A_550 = arith.select %or3A_547, %add3A_542, %select_n3A_528 : vector<16xi1>, vector<16xi32>
            scf.yield %select_n3A_548, %select_n3A_549, %select_n3A_550 : vector<16xf32>, vector<16xi32>, vector<16xi32>
          }
          %scan3A_435 = arith.constant 16 : i32
          %reduce_min3A = arith.constant true
          %reduce_min3A_436 = vector.broadcast %reduce_min3A : i1 to vector<16xi1>
          %reduce_min3A_437 = tpu.scan <min>, %scan3A_434#0 masked %reduce_min3A_436 : vector<16xf32>, vector<16xi1> -> vector<16xf32>
          %reduce_min3A_438 = vector.extract %reduce_min3A_437[15] : f32 from vector<16xf32>
          %broadcast_in_dim3A_439 = vector.broadcast %reduce_min3A_438 : f32 to vector<16xf32>
          %eq3A_440 = arith.cmpf oeq, %scan3A_434#0, %broadcast_in_dim3A_439 : vector<16xf32>
          %select_n3A = arith.select %eq3A_440, %scan3A_434#1, %broadcast_in_dim3A_5 : vector<16xi1>, vector<16xi32>
          %reduce_min3A_441 = arith.constant true
          %reduce_min3A_442 = vector.broadcast %reduce_min3A_441 : i1 to vector<16xi1>
          %reduce_min3A_443 = arith.constant -2147483648 : i32
          %reduce_min3A_444 = vector.broadcast %reduce_min3A_443 : i32 to vector<16xi32>
          %reduce_min3A_445 = arith.xori %select_n3A, %reduce_min3A_444 : vector<16xi32>
          %reduce_min3A_446 = tpu.scan <min>, %reduce_min3A_445 masked %reduce_min3A_442 : vector<16xi32>, vector<16xi1> -> vector<16xi32>
          %reduce_min3A_447 = arith.xori %reduce_min3A_446, %reduce_min3A_444 : vector<16xi32>
          %reduce_min3A_448 = vector.extract %reduce_min3A_447[15] : i32 from vector<16xi32>
          %broadcast_in_dim3A_449 = vector.broadcast %reduce_min3A_448 : i32 to vector<16xi32>
          %eq3A_450 = arith.cmpi eq, %scan3A_434#1, %broadcast_in_dim3A_449 : vector<16xi32>
          %and3A = arith.andi %eq3A_440, %eq3A_450 : vector<16xi1>
          %select_n3A_451 = arith.select %and3A, %scan3A_434#2, %broadcast_in_dim3A_5 : vector<16xi1>, vector<16xi32>
          %reduce_min3A_452 = arith.constant true
          %reduce_min3A_453 = vector.broadcast %reduce_min3A_452 : i1 to vector<16xi1>
          %reduce_min3A_454 = arith.constant -2147483648 : i32
          %reduce_min3A_455 = vector.broadcast %reduce_min3A_454 : i32 to vector<16xi32>
          %reduce_min3A_456 = arith.xori %select_n3A_451, %reduce_min3A_455 : vector<16xi32>
          %reduce_min3A_457 = tpu.scan <min>, %reduce_min3A_456 masked %reduce_min3A_453 : vector<16xi32>, vector<16xi1> -> vector<16xi32>
          %reduce_min3A_458 = arith.xori %reduce_min3A_457, %reduce_min3A_455 : vector<16xi32>
          %reduce_min3A_459 = vector.extract %reduce_min3A_458[15] : i32 from vector<16xi32>
          %broadcast_in_dim3A_460 = vector.broadcast %reduce_min3A_459 : i32 to vector<16xi32>
          tpu.vector_store_idx %arg6[%broadcast_in_dim3A_460], %broadcast_in_dim3A_3 masked %eq3A_2 : memref<1024xf32, #tpu.memory_space<vmem>>[vector<16xi32>], vector<16xf32>, vector<16xi1>
          tpu.vector_store_idx %arg8[%scan3A_429], %broadcast_in_dim3A_449 masked %eq3A_2 : memref<2048xi32, #tpu.memory_space<vmem>>[vector<16xi32>], vector<16xi32>, vector<16xi1>
          %add3A_461 = arith.constant 1 : i32
          %add3A_462 = vector.broadcast %add3A_461 : i32 to vector<16xi32>
          %add3A_463 = arith.addi %scan3A_429, %add3A_462 : vector<16xi32>
          scf.yield %add3A_463 : vector<16xi32>
        }
        %scan3A_426 = arith.constant 32 : i32
        %cond3A_427 = arith.constant 0 : i32
        scf.yield %cond3A_427 : i32
      } else {
        %scan3A_421 = arith.constant 0 : i32
        %scan3A_422 = arith.constant 32 : i32
        %scan3A_423 = arith.addi %scan3A_421, %scan3A_422 : i32
        %scan3A_424 = arith.constant 1 : i32
        %scan3A_425 = scf.for %scan3A_428 = %scan3A_421 to %scan3A_423 step %scan3A_424 iter_args(%scan3A_429 = %add3A_404) -> (vector<16xi32>)  : i32 {
          %while3A = arith.constant 0 : i32
          %while3A_430 = arith.subi %min3A_398, %while3A : i32
          %while3A_431 = arith.addi %while3A, %while3A_430 : i32
          %while3A_432 = arith.constant 1 : i32
          %while3A_433 = arith.divsi %while3A_430, %while3A_432 : i32
          %while3A_434 = arith.muli %while3A_433, %while3A_432 : i32
          %while3A_435 = arith.addi %while3A, %while3A_434 : i32
          %while3A_436 = arith.constant 1 : i32
          %while3A_437:3 = scf.for %while3A_468 = %while3A to %while3A_435 step %while3A_436 iter_args(%while3A_469 = %broadcast_in_dim3A_3, %while3A_470 = %broadcast_in_dim3A_5, %while3A_471 = %broadcast_in_dim3A_5) -> (vector<16xf32>, vector<16xi32>, vector<16xi32>)  : i32 {
            %mul3A_472 = arith.constant 16 : i32
            %mul3A_473 = arith.muli %while3A_468, %mul3A_472 : i32
            %get3A = arith.index_cast %mul3A_473 : i32 to index
            %get3A_474 = tpu.vector_load %arg6[%get3A] {strides = array<i32>} : memref<1024xf32, #tpu.memory_space<vmem>>, vector<16xf32>,
            %mul3A_475 = arith.constant 16 : i32
            %mul3A_476 = arith.muli %while3A_468, %mul3A_475 : i32
            %get3A_477 = arith.index_cast %mul3A_476 : i32 to index
            %get3A_478 = tpu.vector_load %arg7[%get3A_477] {strides = array<i32>} : memref<1024xi32, #tpu.memory_space<vmem>>, vector<16xi32>,
            %mul3A_479 = arith.constant 16 : i32
            %mul3A_480 = arith.muli %while3A_468, %mul3A_479 : i32
            %add3A_481 = vector.broadcast %mul3A_480 : i32 to vector<16xi32>
            %add3A_482 = arith.addi %add3A_481, %iota3A : vector<16xi32>
            %lt3A = arith.cmpf olt, %get3A_474, %while3A_469 : vector<16xf32>
            %eq3A_483 = arith.cmpf oeq, %get3A_474, %while3A_469 : vector<16xf32>
            %lt3A_484 = arith.cmpi slt, %get3A_478, %while3A_470 : vector<16xi32>
            %and3A_485 = arith.andi %eq3A_483, %lt3A_484 : vector<16xi1>
            %or3A = arith.ori %lt3A, %and3A_485 : vector<16xi1>
            %select_n3A_486 = arith.select %or3A, %get3A_474, %while3A_469 : vector<16xi1>, vector<16xf32>
            %select_n3A_487 = arith.select %or3A, %get3A_478, %while3A_470 : vector<16xi1>, vector<16xi32>
            %select_n3A_488 = arith.select %or3A, %add3A_482, %while3A_471 : vector<16xi1>, vector<16xi32>
            scf.yield %select_n3A_486, %select_n3A_487, %select_n3A_488 : vector<16xf32>, vector<16xi32>, vector<16xi32>
          }
          %while3A_438 = arith.constant 1 : i32
          %while3A_439:3 = scf.for %while3A_468 = %while3A_435 to %while3A_431 step %while3A_438 iter_args(%while3A_469 = %while3A_437#0, %while3A_470 = %while3A_437#1, %while3A_471 = %while3A_437#2) -> (vector<16xf32>, vector<16xi32>, vector<16xi32>)  : i32 {
            %mul3A_472 = arith.constant 16 : i32
            %mul3A_473 = arith.muli %while3A_468, %mul3A_472 : i32
            %get3A = arith.index_cast %mul3A_473 : i32 to index
            %get3A_474 = tpu.vector_load %arg6[%get3A] {strides = array<i32>} : memref<1024xf32, #tpu.memory_space<vmem>>, vector<16xf32>,
            %mul3A_475 = arith.constant 16 : i32
            %mul3A_476 = arith.muli %while3A_468, %mul3A_475 : i32
            %get3A_477 = arith.index_cast %mul3A_476 : i32 to index
            %get3A_478 = tpu.vector_load %arg7[%get3A_477] {strides = array<i32>} : memref<1024xi32, #tpu.memory_space<vmem>>, vector<16xi32>,
            %mul3A_479 = arith.constant 16 : i32
            %mul3A_480 = arith.muli %while3A_468, %mul3A_479 : i32
            %add3A_481 = vector.broadcast %mul3A_480 : i32 to vector<16xi32>
            %add3A_482 = arith.addi %add3A_481, %iota3A : vector<16xi32>
            %lt3A = arith.cmpf olt, %get3A_474, %while3A_469 : vector<16xf32>
            %eq3A_483 = arith.cmpf oeq, %get3A_474, %while3A_469 : vector<16xf32>
            %lt3A_484 = arith.cmpi slt, %get3A_478, %while3A_470 : vector<16xi32>
            %and3A_485 = arith.andi %eq3A_483, %lt3A_484 : vector<16xi1>
            %or3A = arith.ori %lt3A, %and3A_485 : vector<16xi1>
            %select_n3A_486 = arith.select %or3A, %get3A_474, %while3A_469 : vector<16xi1>, vector<16xf32>
            %select_n3A_487 = arith.select %or3A, %get3A_478, %while3A_470 : vector<16xi1>, vector<16xi32>
            %select_n3A_488 = arith.select %or3A, %add3A_482, %while3A_471 : vector<16xi1>, vector<16xi32>
            scf.yield %select_n3A_486, %select_n3A_487, %select_n3A_488 : vector<16xf32>, vector<16xi32>, vector<16xi32>
          }
          %reduce_min3A = arith.constant true
          %reduce_min3A_440 = vector.broadcast %reduce_min3A : i1 to vector<16xi1>
          %reduce_min3A_441 = tpu.scan <min>, %while3A_439#0 masked %reduce_min3A_440 : vector<16xf32>, vector<16xi1> -> vector<16xf32>
          %reduce_min3A_442 = vector.extract %reduce_min3A_441[15] : f32 from vector<16xf32>
          %broadcast_in_dim3A_443 = vector.broadcast %reduce_min3A_442 : f32 to vector<16xf32>
          %eq3A_444 = arith.cmpf oeq, %while3A_439#0, %broadcast_in_dim3A_443 : vector<16xf32>
          %select_n3A = arith.select %eq3A_444, %while3A_439#1, %broadcast_in_dim3A_5 : vector<16xi1>, vector<16xi32>
          %reduce_min3A_445 = arith.constant true
          %reduce_min3A_446 = vector.broadcast %reduce_min3A_445 : i1 to vector<16xi1>
          %reduce_min3A_447 = arith.constant -2147483648 : i32
          %reduce_min3A_448 = vector.broadcast %reduce_min3A_447 : i32 to vector<16xi32>
          %reduce_min3A_449 = arith.xori %select_n3A, %reduce_min3A_448 : vector<16xi32>
          %reduce_min3A_450 = tpu.scan <min>, %reduce_min3A_449 masked %reduce_min3A_446 : vector<16xi32>, vector<16xi1> -> vector<16xi32>
          %reduce_min3A_451 = arith.xori %reduce_min3A_450, %reduce_min3A_448 : vector<16xi32>
          %reduce_min3A_452 = vector.extract %reduce_min3A_451[15] : i32 from vector<16xi32>
          %broadcast_in_dim3A_453 = vector.broadcast %reduce_min3A_452 : i32 to vector<16xi32>
          %eq3A_454 = arith.cmpi eq, %while3A_439#1, %broadcast_in_dim3A_453 : vector<16xi32>
          %and3A = arith.andi %eq3A_444, %eq3A_454 : vector<16xi1>
          %select_n3A_455 = arith.select %and3A, %while3A_439#2, %broadcast_in_dim3A_5 : vector<16xi1>, vector<16xi32>
          %reduce_min3A_456 = arith.constant true
          %reduce_min3A_457 = vector.broadcast %reduce_min3A_456 : i1 to vector<16xi1>
          %reduce_min3A_458 = arith.constant -2147483648 : i32
          %reduce_min3A_459 = vector.broadcast %reduce_min3A_458 : i32 to vector<16xi32>
          %reduce_min3A_460 = arith.xori %select_n3A_455, %reduce_min3A_459 : vector<16xi32>
          %reduce_min3A_461 = tpu.scan <min>, %reduce_min3A_460 masked %reduce_min3A_457 : vector<16xi32>, vector<16xi1> -> vector<16xi32>
          %reduce_min3A_462 = arith.xori %reduce_min3A_461, %reduce_min3A_459 : vector<16xi32>
          %reduce_min3A_463 = vector.extract %reduce_min3A_462[15] : i32 from vector<16xi32>
          %broadcast_in_dim3A_464 = vector.broadcast %reduce_min3A_463 : i32 to vector<16xi32>
          tpu.vector_store_idx %arg6[%broadcast_in_dim3A_464], %broadcast_in_dim3A_3 masked %eq3A_2 : memref<1024xf32, #tpu.memory_space<vmem>>[vector<16xi32>], vector<16xf32>, vector<16xi1>
          tpu.vector_store_idx %arg8[%scan3A_429], %broadcast_in_dim3A_453 masked %eq3A_2 : memref<2048xi32, #tpu.memory_space<vmem>>[vector<16xi32>], vector<16xi32>, vector<16xi1>
          %add3A_465 = arith.constant 1 : i32
          %add3A_466 = vector.broadcast %add3A_465 : i32 to vector<16xi32>
          %add3A_467 = arith.addi %scan3A_429, %add3A_466 : vector<16xi32>
          scf.yield %add3A_467 : vector<16xi32>
        }
        %scan3A_426 = arith.constant 32 : i32
        %cond3A_427 = arith.constant 0 : i32
        scf.yield %cond3A_427 : i32
      }
      %add3A_411 = arith.constant 3 : i32
      %add3A_412 = arith.addi %mul3A_48, %add3A_411 : i32
      %add3A_413 = arith.addi %mul3A_7, %add3A_412 : i32
      %min3A_414 = arith.constant 2047 : i32
      %min3A_415 = arith.minsi %add3A_413, %min3A_414 : i32
      %mul3A_416 = arith.constant 16384 : i32
      %mul3A_417 = arith.muli %min3A_415, %mul3A_416 : i32
      %dma_start3A_418 = tpu.memref_slice %arg2[%mul3A_417] : memref<33554432xf32, #tpu.memory_space<hbm>> -> memref<16384xf32, #tpu.memory_space<hbm>>
      %dma_start3A_419 = tpu.memref_slice %arg2[%mul3A_417] : memref<33554432xf32, #tpu.memory_space<hbm>> -> memref<16384xf32, #tpu.memory_space<hbm>>
      tpu.enqueue_dma source(%dma_start3A_419 : memref<16384xf32, #tpu.memory_space<hbm>>) target(%arg5 : memref<16384xf32, #tpu.memory_space<vmem>>) target_semaphore(%arg10 : memref<!tpu.dma_semaphore, #tpu.memory_space<semaphore_mem>>)
      %scan3A_420 = arith.constant 0 : i32
      scf.yield %scan3A_420 : i32
    }
    %scan3A_27 = arith.constant 32 : i32
    %add3A_28 = arith.constant 0 : i32
    %add3A_29 = arith.addi %mul3A_7, %add3A_28 : i32
    %min3A_30 = arith.constant 2047 : i32
    %min3A_31 = arith.minsi %add3A_29, %min3A_30 : i32
    %mul3A_32 = arith.constant 16384 : i32
    %mul3A_33 = arith.muli %min3A_31, %mul3A_32 : i32
    %dma_wait3A = tpu.memref_slice %arg2[%mul3A_33] : memref<33554432xf32, #tpu.memory_space<hbm>> -> memref<16384xf32, #tpu.memory_space<hbm>>
    %dma_wait3A_34 = tpu.memref_slice %arg2[%mul3A_33] : memref<33554432xf32, #tpu.memory_space<hbm>> -> memref<16384xf32, #tpu.memory_space<hbm>>
    tpu.wait_dma2 semaphore(%arg9 : memref<!tpu.dma_semaphore, #tpu.memory_space<semaphore_mem>>) src(%dma_wait3A_34 : memref<16384xf32, #tpu.memory_space<hbm>>) dst(%arg4 : memref<16384xf32, #tpu.memory_space<vmem>>)
    %add3A_35 = arith.constant 1 : i32
    %add3A_36 = arith.addi %mul3A_7, %add3A_35 : i32
    %min3A_37 = arith.constant 2047 : i32
    %min3A_38 = arith.minsi %add3A_36, %min3A_37 : i32
    %mul3A_39 = arith.constant 16384 : i32
    %mul3A_40 = arith.muli %min3A_38, %mul3A_39 : i32
    %dma_wait3A_41 = tpu.memref_slice %arg2[%mul3A_40] : memref<33554432xf32, #tpu.memory_space<hbm>> -> memref<16384xf32, #tpu.memory_space<hbm>>
    %dma_wait3A_42 = tpu.memref_slice %arg2[%mul3A_40] : memref<33554432xf32, #tpu.memory_space<hbm>> -> memref<16384xf32, #tpu.memory_space<hbm>>
    tpu.wait_dma2 semaphore(%arg10 : memref<!tpu.dma_semaphore, #tpu.memory_space<semaphore_mem>>) src(%dma_wait3A_42 : memref<16384xf32, #tpu.memory_space<hbm>>) dst(%arg5 : memref<16384xf32, #tpu.memory_space<vmem>>)
    %mul3A_43 = arith.constant 2048 : i32
    %mul3A_44 = arith.muli %add3A, %mul3A_43 : i32
    "tpu.region"() ({
      %run_scoped3A = tpu.sem_alloc : memref<!tpu.dma_semaphore, #tpu.memory_space<semaphore_mem>>
      %dma_start3A_45 = tpu.memref_slice %arg3[%mul3A_44] : memref<65536xi32, #tpu.memory_space<hbm>> -> memref<2048xi32, #tpu.memory_space<hbm>>
      %dma_start3A_46 = tpu.memref_slice %arg3[%mul3A_44] : memref<65536xi32, #tpu.memory_space<hbm>> -> memref<2048xi32, #tpu.memory_space<hbm>>
      tpu.enqueue_dma source(%arg8 : memref<2048xi32, #tpu.memory_space<vmem>>) target(%dma_start3A_46 : memref<2048xi32, #tpu.memory_space<hbm>>) target_semaphore(%run_scoped3A : memref<!tpu.dma_semaphore, #tpu.memory_space<semaphore_mem>>)
      %dma_wait3A_47 = tpu.memref_slice %arg3[%mul3A_44] : memref<65536xi32, #tpu.memory_space<hbm>> -> memref<2048xi32, #tpu.memory_space<hbm>>
      %dma_wait3A_48 = tpu.memref_slice %arg3[%mul3A_44] : memref<65536xi32, #tpu.memory_space<hbm>> -> memref<2048xi32, #tpu.memory_space<hbm>>
      tpu.wait_dma2 semaphore(%run_scoped3A : memref<!tpu.dma_semaphore, #tpu.memory_space<semaphore_mem>>) src(%arg8 : memref<2048xi32, #tpu.memory_space<vmem>>) dst(%dma_wait3A_48 : memref<2048xi32, #tpu.memory_space<hbm>>)
      tpu.yield
    }) : () -> ()
    return
  }
}

module attributes {stable_mosaic.version = 14 : i64} {
  func.func @_fps_body(%arg0: memref<32x16384xf32, #tpu.memory_space<vmem>>, %arg1: memref<32x16384xf32, #tpu.memory_space<vmem>>, %arg2: memref<32x16384xf32, #tpu.memory_space<vmem>>, %arg3: memref<64x32xf32, #tpu.memory_space<vmem>>, %arg4: memref<64x32xf32, #tpu.memory_space<vmem>>, %arg5: memref<64x32xf32, #tpu.memory_space<vmem>>) attributes {dimension_semantics = [], scalar_prefetch = 0 : i64, scratch_operands = 0 : i64, tpu.core_type = #tpu.core_type<tc>} {
    %get3A = arith.constant 0 : index
    %get3A_0 = arith.constant 0 : index
    %get3A_1 = vector.load %arg0[%get3A, %get3A_0] : memref<32x16384xf32, #tpu.memory_space<vmem>>, vector<32x16384xf32>
    %get3A_2 = arith.constant 0 : index
    %get3A_3 = arith.constant 0 : index
    %get3A_4 = vector.load %arg1[%get3A_2, %get3A_3] : memref<32x16384xf32, #tpu.memory_space<vmem>>, vector<32x16384xf32>
    %get3A_5 = arith.constant 0 : index
    %get3A_6 = arith.constant 0 : index
    %get3A_7 = vector.load %arg2[%get3A_5, %get3A_6] : memref<32x16384xf32, #tpu.memory_space<vmem>>, vector<32x16384xf32>
    %iota3A = tpu.iota {dimensions = array<i32: 1>} : vector<32x16384xi32>
    %iota3A_8 = tpu.iota {dimensions = array<i32: 0>} : vector<32x32xi32>
    %iota3A_9 = tpu.iota {dimensions = array<i32: 1>} : vector<32x32xi32>
    %eq3A = arith.cmpi eq, %iota3A_8, %iota3A_9 : vector<32x32xi32>
    %iota3A_10 = tpu.iota {dimensions = array<i32: 0>} : vector<64x32xi32>
    %broadcast_in_dim3A = arith.constant 0x7F800000 : f32
    %broadcast_in_dim3A_11 = vector.broadcast %broadcast_in_dim3A : f32 to vector<32x16384xf32>
    %broadcast_in_dim3A_12 = arith.constant 0 : i32
    %broadcast_in_dim3A_13 = vector.broadcast %broadcast_in_dim3A_12 : i32 to vector<32x1xi32>
    %broadcast_in_dim3A_14 = arith.constant 0.000000e+00 : f32
    %broadcast_in_dim3A_15 = vector.broadcast %broadcast_in_dim3A_14 : f32 to vector<64x32xf32>
    %broadcast_in_dim3A_16 = arith.constant 0.000000e+00 : f32
    %broadcast_in_dim3A_17 = vector.broadcast %broadcast_in_dim3A_16 : f32 to vector<64x32xf32>
    %broadcast_in_dim3A_18 = arith.constant 0.000000e+00 : f32
    %broadcast_in_dim3A_19 = vector.broadcast %broadcast_in_dim3A_18 : f32 to vector<64x32xf32>
    %scan3A = arith.constant 0 : i32
    %scan3A_20 = arith.constant 64 : i32
    %scan3A_21 = arith.addi %scan3A, %scan3A_20 : i32
    %scan3A_22 = arith.constant 1 : i32
    %scan3A_23:5 = scf.for %scan3A_33 = %scan3A to %scan3A_21 step %scan3A_22 iter_args(%scan3A_34 = %broadcast_in_dim3A_11, %scan3A_35 = %broadcast_in_dim3A_13, %scan3A_36 = %broadcast_in_dim3A_15, %scan3A_37 = %broadcast_in_dim3A_17, %scan3A_38 = %broadcast_in_dim3A_19) -> (vector<32x16384xf32>, vector<32x1xi32>, vector<64x32xf32>, vector<64x32xf32>, vector<64x32xf32>)  : i32 {
      %eq3A_39 = vector.broadcast %scan3A_35 : vector<32x1xi32> to vector<32x16384xi32>
      %eq3A_40 = arith.cmpi eq, %iota3A, %eq3A_39 : vector<32x16384xi32>
      %jit3A = arith.constant 0.000000e+00 : f32
      %broadcast_in_dim3A_41 = vector.broadcast %jit3A : f32 to vector<32x16384xf32>
      %select_n3A = arith.select %eq3A_40, %get3A_1, %broadcast_in_dim3A_41 : vector<32x16384xi1>, vector<32x16384xf32>
      %reduce_sum3A = arith.constant dense<0.000000e+00> : vector<32xf32>
      %reduce_sum3A_42 = vector.multi_reduction <add>, %select_n3A, %reduce_sum3A [1] : vector<32x16384xf32> to vector<32xf32>
      %broadcast_in_dim3A_43 = vector.shape_cast %reduce_sum3A_42 : vector<32xf32> to vector<32x1xf32>
      %jit3A_44 = arith.constant 0.000000e+00 : f32
      %broadcast_in_dim3A_45 = vector.broadcast %jit3A_44 : f32 to vector<32x16384xf32>
      %select_n3A_46 = arith.select %eq3A_40, %get3A_4, %broadcast_in_dim3A_45 : vector<32x16384xi1>, vector<32x16384xf32>
      %reduce_sum3A_47 = arith.constant dense<0.000000e+00> : vector<32xf32>
      %reduce_sum3A_48 = vector.multi_reduction <add>, %select_n3A_46, %reduce_sum3A_47 [1] : vector<32x16384xf32> to vector<32xf32>
      %broadcast_in_dim3A_49 = vector.shape_cast %reduce_sum3A_48 : vector<32xf32> to vector<32x1xf32>
      %jit3A_50 = arith.constant 0.000000e+00 : f32
      %broadcast_in_dim3A_51 = vector.broadcast %jit3A_50 : f32 to vector<32x16384xf32>
      %select_n3A_52 = arith.select %eq3A_40, %get3A_7, %broadcast_in_dim3A_51 : vector<32x16384xi1>, vector<32x16384xf32>
      %reduce_sum3A_53 = arith.constant dense<0.000000e+00> : vector<32xf32>
      %reduce_sum3A_54 = vector.multi_reduction <add>, %select_n3A_52, %reduce_sum3A_53 [1] : vector<32x16384xf32> to vector<32xf32>
      %broadcast_in_dim3A_55 = vector.shape_cast %reduce_sum3A_54 : vector<32xf32> to vector<32x1xf32>
      %eq3A_56 = vector.broadcast %scan3A_33 : i32 to vector<64x32xi32>
      %eq3A_57 = arith.cmpi eq, %iota3A_10, %eq3A_56 : vector<64x32xi32>
      %broadcast_in_dim3A_58 = vector.shape_cast %broadcast_in_dim3A_43 : vector<32x1xf32> to vector<32x1xf32>
      %broadcast_in_dim3A_59 = vector.broadcast %broadcast_in_dim3A_58 : vector<32x1xf32> to vector<32x32xf32>
      %jit3A_60 = arith.constant 0.000000e+00 : f32
      %broadcast_in_dim3A_61 = vector.broadcast %jit3A_60 : f32 to vector<32x32xf32>
      %select_n3A_62 = arith.select %eq3A, %broadcast_in_dim3A_59, %broadcast_in_dim3A_61 : vector<32x32xi1>, vector<32x32xf32>
      %reduce_sum3A_63 = arith.constant dense<0.000000e+00> : vector<32xf32>
      %reduce_sum3A_64 = vector.multi_reduction <add>, %select_n3A_62, %reduce_sum3A_63 [0] : vector<32x32xf32> to vector<32xf32>
      %broadcast_in_dim3A_65 = vector.shape_cast %reduce_sum3A_64 : vector<32xf32> to vector<1x32xf32>
      %broadcast_in_dim3A_66 = vector.shape_cast %broadcast_in_dim3A_65 : vector<1x32xf32> to vector<1x32xf32>
      %broadcast_in_dim3A_67 = vector.broadcast %broadcast_in_dim3A_66 : vector<1x32xf32> to vector<64x32xf32>
      %select_n3A_68 = arith.select %eq3A_57, %broadcast_in_dim3A_67, %scan3A_36 : vector<64x32xi1>, vector<64x32xf32>
      %broadcast_in_dim3A_69 = vector.shape_cast %broadcast_in_dim3A_49 : vector<32x1xf32> to vector<32x1xf32>
      %broadcast_in_dim3A_70 = vector.broadcast %broadcast_in_dim3A_69 : vector<32x1xf32> to vector<32x32xf32>
      %jit3A_71 = arith.constant 0.000000e+00 : f32
      %broadcast_in_dim3A_72 = vector.broadcast %jit3A_71 : f32 to vector<32x32xf32>
      %select_n3A_73 = arith.select %eq3A, %broadcast_in_dim3A_70, %broadcast_in_dim3A_72 : vector<32x32xi1>, vector<32x32xf32>
      %reduce_sum3A_74 = arith.constant dense<0.000000e+00> : vector<32xf32>
      %reduce_sum3A_75 = vector.multi_reduction <add>, %select_n3A_73, %reduce_sum3A_74 [0] : vector<32x32xf32> to vector<32xf32>
      %broadcast_in_dim3A_76 = vector.shape_cast %reduce_sum3A_75 : vector<32xf32> to vector<1x32xf32>
      %broadcast_in_dim3A_77 = vector.shape_cast %broadcast_in_dim3A_76 : vector<1x32xf32> to vector<1x32xf32>
      %broadcast_in_dim3A_78 = vector.broadcast %broadcast_in_dim3A_77 : vector<1x32xf32> to vector<64x32xf32>
      %select_n3A_79 = arith.select %eq3A_57, %broadcast_in_dim3A_78, %scan3A_37 : vector<64x32xi1>, vector<64x32xf32>
      %broadcast_in_dim3A_80 = vector.shape_cast %broadcast_in_dim3A_55 : vector<32x1xf32> to vector<32x1xf32>
      %broadcast_in_dim3A_81 = vector.broadcast %broadcast_in_dim3A_80 : vector<32x1xf32> to vector<32x32xf32>
      %jit3A_82 = arith.constant 0.000000e+00 : f32
      %broadcast_in_dim3A_83 = vector.broadcast %jit3A_82 : f32 to vector<32x32xf32>
      %select_n3A_84 = arith.select %eq3A, %broadcast_in_dim3A_81, %broadcast_in_dim3A_83 : vector<32x32xi1>, vector<32x32xf32>
      %reduce_sum3A_85 = arith.constant dense<0.000000e+00> : vector<32xf32>
      %reduce_sum3A_86 = vector.multi_reduction <add>, %select_n3A_84, %reduce_sum3A_85 [0] : vector<32x32xf32> to vector<32xf32>
      %broadcast_in_dim3A_87 = vector.shape_cast %reduce_sum3A_86 : vector<32xf32> to vector<1x32xf32>
      %broadcast_in_dim3A_88 = vector.shape_cast %broadcast_in_dim3A_87 : vector<1x32xf32> to vector<1x32xf32>
      %broadcast_in_dim3A_89 = vector.broadcast %broadcast_in_dim3A_88 : vector<1x32xf32> to vector<64x32xf32>
      %select_n3A_90 = arith.select %eq3A_57, %broadcast_in_dim3A_89, %scan3A_38 : vector<64x32xi1>, vector<64x32xf32>
      %sub3A = vector.broadcast %broadcast_in_dim3A_43 : vector<32x1xf32> to vector<32x16384xf32>
      %sub3A_91 = arith.subf %get3A_1, %sub3A : vector<32x16384xf32>
      %sub3A_92 = vector.broadcast %broadcast_in_dim3A_49 : vector<32x1xf32> to vector<32x16384xf32>
      %sub3A_93 = arith.subf %get3A_4, %sub3A_92 : vector<32x16384xf32>
      %sub3A_94 = vector.broadcast %broadcast_in_dim3A_55 : vector<32x1xf32> to vector<32x16384xf32>
      %sub3A_95 = arith.subf %get3A_7, %sub3A_94 : vector<32x16384xf32>
      %mul3A = arith.mulf %sub3A_91, %sub3A_91 : vector<32x16384xf32>
      %mul3A_96 = arith.mulf %sub3A_93, %sub3A_93 : vector<32x16384xf32>
      %add3A = arith.addf %mul3A, %mul3A_96 : vector<32x16384xf32>
      %mul3A_97 = arith.mulf %sub3A_95, %sub3A_95 : vector<32x16384xf32>
      %add3A_98 = arith.addf %add3A, %mul3A_97 : vector<32x16384xf32>
      %min3A = arith.minimumf %scan3A_34, %add3A_98 : vector<32x16384xf32>
      %reduce_max3A = arith.constant dense<0xFF800000> : vector<32xf32>
      %reduce_max3A_99 = vector.multi_reduction <maximumf>, %min3A, %reduce_max3A [1] : vector<32x16384xf32> to vector<32xf32>
      %broadcast_in_dim3A_100 = vector.shape_cast %reduce_max3A_99 : vector<32xf32> to vector<32x1xf32>
      %eq3A_101 = vector.broadcast %broadcast_in_dim3A_100 : vector<32x1xf32> to vector<32x16384xf32>
      %eq3A_102 = arith.cmpf oeq, %min3A, %eq3A_101 : vector<32x16384xf32>
      %jit3A_103 = arith.constant 16384 : i32
      %broadcast_in_dim3A_104 = vector.broadcast %jit3A_103 : i32 to vector<32x16384xi32>
      %select_n3A_105 = arith.select %eq3A_102, %iota3A, %broadcast_in_dim3A_104 : vector<32x16384xi1>, vector<32x16384xi32>
      %reduce_min3A = arith.constant dense<2147483647> : vector<32xi32>
      %reduce_min3A_106 = vector.multi_reduction <minsi>, %select_n3A_105, %reduce_min3A [1] : vector<32x16384xi32> to vector<32xi32>
      %broadcast_in_dim3A_107 = vector.shape_cast %reduce_min3A_106 : vector<32xi32> to vector<32x1xi32>
      scf.yield %min3A, %broadcast_in_dim3A_107, %select_n3A_68, %select_n3A_79, %select_n3A_90 : vector<32x16384xf32>, vector<32x1xi32>, vector<64x32xf32>, vector<64x32xf32>, vector<64x32xf32>
    }
    %scan3A_24 = arith.constant 64 : i32
    %swap3A = arith.constant 0 : index
    %swap3A_25 = arith.constant 0 : index
    %swap3A_26 = vector.load %arg3[%swap3A, %swap3A_25] : memref<64x32xf32, #tpu.memory_space<vmem>>, vector<64x32xf32>
    tpu.vector_store %arg3[%swap3A, %swap3A_25], %scan3A_23#2 {strides = array<i32>} : memref<64x32xf32, #tpu.memory_space<vmem>>, vector<64x32xf32>,
    %swap3A_27 = arith.constant 0 : index
    %swap3A_28 = arith.constant 0 : index
    %swap3A_29 = vector.load %arg4[%swap3A_27, %swap3A_28] : memref<64x32xf32, #tpu.memory_space<vmem>>, vector<64x32xf32>
    tpu.vector_store %arg4[%swap3A_27, %swap3A_28], %scan3A_23#3 {strides = array<i32>} : memref<64x32xf32, #tpu.memory_space<vmem>>, vector<64x32xf32>,
    %swap3A_30 = arith.constant 0 : index
    %swap3A_31 = arith.constant 0 : index
    %swap3A_32 = vector.load %arg5[%swap3A_30, %swap3A_31] : memref<64x32xf32, #tpu.memory_space<vmem>>, vector<64x32xf32>
    tpu.vector_store %arg5[%swap3A_30, %swap3A_31], %scan3A_23#4 {strides = array<i32>} : memref<64x32xf32, #tpu.memory_space<vmem>>, vector<64x32xf32>,
    return
  }
}

module attributes {stable_mosaic.version = 14 : i64} {
  func.func @_d2_body(%arg0: i32, %arg1: memref<1x1x16384xf32, #tpu.memory_space<vmem>>, %arg2: memref<1x1x16384xf32, #tpu.memory_space<vmem>>, %arg3: memref<1x1x16384xf32, #tpu.memory_space<vmem>>, %arg4: memref<64x32xf32, #tpu.memory_space<vmem>>, %arg5: memref<64x32xf32, #tpu.memory_space<vmem>>, %arg6: memref<64x32xf32, #tpu.memory_space<vmem>>, %arg7: memref<1x64x16384xf32, #tpu.memory_space<vmem>>) attributes {dimension_semantics = [#tpu.dimension_semantics<arbitrary>], iteration_bounds = array<i64: 32>, scalar_prefetch = 0 : i64, scratch_operands = 0 : i64, tpu.core_type = #tpu.core_type<tc>, window_params = [{transform_indices = @transform_0, window_bounds = array<i64: 1, 1, 16384>}, {transform_indices = @transform_1, window_bounds = array<i64: 1, 1, 16384>}, {transform_indices = @transform_2, window_bounds = array<i64: 1, 1, 16384>}, {pipeline_mode = #tpu.pipeline_mode<synchronous>, transform_indices = @transform_3, window_bounds = array<i64: 64, 32>}, {pipeline_mode = #tpu.pipeline_mode<synchronous>, transform_indices = @transform_4, window_bounds = array<i64: 64, 32>}, {pipeline_mode = #tpu.pipeline_mode<synchronous>, transform_indices = @transform_5, window_bounds = array<i64: 64, 32>}, {transform_indices = @transform_6, window_bounds = array<i64: 1, 64, 16384>}]} {
    %get3A = arith.constant 0 : index
    %get3A_0 = arith.constant 0 : index
    %get3A_1 = arith.constant 0 : index
    %get3A_2 = vector.load %arg1[%get3A, %get3A_0, %get3A_1] : memref<1x1x16384xf32, #tpu.memory_space<vmem>>, vector<1x1x16384xf32>
    %get3A_3 = vector.shape_cast %get3A_2 : vector<1x1x16384xf32> to vector<1x16384xf32>
    %get3A_4 = arith.constant 0 : index
    %get3A_5 = arith.constant 0 : index
    %get3A_6 = arith.constant 0 : index
    %get3A_7 = vector.load %arg2[%get3A_4, %get3A_5, %get3A_6] : memref<1x1x16384xf32, #tpu.memory_space<vmem>>, vector<1x1x16384xf32>
    %get3A_8 = vector.shape_cast %get3A_7 : vector<1x1x16384xf32> to vector<1x16384xf32>
    %get3A_9 = arith.constant 0 : index
    %get3A_10 = arith.constant 0 : index
    %get3A_11 = arith.constant 0 : index
    %get3A_12 = vector.load %arg3[%get3A_9, %get3A_10, %get3A_11] : memref<1x1x16384xf32, #tpu.memory_space<vmem>>, vector<1x1x16384xf32>
    %get3A_13 = vector.shape_cast %get3A_12 : vector<1x1x16384xf32> to vector<1x16384xf32>
    %iota3A = tpu.iota {dimensions = array<i32: 1>} : vector<64x32xi32>
    %eq3A = vector.broadcast %arg0 : i32 to vector<64x32xi32>
    %eq3A_14 = arith.cmpi eq, %iota3A, %eq3A : vector<64x32xi32>
    %get3A_15 = arith.constant 0 : index
    %get3A_16 = arith.constant 0 : index
    %get3A_17 = vector.load %arg4[%get3A_15, %get3A_16] : memref<64x32xf32, #tpu.memory_space<vmem>>, vector<64x32xf32>
    %jit3A = arith.constant 0.000000e+00 : f32
    %broadcast_in_dim3A = vector.broadcast %jit3A : f32 to vector<64x32xf32>
    %select_n3A = arith.select %eq3A_14, %get3A_17, %broadcast_in_dim3A : vector<64x32xi1>, vector<64x32xf32>
    %reduce_sum3A = arith.constant dense<0.000000e+00> : vector<64xf32>
    %reduce_sum3A_18 = vector.multi_reduction <add>, %select_n3A, %reduce_sum3A [1] : vector<64x32xf32> to vector<64xf32>
    %broadcast_in_dim3A_19 = vector.shape_cast %reduce_sum3A_18 : vector<64xf32> to vector<64x1xf32>
    %get3A_20 = arith.constant 0 : index
    %get3A_21 = arith.constant 0 : index
    %get3A_22 = vector.load %arg5[%get3A_20, %get3A_21] : memref<64x32xf32, #tpu.memory_space<vmem>>, vector<64x32xf32>
    %jit3A_23 = arith.constant 0.000000e+00 : f32
    %broadcast_in_dim3A_24 = vector.broadcast %jit3A_23 : f32 to vector<64x32xf32>
    %select_n3A_25 = arith.select %eq3A_14, %get3A_22, %broadcast_in_dim3A_24 : vector<64x32xi1>, vector<64x32xf32>
    %reduce_sum3A_26 = arith.constant dense<0.000000e+00> : vector<64xf32>
    %reduce_sum3A_27 = vector.multi_reduction <add>, %select_n3A_25, %reduce_sum3A_26 [1] : vector<64x32xf32> to vector<64xf32>
    %broadcast_in_dim3A_28 = vector.shape_cast %reduce_sum3A_27 : vector<64xf32> to vector<64x1xf32>
    %get3A_29 = arith.constant 0 : index
    %get3A_30 = arith.constant 0 : index
    %get3A_31 = vector.load %arg6[%get3A_29, %get3A_30] : memref<64x32xf32, #tpu.memory_space<vmem>>, vector<64x32xf32>
    %jit3A_32 = arith.constant 0.000000e+00 : f32
    %broadcast_in_dim3A_33 = vector.broadcast %jit3A_32 : f32 to vector<64x32xf32>
    %select_n3A_34 = arith.select %eq3A_14, %get3A_31, %broadcast_in_dim3A_33 : vector<64x32xi1>, vector<64x32xf32>
    %reduce_sum3A_35 = arith.constant dense<0.000000e+00> : vector<64xf32>
    %reduce_sum3A_36 = vector.multi_reduction <add>, %select_n3A_34, %reduce_sum3A_35 [1] : vector<64x32xf32> to vector<64xf32>
    %broadcast_in_dim3A_37 = vector.shape_cast %reduce_sum3A_36 : vector<64xf32> to vector<64x1xf32>
    %concatenate3A = tpu.concatenate %broadcast_in_dim3A_19, %broadcast_in_dim3A_28, %broadcast_in_dim3A_37 in 1 : vector<64x1xf32>, vector<64x1xf32>, vector<64x1xf32> -> vector<64x3xf32>
    %concatenate3A_38 = tpu.concatenate %get3A_3, %get3A_8, %get3A_13 in 0 : vector<1x16384xf32>, vector<1x16384xf32>, vector<1x16384xf32> -> vector<3x16384xf32>
    %convert_element_type3A = arith.truncf %concatenate3A : vector<64x3xf32> to vector<64x3xbf16>
    %convert_element_type3A_39 = arith.truncf %concatenate3A_38 : vector<3x16384xf32> to vector<3x16384xbf16>
    %dot_general3A = arith.constant dense<0.000000e+00> : vector<64x16384xf32>
    %dot_general3A_40 = tpu.matmul %convert_element_type3A, %convert_element_type3A_39, %dot_general3A {dimension_numbers = #tpu.dot_dimension_numbers<[1], [0], [0], [1], [0, 0, 1, 1], [], []>, transpose_lhs_hint = false} : vector<64x3xbf16>, vector<3x16384xbf16>, vector<64x16384xf32> -> vector<64x16384xf32>
    %mul3A = arith.mulf %broadcast_in_dim3A_19, %broadcast_in_dim3A_19 : vector<64x1xf32>
    %mul3A_41 = arith.mulf %broadcast_in_dim3A_28, %broadcast_in_dim3A_28 : vector<64x1xf32>
    %add3A = arith.addf %mul3A, %mul3A_41 : vector<64x1xf32>
    %mul3A_42 = arith.mulf %broadcast_in_dim3A_37, %broadcast_in_dim3A_37 : vector<64x1xf32>
    %add3A_43 = arith.addf %add3A, %mul3A_42 : vector<64x1xf32>
    %mul3A_44 = arith.mulf %get3A_3, %get3A_3 : vector<1x16384xf32>
    %mul3A_45 = arith.mulf %get3A_8, %get3A_8 : vector<1x16384xf32>
    %add3A_46 = arith.addf %mul3A_44, %mul3A_45 : vector<1x16384xf32>
    %mul3A_47 = arith.mulf %get3A_13, %get3A_13 : vector<1x16384xf32>
    %add3A_48 = arith.addf %add3A_46, %mul3A_47 : vector<1x16384xf32>
    %mul3A_49 = arith.constant 2.000000e+00 : f32
    %mul3A_50 = vector.broadcast %mul3A_49 : f32 to vector<64x16384xf32>
    %mul3A_51 = arith.mulf %mul3A_50, %dot_general3A_40 : vector<64x16384xf32>
    %sub3A = vector.broadcast %add3A_43 : vector<64x1xf32> to vector<64x16384xf32>
    %sub3A_52 = arith.subf %sub3A, %mul3A_51 : vector<64x16384xf32>
    %add3A_53 = vector.broadcast %add3A_48 : vector<1x16384xf32> to vector<64x16384xf32>
    %add3A_54 = arith.addf %sub3A_52, %add3A_53 : vector<64x16384xf32>
    %swap3A = arith.constant 0 : index
    %swap3A_55 = arith.constant 0 : index
    %swap3A_56 = arith.constant 0 : index
    %swap3A_57 = vector.load %arg7[%swap3A, %swap3A_55, %swap3A_56] : memref<1x64x16384xf32, #tpu.memory_space<vmem>>, vector<1x64x16384xf32>
    %swap3A_58 = vector.shape_cast %swap3A_57 : vector<1x64x16384xf32> to vector<64x16384xf32>
    %swap3A_59 = vector.shape_cast %add3A_54 : vector<64x16384xf32> to vector<1x64x16384xf32>
    tpu.vector_store %arg7[%swap3A, %swap3A_55, %swap3A_56], %swap3A_59 {strides = array<i32>} : memref<1x64x16384xf32, #tpu.memory_space<vmem>>, vector<1x64x16384xf32>,
    return
  }
  func.func @transform_0(%arg0: i32) -> (i32, i32, i32) {
    %c0_i32 = arith.constant 0 : i32
    %c0_i32_0 = arith.constant 0 : i32
    %c0_i32_1 = arith.constant 0 : i32
    return %arg0, %c0_i32, %c0_i32_0 : i32, i32, i32
  }
  func.func @transform_1(%arg0: i32) -> (i32, i32, i32) {
    %c0_i32 = arith.constant 0 : i32
    %c0_i32_0 = arith.constant 0 : i32
    %c0_i32_1 = arith.constant 0 : i32
    return %arg0, %c0_i32, %c0_i32_0 : i32, i32, i32
  }
  func.func @transform_2(%arg0: i32) -> (i32, i32, i32) {
    %c0_i32 = arith.constant 0 : i32
    %c0_i32_0 = arith.constant 0 : i32
    %c0_i32_1 = arith.constant 0 : i32
    return %arg0, %c0_i32, %c0_i32_0 : i32, i32, i32
  }
  func.func @transform_3(%arg0: i32) -> (i32, i32) {
    %c0_i32 = arith.constant 0 : i32
    %c0_i32_0 = arith.constant 0 : i32
    %c0_i32_1 = arith.constant 0 : i32
    return %c0_i32, %c0_i32_0 : i32, i32
  }
  func.func @transform_4(%arg0: i32) -> (i32, i32) {
    %c0_i32 = arith.constant 0 : i32
    %c0_i32_0 = arith.constant 0 : i32
    %c0_i32_1 = arith.constant 0 : i32
    return %c0_i32, %c0_i32_0 : i32, i32
  }
  func.func @transform_5(%arg0: i32) -> (i32, i32) {
    %c0_i32 = arith.constant 0 : i32
    %c0_i32_0 = arith.constant 0 : i32
    %c0_i32_1 = arith.constant 0 : i32
    return %c0_i32, %c0_i32_0 : i32, i32
  }
  func.func @transform_6(%arg0: i32) -> (i32, i32, i32) {
    %c0_i32 = arith.constant 0 : i32
    %c0_i32_0 = arith.constant 0 : i32
    %c0_i32_1 = arith.constant 0 : i32
    return %arg0, %c0_i32, %c0_i32_0 : i32, i32, i32
  }
}

</mosaic_0001>

<sc_bundles>
// kernel: kernel.5.cloned.1.call-start
scs
__scs_entry_jumppad:
0x0: {  	(pc) =	sbr.rel $0x88, $3  }
0x1: {  	(tag) =	ssettag $0x0;
	lr =	simm.s32 $0x1  }
0x2: {  	[smem:$0x3FA0] =	sst lr;
	_ =	strace $0xD0000000  }
0x3: {  	_ = 	snop  }
0x4: {  	_ = 	snop  }
0x5: {  	_ = 	snop  }
0x6: {  	_ = 	snop  }
0x7: {  	_ = 	snop  }
__scs_overlays_trampoline_lowered:
0x8: {  	[smem:$0x3FAF] =	sst s0  }
0x9: {  	[smem:$0x3FB0] =	sst s1  }
0xa: {  	[smem:$0x3FB1] =	sst s2  }
0xb: {  	[smem:$0x3FB2] =	sst s3  }
0xc: {  	[smem:$0x3FB3] =	sst s4  }
0xd: {  	[smem:$0x3FB4] =	sst s5  }
0xe: {  	[smem:$0x3FB5] =	sst s6  }
0xf: {  	[smem:$0x3FB6] =	sst s7  }
0x10: {  	[smem:$0x3FB7] =	sst s8  }
0x11: {  	[smem:$0x3FB8] =	sst s9;
	s0 =	simm.s32 @!p0 $0x0  }
0x12: {  	s1 =	sld [smem:$0x3F9E];
	s0 =	simm.s32 @p0 $0x1  }
0x13: {  	[smem:$0x3FB9] =	sst s0;
	s0 =	simm.s32 @!p1 $0x0  }
0x14: {  	s2 =	sld [smem:$0x3F9D];
	s0 =	simm.s32 @p1 $0x1  }
0x15: {  	[smem:$0x3FBA] =	sst s0;
	s0 =	simm.s32 @!p2 $0x0  }
0x16: {  	s3 =	sld [smem:$0x3FDB];
	s0 =	simm.s32 @p2 $0x1  }
0x17: {  	s4 =	simm.s32 $0x1BF5;
	[smem:$0x3FBC] =	sst s0  }
0x18: {  	s0 =	sld [smem:$0x3F9F];
	_ =	swait.ge [sflag:s4], $0x0  }
0x19: {  	s7 =	sld [smem:$0x3FA0]  }
0x1a: {  	s8 =	sadd.s32 $0xFFFFE003, lr  }
0x1b: {  	s9 =	sadd.s32 $0xFFFFFEF7, lr;
	s5 =	simm.s32 $0xFFFFFFFF;
	p2 =	slt.u32 s8, $0xFFFFF086  }
0x1c: {  	p1 =	slt.u32 s9, $0xF7A;
	s5 =	simm.s32 @!p2 $0x0  }
0x1d: {  	s5 =	simm.s32 @p1 $0x1;
	p0 =	seq.s32 s7, s2  }
0x1e: {  	s7 =	smul.u32 @!p0 $0xF7A, s2;
	p2 =	seq.s32 @!p0 s5, $0x0  }
0x1f: {  	s9 =	smul.u32 $0xF7A, s1;
	s8 =	simm.s32 @!p0 $0x1BF5;
	p2 =	por !p2, p0  }
0x20: {  	[sflag:s8] =	ssyncset.s32 @!p0 $0xFFFFF086;
	s6 =	sadd.s32 @!p0 s3, s7;
	s7 =	simm.s32 @!p0 $0x108  }
0x21: {  	s3 =	sadd.s32 s3, s9;
	s6 =	sadd.s32 @!p0 $0x88, s6;
	s7 =	simm.s32 @p2 $0x1082  }
0x22: {  	[simem:s7], [sflag:s8] =	dma.local @!p0 [hbm:s6], $0xF7A  }
0x23: {  	s9 =	sor.u32 $0xD0000000, s2;
	s6 =	simm.s32 $0x108;
	_ =	swait.ge @!p0 [sflag:s8], $0x0  }
0x24: {  	s3 =	sadd.s32 $0x88, s3;
	s6 =	simm.s32 @!p1 $0x1082;
	[sflag:s4] =	ssyncset.s32 $0xFFFFF086  }
0x25: {  	[simem:s6], [sflag:s4] =	dma.local [hbm:s3], $0xF7A  }
0x26: {  	[smem:$0x3FA0] =	sst s1;
	(tag) =	ssettag s2;
	_ =	strace s9  }
0x27: {  	s1 =	sld [smem:$0x3FB0]  }
0x28: {  	s2 =	sld [smem:$0x3FB1]  }
0x29: {  	s4 =	sld [smem:$0x3FB3]  }
0x2a: {  	p0 =	seq.s32 s5, $0x0;
	s5 =	sld [smem:$0x3FB4]  }
0x2b: {  	s6 =	sld [smem:$0x3FB5]  }
0x2c: {  	s7 =	sld [smem:$0x3FB6]  }
0x2d: {  	s3 =	simm.s32 $0x108;
	s8 =	sld [smem:$0x3FB7]  }
0x2e: {  	s3 =	simm.s32 @!p0 $0x1082;
	s9 =	sld [smem:$0x3FB8]  }
0x2f: {  	lr =	sadd.s32 s0, s3;
	s0 =	sld [smem:$0x3FAF]  }
0x30: {  	s3 =	sld [smem:$0x3FB2]  }
0x31: {  	[smem:$0x3FBB] =	sst s10  }
0x32: {  	s10 =	sld [smem:$0x3FB9];
	_ =	sdelay $0x3  }
0x33: {  	p0 =	seq.s32 s10, $0x1;
	s10 =	sld [smem:$0x3FBB];
	_ =	sdelay $0x3  }
0x34: {  	[smem:$0x3FBB] =	sst s10  }
0x35: {  	s10 =	sld [smem:$0x3FBA];
	_ =	sdelay $0x3  }
0x36: {  	p1 =	seq.s32 s10, $0x1;
	s10 =	sld [smem:$0x3FBB];
	_ =	sdelay $0x3  }
0x37: {  	[smem:$0x3FBB] =	sst s10  }
0x38: {  	s10 =	sld [smem:$0x3FBC]  }
0x39: {  	_ = 	snop;
	(pc) =	sbr.ind lr, $3  }
0x3a: {  	_ = 	snop  }
0x3b: {  	_ = 	snop  }
0x3c: {  	p2 =	seq.s32 s10, $0x1;
	s10 =	sld [smem:$0x3FBB]  }
0x3d: {  	_ =	shalt  }
0x3e: {  	_ =	shalt  }
0x3f: {  	_ =	shalt  }
0x40: {  	_ =	shalt  }
0x41: {  	_ =	shalt  }
0x42: {  	_ =	shalt  }
0x43: {  	_ =	shalt  }
0x44: {  	_ =	shalt  }
0x45: {  	_ =	shalt  }
0x46: {  	_ =	shalt  }
0x47: {  	_ =	shalt  }
0x48: {  	_ =	shalt  }
0x49: {  	_ =	shalt  }
0x4a: {  	_ =	shalt  }
0x4b: {  	_ =	shalt  }
0x4c: {  	_ =	shalt  }
0x4d: {  	_ =	shalt  }
0x4e: {  	_ =	shalt  }
0x4f: {  	_ =	shalt  }
0x50: {  	_ =	shalt  }
0x51: {  	_ =	shalt  }
0x52: {  	_ =	shalt  }
0x53: {  	_ =	shalt  }
0x54: {  	_ =	shalt  }
0x55: {  	_ =	shalt  }
0x56: {  	_ =	shalt  }
0x57: {  	_ =	shalt  }
0x58: {  	_ =	shalt  }
0x59: {  	_ =	shalt  }
0x5a: {  	_ =	shalt  }
0x5b: {  	_ =	shalt  }
0x5c: {  	_ =	shalt  }
0x5d: {  	_ =	shalt  }
0x5e: {  	_ =	shalt  }
0x5f: {  	_ =	shalt  }
0x60: {  	_ =	shalt  }
0x61: {  	_ =	shalt  }
0x62: {  	_ =	shalt  }
0x63: {  	_ =	shalt  }
0x64: {  	_ =	shalt  }
0x65: {  	_ =	shalt  }
0x66: {  	_ =	shalt  }
0x67: {  	_ =	shalt  }
0x68: {  	_ =	shalt  }
0x69: {  	_ =	shalt  }
0x6a: {  	_ =	shalt  }
0x6b: {  	_ =	shalt  }
0x6c: {  	_ =	shalt  }
0x6d: {  	_ =	shalt  }
0x6e: {  	_ =	shalt  }
0x6f: {  	_ =	shalt  }
0x70: {  	_ =	shalt  }
0x71: {  	_ =	shalt  }
0x72: {  	_ =	shalt  }
0x73: {  	_ =	shalt  }
0x74: {  	_ =	shalt  }
0x75: {  	_ =	shalt  }
0x76: {  	_ =	shalt  }
0x77: {  	_ =	shalt  }
0x78: {  	_ =	shalt  }
0x79: {  	_ =	shalt  }
0x7a: {  	_ =	shalt  }
0x7b: {  	_ =	shalt  }
0x7c: {  	_ =	shalt  }
0x7d: {  	_ =	shalt  }
0x7e: {  	_ =	shalt  }
0x7f: {  	_ =	shalt  }
0x80: {  	_ =	shalt  }
0x81: {  	_ =	shalt  }
0x82: {  	_ =	shalt  }
0x83: {  	_ =	shalt  }
0x84: {  	_ =	shalt  }
0x85: {  	_ =	shalt  }
0x86: {  	_ =	shalt  }
0x87: {  	_ =	shalt  }
.Lfunc_end0:
.L_simem_size_0:
called_computation.1_lowered:
.L_overlay_start_0:
0x88: {  	s2 =	sld [smem:$0x3FD9]  }
0x89: {  	s3 =	sld [smem:$0x3FFE];
	_ =	sdelay $0x1  }
0x8a: {  	s1 =	srdreg.scid  }
0x8b: {  	s0 =	sand.u32 $0x1, s1  }
0x8c: {  	s14 =	sshll.u32 s0, $0xA;
	s2 =	sadd.s32 s3, s2  }
0x8d: {  	s2 =	sadd.s32 s2, s14  }
0x8e: {  	[smem:$0x3FC7] =	sst s2  }
0x8f: {  	_ = 	snop  }
0x90: {  	s2 =	sld [smem:$0x3FD0];
	_ =	sdelay $0x2  }
0x91: {  	s15 =	simm.s32 $0xA;
	s4 =	simm.s32 $0x10  }
0x92: {  	[smem:s4], [sflag:s15] =	dma.local [hbm:s2], $0x1  }
0x93: {  	_ =	swait.eq [sflag:s15], $0x1  }
0x94: {  	[sflag:s15] =	ssyncset.done $0x0  }
0x95: {  	[sflag:s15] =	ssyncadd.s32 $0xFFFFFFFF  }
0x96: {  	s16 =	sld [smem:$0x10];
	(tm) =	ssettm $0x1  }
0x97: {  	s17 =	sld [smem:$0x3FFB];
	_ =	sdelay $0x3  }
0x98: {  	_ =	strace s17  }
0x99: {  	s3 =	sld [smem:$0x3FFC];
	_ =	sdelay $0x3  }
0x9a: {  	_ =	strace s3  }
0x9b: {  	s3 =	sld [smem:$0x3FFD];
	_ =	sdelay $0x3  }
0x9c: {  	_ =	strace s3  }
0x9d: {  	_ =	strace $0x8FFFFFFF  }
0x9e: {  	s18 =	sld [smem:$0x3FDB];
	_ =	sdelay $0x1  }
0x9f: {  	s19 =	simm.s32 $_scs_section_size  }
0xa0: {  	s5 =	simm.s32 $_size__tile_overlayer_lowered;
	s6 =	simm.s32 $_tile_overlayer_lowered  }
0xa1: {  	s22 =	simm.s32 $0x1BFF;
	s21 =	sshll.u32 s6, $0x1;
	s3 =	sadd.s32 s19, s18  }
0xa2: {  	s7 =	simm.s32 $0x0;
	s20 =	sshll.u32 s5, $0x1;
	s5 =	sadd.s32 s21, s3  }
0xa3: {  	[timem:s7], [sflag:s22] =	dma.local [hbm:s5], s20  }
0xa4: {  	_ =	swait.ge [sflag:s22], s20  }
0xa5: {  	s4 =	ssub.s32 $0x0, s20;
	[sflag:s22] =	ssyncset.done $0x0  }
0xa6: {  	[sflag:s22] =	ssyncadd.s32 s4;
	_ =	sdelay $0x1  }
0xa7: {  	s23 =	simm.s32 $0x1B8B  }
0xa8: {  	_ =	swait.ge [sflag:s23], $0x1  }
0xa9: {  	[sflag:s23] =	ssyncset.done $0x0  }
0xaa: {  	s25 =	simm.s32 $0x1B8E;
	s24 =	sld [smem:$0x3FFE];
	[sflag:s23] =	ssyncadd.s32 $0xFFFFFFFF  }
0xab: {  	s26 =	simm.s32 $execute0_lowered;
	[smem:$0x3FD2] =	sst s25  }
0xac: {  	s5 =	sshll.u32 s26, $0x1;
	_ =	strace $0x80000049;
	[dreg:$0x1] =	wrdreg $0xFFFFFFFF  }
0xad: {  	s28 =	simm.s32 $_size_execute0_lowered;
	s3 =	sadd.s32 s3, s5;
	[dreg:$0x0] =	wrdreg $0x0  }
0xae: {  	s5 =	sshll.u32 s28, $0x1;
	[dreg:$0x2] =	wrdreg s3  }
0xaf: {  	[dreg:$0x3] =	wrdreg s5  }
0xb0: {  	[dreg:$0x4] =	wrdreg $0xC0  }
0xb1: {  	_ =	task [dreg:s7], $0x5FFFF  }
0xb2: {  	[dreg:$0x1] =	wrdreg $0xFFFFFFFF  }
0xb3: {  	[dreg:$0x0] =	wrdreg $0x60  }
0xb4: {  	[dreg:$0x2] =	wrdreg s24  }
0xb5: {  	[dreg:$0x3] =	wrdreg s16  }
0xb6: {  	[dreg:$0x4] =	wrdreg $0x9  }
0xb7: {  	_ =	task.clear_ibuf [dreg:s7], $0x5FFFF;
	_ =	strace $0x90000049  }
0xb8: {  	s29 =	simm.s32 $0x9;
	_ =	strace $0x8000004B  }
0xb9: {  	_ =	swait.ge [sflag:s29], $0x1  }
0xba: {  	[sflag:s29] =	ssyncadd.s32 $0xFFFFFFFF  }
0xbb: {  	_ =	strace $0x9000004B  }
0xbc: {  	_ =	sfence  }
0xbd: {  	s30 =	sld [smem:$0x0];
	_ =	sdelay $0x2  }
0xbe: {  	s31 =	sshll.u32 s1, $0xD;
	s1 =	sshrl.u32 s1, $0x2  }
0xbf: {  	s3 =	sand.u32 $0x4000, s31;
	s1 =	sadd.s32 s1, s30  }
0xc0: {  	s0 =	sor.u32 s3, s0;
	s1 =	sshll.u32 s1, $0x11  }
0xc1: {  	s0 =	sor.u32 s1, s0  }
0xc2: {  	s0 =	sadd.s32 $0x8F2B, s0  }
0xc3: {  	[sflag:s0] =	ssyncadd.remote.s32 $0x1  }
0xc4: {  	_ =	sfence.sel $0xFFFF  }
0xc5: {  	[dreg:$0x0] =	wrdreg $0xFFFFFFFF;
	(pc) =	sbr.abs _section_cstart, $3  }
0xc6: {  	[dreg:$0x1] =	wrdreg $0xFFFFFFFF  }
0xc7: {  	_ =	task.clear_ibuf [dreg:s7], $0x2FFFF;
	_ =	strace $0x9FFFFFFF  }
0xc8: {  	(tm) =	ssettm $0x7FFFFFFF  }
0xc9: {  	_ =	shalt  }
tec
execute0_lowered:
.L_overlay_start_1:
0x0: {  	(tag) =	ssettag $0x1  }
0x1: {  	s3 =	rddreg [dreg:$0x0]  }
0x2: {  	s8 =	rddreg [dreg:$0x1]  }
0x3: {  	s0 =	rddreg [dreg:$0x2]  }
0x4: {  	s4 =	srdreg.scid;
	s1 =	stileid.u32;
	s2 =	simm.s32 $0x0  }
0x5: {  	s12 =	simm.s32 $0x8000;
	s13 =	simm.s32 $0x8400;
	s14 =	simm.s32 $0x8800  }
0x6: {  	s15 =	simm.s32 $0x2;
	s16 =	simm.s32 $0x3;
	s17 =	simm.s32 $0x0  }
0x7: {  	s4 =	sand.u32 $0x1, s4;
	s5 =	sshll.u32 s1, $0x1;
	[smem:$0x7FF] =	sst s2  }
0x8: {  	s3 =	sadd.s32 $0x402200, s3;
	s6 =	ssub.s32 $0x2, s4;
	s7 =	sor.u32 s4, s5  }
.Ltmp0:
0x9: {  	_ =	strace $0x8000004A;
	s31 =	sshrl.u32 s6, $0x1;
	(pc) =	sbr.rel .LBB2_1-.Ltmp0, $4  }
0xa: {  	s5 =	sshll.u32 s7, $0x11;
	s10 =	sshll.u32 s7, $0x6;
	s11 =	sshll.u32 s7, $0x8  }
0xb: {  	s9 =	ssub.s32 s6, s31;
	s4 =	sadd.s32 s3, s5;
	s6 =	sor.u32 $0x2, s10  }
0xc: {  	v0 =	vlaneseq.u32;
	s7 =	sor.u32 $0x3, s10;
	s8 =	sadd.s32 s8, s11;
	s10 =	simm.s32 $0x4000  }
0xd: {  	v1 =	vimm.f32 $+Inf;
	v2 =	vimm.s32 $0x0;
	v3 =	vmul.u32 $0xFFFFFFFF, v0;
	s11 =	simm.s32 $0x1;
	s5 =	sadd.s32 $0x800, s4;
	s9 =	smax.u32 s9, $0x1  }
.LBB2_37:
0xe: {  	_ =	swait.ge [sflag:s11], $0x4000  }
0xf: {  	[sflag:s11] =	ssyncset.done $0x0  }
0x10: {  	[sflag:s11] =	ssyncadd.s32 $0xFFFFC000  }
0x11: {  	s17 =	sadd.s32 $0x1, s17;
	_ =	swait.ge [sflag:s15], $0x4000  }
0x12: {  	p0 =	sne.s32 s17, s9;
	[sflag:s15] =	ssyncset.done $0x0  }
.Ltmp1:
0x13: {  	[sflag:s15] =	ssyncadd.s32 $0xFFFFC000;
	(pc) =	sbr.rel @!p0 .LBB2_38-.Ltmp1, $4  }
0x14: {  	[hbm4b:s8+s2] =	stream.linear.scatter [tilespmem:s14], [sflag:$0x3], $0x800, $0x38;
	[tilespmem:$0x9000] =	vst v63  }
0x15: {  	_ =	swait.ge [sflag:s16], $0x800  }
0x16: {  	[sflag:s16] =	ssyncset.done $0x0  }
0x17: {  	[sflag:s16] =	ssyncadd.s32 $0xFFFFF800  }
.LBB2_1:
.Ltmp2:
0x18: {  	(pc) =	sbr.rel .LBB2_2-.Ltmp2, $4  }
0x19: {  	_ = 	snop  }
0x1a: {  	[tilespmem:s2], [sflag:$0x1] =	stream.linear.gather [hbm4b:s4+s2], $0x4000, $0x38;
	[tilespmem:$0x9000] =	vst v63  }
0x1b: {  	s18 =	simm.s32 $0x0  }
0x1c: {  	[tilespmem:s10], [sflag:$0x2] =	stream.linear.gather [hbm4b:s5+s2], $0x4000, $0x38;
	[tilespmem:$0x9000] =	vst v63  }
.LBB2_36:
0x1d: {  	s18 =	sadd.s32 $0x1, s18  }
0x1e: {  	p0 =	sne.s32 s18, $0x20  }
.Ltmp3:
0x1f: {  	s19 =	sadd.s32 s19, s7;
	(pc) =	sbr.rel @!p0 .LBB2_37-.Ltmp3, $4  }
0x20: {  	s19 =	smin.u32 s19, $0x7FF  }
0x21: {  	s19 =	sshll.u32 s19, $0xB  }
0x22: {  	s19 =	sadd.s32 s3, s19  }
0x23: {  	[tilespmem:s10], [sflag:$0x2] =	stream.linear.gather [hbm4b:s19+s2], $0x4000, $0x38;
	[tilespmem:$0x9000] =	vst v63  }
.LBB2_2:
0x24: {  	_ =	swait.ge [sflag:s11], $0x4000  }
0x25: {  	[sflag:s11] =	ssyncset.done $0x0  }
0x26: {  	s20 =	simm.s32 $0x80;
	[sflag:s11] =	ssyncadd.s32 $0xFFFFC000  }
0x27: {  	v5 =	vld [tilespmem:s20+$0xFFFFFFD0]  }
0x28: {  	v6 =	vld [tilespmem:s20+$0xFFFFFF80]  }
0x29: {  	v7 =	vld [tilespmem:s20+$0xFFFFFF90]  }
0x2a: {  	v8 =	vld [tilespmem:s20+$0xFFFFFFA0]  }
0x2b: {  	v9 =	vld [tilespmem:s20+$0xFFFFFFB0]  }
0x2c: {  	v10 =	vimm.f32 $+Inf;
	s19 =	simm.s32 $0x180;
	v11 =	vld [tilespmem:s20+$0xFFFFFFC0]  }
0x2d: {  	v4 =	vld [tilespmem:s19+$0xFFFFFFD0];
	v12 =	vmax.f32 v10, v6;
	v6 =	vmin.f32 v10, v6  }
0x2e: {  	v10 =	vmin.f32 v10, v12;
	v12 =	vmax.f32 v6, v7;
	v6 =	vmin.f32 v6, v7;
	v7 =	vld [tilespmem:s20+$0xFFFFFFE0]  }
0x2f: {  	v10 =	vmin.f32 v10, v12;
	v12 =	vmax.f32 v6, v8;
	v6 =	vmin.f32 v6, v8;
	v8 =	vld [tilespmem:s20+$0xFFFFFFF0]  }
0x30: {  	v10 =	vmin.f32 v10, v12;
	v12 =	vmax.f32 v6, v9;
	v6 =	vmin.f32 v6, v9;
	v9 =	vld [tilespmem:s20+$0x0]  }
0x31: {  	v10 =	vmin.f32 v10, v12;
	v12 =	vmax.f32 v6, v11;
	v6 =	vmin.f32 v6, v11;
	v11 =	vld [tilespmem:s20+$0x10]  }
0x32: {  	v10 =	vmin.f32 v10, v12;
	v12 =	vmax.f32 v6, v5;
	v5 =	vmin.f32 v6, v5;
	v6 =	vld [tilespmem:s20+$0x20]  }
0x33: {  	v10 =	vmin.f32 v10, v12;
	v12 =	vmax.f32 v5, v7;
	v5 =	vmin.f32 v5, v7;
	v7 =	vld [tilespmem:s20+$0x30]  }
0x34: {  	v10 =	vmin.f32 v10, v12;
	v12 =	vmax.f32 v5, v8;
	v5 =	vmin.f32 v5, v8;
	v8 =	vld [tilespmem:s20+$0x40]  }
0x35: {  	v13 =	vld [tilespmem:s20+$0x50];
	v10 =	vmin.f32 v10, v12;
	v12 =	vmax.f32 v5, v9;
	v5 =	vmin.f32 v5, v9  }
0x36: {  	v9 =	vmin.f32 v10, v12;
	v10 =	vmax.f32 v5, v11;
	v5 =	vmin.f32 v5, v11;
	v11 =	vld [tilespmem:s20+$0x60]  }
0x37: {  	v14 =	vld [tilespmem:s20+$0x70];
	v10 =	vmin.f32 v9, v10;
	v12 =	vmax.f32 v5, v6;
	v5 =	vmin.f32 v5, v6  }
0x38: {  	v9 =	vld [tilespmem:s19+$0xFFFFFF80];
	v6 =	vmin.f32 v10, v12;
	v10 =	vmax.f32 v5, v7;
	v7 =	vmin.f32 v5, v7  }
0x39: {  	v5 =	vld [tilespmem:s19+$0xFFFFFF90];
	v10 =	vmin.f32 v6, v10;
	v12 =	vmax.f32 v7, v8;
	v7 =	vmin.f32 v7, v8  }
0x3a: {  	v6 =	vld [tilespmem:s19+$0xFFFFFFA0];
	v8 =	vmin.f32 v10, v12;
	v10 =	vmax.f32 v7, v13;
	v12 =	vmin.f32 v7, v13  }
0x3b: {  	v7 =	vld [tilespmem:s19+$0xFFFFFFB0];
	v10 =	vmin.f32 v8, v10;
	v13 =	vmax.f32 v12, v11;
	v12 =	vmin.f32 v12, v11  }
0x3c: {  	s21 =	simm.s32 $0x280;
	s20 =	simm.s32 $0x10;
	v8 =	vld [tilespmem:s19+$0xFFFFFFC0];
	v10 =	vmin.f32 v10, v13;
	v11 =	vmax.f32 v12, v14;
	v12 =	vmin.f32 v12, v14  }
.LBB2_3:
0x3d: {  	v13 =	vld [tilespmem:s21+$0xFFFFFFD0];
	s20 =	sadd.s32 $0x10, s20;
	v14 =	vmax.f32 v12, v9;
	v9 =	vmin.f32 v12, v9;
	v10 =	vmin.f32 v10, v11  }
0x3e: {  	p0 =	slt.u32 s20, $0x3F0;
	v10 =	vmin.f32 v10, v14;
	v11 =	vmax.f32 v9, v5;
	v5 =	vmin.f32 v9, v5;
	v9 =	vld [tilespmem:s19+$0xFFFFFFE0]  }
0x3f: {  	v10 =	vmin.f32 v10, v11;
	v11 =	vmax.f32 v5, v6;
	v5 =	vmin.f32 v5, v6;
	v6 =	vld [tilespmem:s19+$0xFFFFFFF0]  }
0x40: {  	v10 =	vmin.f32 v10, v11;
	v11 =	vmax.f32 v5, v7;
	v5 =	vmin.f32 v5, v7;
	v7 =	vld [tilespmem:s19+$0x0]  }
0x41: {  	v10 =	vmin.f32 v10, v11;
	v11 =	vmax.f32 v5, v8;
	v5 =	vmin.f32 v5, v8;
	v8 =	vld [tilespmem:s19+$0x10]  }
0x42: {  	v10 =	vmin.f32 v10, v11;
	v11 =	vmax.f32 v5, v4;
	v5 =	vmin.f32 v5, v4;
	v12 =	vld [tilespmem:s19+$0x20];
	v4 =	vmovc v13  }
0x43: {  	v10 =	vmin.f32 v10, v11;
	v11 =	vmax.f32 v5, v9;
	v5 =	vmin.f32 v5, v9;
	v13 =	vld [tilespmem:s19+$0x30]  }
0x44: {  	v9 =	vmin.f32 v10, v11;
	v10 =	vmax.f32 v5, v6;
	v5 =	vmin.f32 v5, v6;
	v6 =	vld [tilespmem:s19+$0x40]  }
0x45: {  	v9 =	vmin.f32 v9, v10;
	v10 =	vmax.f32 v5, v7;
	v5 =	vmin.f32 v5, v7;
	v7 =	vld [tilespmem:s19+$0x50]  }
0x46: {  	v9 =	vmin.f32 v9, v10;
	v10 =	vmax.f32 v5, v8;
	v5 =	vmin.f32 v5, v8;
	v8 =	vld [tilespmem:s19+$0x60]  }
0x47: {  	v10 =	vmin.f32 v9, v10;
	v11 =	vmax.f32 v5, v12;
	v5 =	vmin.f32 v5, v12;
	v12 =	vld [tilespmem:s19+$0x70];
	s19 =	smov.u32 s21  }
.Ltmp4:
0x48: {  	v9 =	vld [tilespmem:s21+$0xFFFFFF80];
	v10 =	vmin.f32 v10, v11;
	v11 =	vmax.f32 v5, v13;
	v13 =	vmin.f32 v5, v13;
	(pc) =	sbr.rel @p0 .LBB2_3-.Ltmp4, $4  }
0x49: {  	v5 =	vld [tilespmem:s21+$0xFFFFFF90];
	v10 =	vmin.f32 v10, v11;
	v11 =	vmax.f32 v13, v6;
	v13 =	vmin.f32 v13, v6  }
0x4a: {  	v6 =	vld [tilespmem:s21+$0xFFFFFFA0];
	v10 =	vmin.f32 v10, v11;
	v11 =	vmax.f32 v13, v7;
	v13 =	vmin.f32 v13, v7  }
0x4b: {  	v7 =	vld [tilespmem:s21+$0xFFFFFFB0];
	v10 =	vmin.f32 v10, v11;
	v11 =	vmax.f32 v13, v8;
	v13 =	vmin.f32 v13, v8  }
0x4c: {  	s21 =	sadd.s32 $0x100, s21;
	v8 =	vld [tilespmem:s19+$0xFFFFFFC0];
	v10 =	vmin.f32 v10, v11;
	v11 =	vmax.f32 v13, v12;
	v12 =	vmin.f32 v13, v12  }
0x4d: {  	v13 =	vld [tilespmem:s19+$0xFFFFFFE0]  }
0x4e: {  	v14 =	vld [tilespmem:s19+$0xFFFFFFF0]  }
0x4f: {  	v15 =	vld [tilespmem:s19+$0x0]  }
0x50: {  	v16 =	vld [tilespmem:s19+$0x10]  }
0x51: {  	v17 =	vld [tilespmem:s19+$0x20]  }
0x52: {  	v18 =	vld [tilespmem:s19+$0x30]  }
0x53: {  	v19 =	vld [tilespmem:s19+$0x40]  }
0x54: {  	v20 =	vld [tilespmem:s19+$0x50]  }
0x55: {  	v21 =	vld [tilespmem:s19+$0x60]  }
0x56: {  	v22 =	vld [tilespmem:s19+$0x70];
	[tilespmem:$0x8000] =	vst v1  }
0x57: {  	[tilespmem:$0x8010] =	vst v1  }
0x58: {  	[tilespmem:$0x8020] =	vst v1  }
0x59: {  	[tilespmem:$0x8030] =	vst v1  }
0x5a: {  	[tilespmem:$0x8040] =	vst v1  }
0x5b: {  	[tilespmem:$0x8050] =	vst v1  }
0x5c: {  	[tilespmem:$0x8060] =	vst v1  }
0x5d: {  	[tilespmem:$0x8070] =	vst v1  }
0x5e: {  	[tilespmem:$0x8080] =	vst v1  }
0x5f: {  	[tilespmem:$0x8090] =	vst v1  }
0x60: {  	[tilespmem:$0x80A0] =	vst v1  }
0x61: {  	[tilespmem:$0x80B0] =	vst v1  }
0x62: {  	[tilespmem:$0x80C0] =	vst v1  }
0x63: {  	[tilespmem:$0x80D0] =	vst v1  }
0x64: {  	[tilespmem:$0x80E0] =	vst v1  }
0x65: {  	[tilespmem:$0x80F0] =	vst v1  }
0x66: {  	[tilespmem:$0x8100] =	vst v1  }
0x67: {  	[tilespmem:$0x8110] =	vst v1  }
0x68: {  	[tilespmem:$0x8120] =	vst v1  }
0x69: {  	[tilespmem:$0x8130] =	vst v1  }
0x6a: {  	[tilespmem:$0x8140] =	vst v1  }
0x6b: {  	[tilespmem:$0x8150] =	vst v1  }
0x6c: {  	[tilespmem:$0x8160] =	vst v1  }
0x6d: {  	[tilespmem:$0x8170] =	vst v1  }
0x6e: {  	[tilespmem:$0x8180] =	vst v1  }
0x6f: {  	[tilespmem:$0x8190] =	vst v1  }
0x70: {  	[tilespmem:$0x81A0] =	vst v1  }
0x71: {  	[tilespmem:$0x81B0] =	vst v1  }
0x72: {  	[tilespmem:$0x81C0] =	vst v1  }
0x73: {  	[tilespmem:$0x81D0] =	vst v1  }
0x74: {  	[tilespmem:$0x81E0] =	vst v1  }
0x75: {  	[tilespmem:$0x81F0] =	vst v1  }
0x76: {  	[tilespmem:$0x8200] =	vst v1  }
0x77: {  	[tilespmem:$0x8210] =	vst v1  }
0x78: {  	[tilespmem:$0x8220] =	vst v1  }
0x79: {  	[tilespmem:$0x8230] =	vst v1  }
0x7a: {  	[tilespmem:$0x8240] =	vst v1  }
0x7b: {  	[tilespmem:$0x8250] =	vst v1  }
0x7c: {  	[tilespmem:$0x8260] =	vst v1  }
0x7d: {  	v23 =	vmax.f32 v12, v9;
	v59 =	vmin.f32 v12, v9;
	v10 =	vmin.f32 v10, v11;
	[tilespmem:$0x8270] =	vst v1  }
0x7e: {  	[tilespmem:$0x8280] =	vst v1;
	v10 =	vmin.f32 v10, v23;
	v60 =	vmax.f32 v59, v5;
	v5 =	vmin.f32 v59, v5  }
0x7f: {  	[tilespmem:$0x8290] =	vst v1;
	v61 =	vmin.f32 v10, v60;
	v62 =	vmax.f32 v5, v6;
	v5 =	vmin.f32 v5, v6  }
0x80: {  	[tilespmem:$0x82A0] =	vst v1;
	v6 =	vmin.f32 v61, v62;
	v63 =	vmax.f32 v5, v7;
	v5 =	vmin.f32 v5, v7  }
0x81: {  	[tilespmem:$0x82B0] =	vst v1;
	v6 =	vmin.f32 v6, v63;
	v7 =	vmax.f32 v5, v8;
	v5 =	vmin.f32 v5, v8  }
0x82: {  	[tilespmem:$0x82C0] =	vst v1;
	v6 =	vmin.f32 v6, v7;
	v7 =	vmax.f32 v5, v4;
	v4 =	vmin.f32 v5, v4  }
0x83: {  	[tilespmem:$0x82D0] =	vst v1;
	v5 =	vmin.f32 v6, v7;
	v6 =	vmax.f32 v4, v13;
	v4 =	vmin.f32 v4, v13  }
0x84: {  	[tilespmem:$0x82E0] =	vst v1;
	v5 =	vmin.f32 v5, v6;
	v6 =	vmax.f32 v4, v14;
	v4 =	vmin.f32 v4, v14  }
0x85: {  	[tilespmem:$0x82F0] =	vst v1;
	v5 =	vmin.f32 v5, v6;
	v6 =	vmax.f32 v4, v15;
	v4 =	vmin.f32 v4, v15  }
0x86: {  	[tilespmem:$0x8300] =	vst v1;
	v5 =	vmin.f32 v5, v6;
	v6 =	vmax.f32 v4, v16;
	v4 =	vmin.f32 v4, v16  }
0x87: {  	[tilespmem:$0x8310] =	vst v1;
	v5 =	vmin.f32 v5, v6;
	v6 =	vmax.f32 v4, v17;
	v4 =	vmin.f32 v4, v17  }
0x88: {  	[tilespmem:$0x8320] =	vst v1;
	v5 =	vmin.f32 v5, v6;
	v6 =	vmax.f32 v4, v18;
	v4 =	vmin.f32 v4, v18  }
0x89: {  	[tilespmem:$0x8330] =	vst v1;
	v5 =	vmin.f32 v5, v6;
	v6 =	vmax.f32 v4, v19;
	v4 =	vmin.f32 v4, v19  }
0x8a: {  	[tilespmem:$0x8340] =	vst v1;
	v5 =	vmin.f32 v5, v6;
	v6 =	vmax.f32 v4, v20;
	v4 =	vmin.f32 v4, v20  }
0x8b: {  	[tilespmem:$0x8350] =	vst v1;
	v5 =	vmin.f32 v5, v6;
	v6 =	vmax.f32 v4, v21;
	v4 =	vmin.f32 v4, v21  }
0x8c: {  	[tilespmem:$0x8360] =	vst v1;
	v5 =	vmin.f32 v5, v6;
	v4 =	vmax.f32 v4, v22  }
0x8d: {  	[tilespmem:$0x8370] =	vst v1;
	v4 =	vmin.f32 v5, v4  }
0x8e: {  	[tilespmem:$0x8380] =	vst v1;
	(xrf0) =	vmax.scan.msk.f32 $0xffff, v4  }
0x8f: {  	[tilespmem:$0x8390] =	vst v1  }
0x90: {  	[tilespmem:$0x83A0] =	vst v1  }
0x91: {  	[tilespmem:$0x83B0] =	vst v1  }
0x92: {  	[tilespmem:$0x83C0] =	vst v1  }
0x93: {  	[tilespmem:$0x83D0] =	vst v1  }
0x94: {  	[tilespmem:$0x83E0] =	vst v1;
	v4, _, _ =	vpop (xrf0)  }
0x95: {  	[tilespmem:$0x83F0] =	vst v1;
	s19 =	simm.s32 $0xFFFFFFF0;
	s20 =	simm.s32 $0x80;
	v6 =	vlaneseq.u32;
	v5 =	vlaneseq.u32;
	v4 =	vbroadcast v4, $0xF  }
.LBB2_5:
0x96: {  	v7 =	vld [tilespmem:s20+$0xFFFFFF80];
	_ =	sdelay $0x4  }
0x97: {  	vm1 =	vlt.s32 v6, $0x400;
	vm0 =	vle.f32 v7, v4  }
0x98: {  	vm1 =	vmand vm1, vm0;
	_ =	sdelay $0x5  }
0x99: {  	[tilespmem:v6+s12+$0x0] =	vst.idx.msk vm1, v7  }
0x9a: {  	[tilespmem:v6+s13+$0x0] =	vst.idx.msk vm1, v5  }
0x9b: {  	v7 =	vld [tilespmem:s20+$0xFFFFFF90];
	_ =	sdelay $0x2  }
0x9c: {  	v8 =	vsel vm0, $0x10, v2  }
0x9d: {  	v6 =	vadd.s32 v6, v8  }
0x9e: {  	vm11 =	vlt.s32 v6, $0x400;
	vm10 =	vle.f32 v7, v4  }
0x9f: {  	vm1 =	vmand vm10, vm11;
	_ =	sdelay $0x5  }
0xa0: {  	v8 =	vadd.s32 $0x10, v5;
	[tilespmem:v6+s12+$0x0] =	vst.idx.msk vm1, v7  }
0xa1: {  	[tilespmem:v6+s13+$0x0] =	vst.idx.msk vm1, v8  }
0xa2: {  	v7 =	vld [tilespmem:s20+$0xFFFFFFA0];
	_ =	sdelay $0x2  }
0xa3: {  	v8 =	vsel vm10, $0x10, v2  }
0xa4: {  	v6 =	vadd.s32 v6, v8  }
0xa5: {  	vm13 =	vlt.s32 v6, $0x400;
	vm12 =	vle.f32 v7, v4  }
0xa6: {  	vm1 =	vmand vm12, vm13;
	_ =	sdelay $0x5  }
0xa7: {  	v8 =	vadd.s32 $0x20, v5;
	[tilespmem:v6+s12+$0x0] =	vst.idx.msk vm1, v7  }
0xa8: {  	[tilespmem:v6+s13+$0x0] =	vst.idx.msk vm1, v8  }
0xa9: {  	v7 =	vld [tilespmem:s20+$0xFFFFFFB0];
	_ =	sdelay $0x2  }
0xaa: {  	v8 =	vsel vm12, $0x10, v2  }
0xab: {  	v6 =	vadd.s32 v6, v8  }
0xac: {  	vm15 =	vlt.s32 v6, $0x400;
	vm14 =	vle.f32 v7, v4  }
0xad: {  	vm1 =	vmand vm14, vm15;
	_ =	sdelay $0x5  }
0xae: {  	v8 =	vadd.s32 $0x30, v5;
	[tilespmem:v6+s12+$0x0] =	vst.idx.msk vm1, v7  }
0xaf: {  	[tilespmem:v6+s13+$0x0] =	vst.idx.msk vm1, v8  }
0xb0: {  	v7 =	vld [tilespmem:s20+$0xFFFFFFC0];
	_ =	sdelay $0x2  }
0xb1: {  	v8 =	vsel vm14, $0x10, v2  }
0xb2: {  	v6 =	vadd.s32 v6, v8  }
0xb3: {  	vm5 =	vlt.s32 v6, $0x400;
	vm4 =	vle.f32 v7, v4  }
0xb4: {  	vm1 =	vmand vm4, vm5;
	_ =	sdelay $0x5  }
0xb5: {  	v8 =	vadd.s32 $0x40, v5;
	[tilespmem:v6+s12+$0x0] =	vst.idx.msk vm1, v7  }
0xb6: {  	[tilespmem:v6+s13+$0x0] =	vst.idx.msk vm1, v8  }
0xb7: {  	v7 =	vld [tilespmem:s20+$0xFFFFFFD0];
	_ =	sdelay $0x2  }
0xb8: {  	v8 =	vsel vm4, $0x10, v2  }
0xb9: {  	v6 =	vadd.s32 v6, v8  }
0xba: {  	vm7 =	vlt.s32 v6, $0x400;
	vm6 =	vle.f32 v7, v4  }
0xbb: {  	vm1 =	vmand vm6, vm7;
	_ =	sdelay $0x5  }
0xbc: {  	v8 =	vadd.s32 $0x50, v5;
	[tilespmem:v6+s12+$0x0] =	vst.idx.msk vm1, v7  }
0xbd: {  	[tilespmem:v6+s13+$0x0] =	vst.idx.msk vm1, v8  }
0xbe: {  	v7 =	vld [tilespmem:s20+$0xFFFFFFE0];
	_ =	sdelay $0x2  }
0xbf: {  	v8 =	vsel vm6, $0x10, v2  }
0xc0: {  	v6 =	vadd.s32 v6, v8  }
0xc1: {  	vm9 =	vlt.s32 v6, $0x400;
	vm8 =	vle.f32 v7, v4  }
0xc2: {  	vm1 =	vmand vm8, vm9;
	_ =	sdelay $0x5  }
0xc3: {  	v8 =	vadd.s32 $0x60, v5;
	[tilespmem:v6+s12+$0x0] =	vst.idx.msk vm1, v7  }
0xc4: {  	[tilespmem:v6+s13+$0x0] =	vst.idx.msk vm1, v8  }
0xc5: {  	v7 =	vld [tilespmem:s20+$0xFFFFFFF0];
	_ =	sdelay $0x2  }
0xc6: {  	v8 =	vsel vm8, $0x10, v2  }
0xc7: {  	v6 =	vadd.s32 v6, v8  }
0xc8: {  	vm11 =	vlt.s32 v6, $0x400;
	vm10 =	vle.f32 v7, v4  }
0xc9: {  	vm1 =	vmand vm10, vm11;
	_ =	sdelay $0x5  }
0xca: {  	v8 =	vadd.s32 $0x70, v5;
	[tilespmem:v6+s12+$0x0] =	vst.idx.msk vm1, v7  }
0xcb: {  	[tilespmem:v6+s13+$0x0] =	vst.idx.msk vm1, v8  }
0xcc: {  	v7 =	vld [tilespmem:s20+$0x0];
	_ =	sdelay $0x2  }
0xcd: {  	v8 =	vsel vm10, $0x10, v2  }
0xce: {  	v6 =	vadd.s32 v6, v8  }
0xcf: {  	vm13 =	vlt.s32 v6, $0x400;
	vm12 =	vle.f32 v7, v4  }
0xd0: {  	vm1 =	vmand vm12, vm13;
	_ =	sdelay $0x5  }
0xd1: {  	v8 =	vadd.s32 $0x80, v5;
	[tilespmem:v6+s12+$0x0] =	vst.idx.msk vm1, v7  }
0xd2: {  	[tilespmem:v6+s13+$0x0] =	vst.idx.msk vm1, v8  }
0xd3: {  	v7 =	vld [tilespmem:s20+$0x10];
	_ =	sdelay $0x2  }
0xd4: {  	v8 =	vsel vm12, $0x10, v2  }
0xd5: {  	v6 =	vadd.s32 v6, v8  }
0xd6: {  	vm15 =	vlt.s32 v6, $0x400;
	vm14 =	vle.f32 v7, v4  }
0xd7: {  	vm1 =	vmand vm14, vm15;
	_ =	sdelay $0x5  }
0xd8: {  	v8 =	vadd.s32 $0x90, v5;
	[tilespmem:v6+s12+$0x0] =	vst.idx.msk vm1, v7  }
0xd9: {  	[tilespmem:v6+s13+$0x0] =	vst.idx.msk vm1, v8  }
0xda: {  	v7 =	vld [tilespmem:s20+$0x20];
	_ =	sdelay $0x2  }
0xdb: {  	v8 =	vsel vm14, $0x10, v2  }
0xdc: {  	v6 =	vadd.s32 v6, v8  }
0xdd: {  	vm5 =	vlt.s32 v6, $0x400;
	vm4 =	vle.f32 v7, v4  }
0xde: {  	vm1 =	vmand vm4, vm5;
	_ =	sdelay $0x5  }
0xdf: {  	v8 =	vadd.s32 $0xA0, v5;
	[tilespmem:v6+s12+$0x0] =	vst.idx.msk vm1, v7  }
0xe0: {  	[tilespmem:v6+s13+$0x0] =	vst.idx.msk vm1, v8  }
0xe1: {  	v7 =	vld [tilespmem:s20+$0x30];
	_ =	sdelay $0x2  }
0xe2: {  	v8 =	vsel vm4, $0x10, v2  }
0xe3: {  	v6 =	vadd.s32 v6, v8  }
0xe4: {  	vm7 =	vlt.s32 v6, $0x400;
	vm6 =	vle.f32 v7, v4  }
0xe5: {  	vm1 =	vmand vm6, vm7;
	_ =	sdelay $0x5  }
0xe6: {  	v8 =	vadd.s32 $0xB0, v5;
	[tilespmem:v6+s12+$0x0] =	vst.idx.msk vm1, v7  }
0xe7: {  	[tilespmem:v6+s13+$0x0] =	vst.idx.msk vm1, v8  }
0xe8: {  	v7 =	vld [tilespmem:s20+$0x40];
	_ =	sdelay $0x2  }
0xe9: {  	v8 =	vsel vm6, $0x10, v2  }
0xea: {  	v6 =	vadd.s32 v6, v8  }
0xeb: {  	vm9 =	vlt.s32 v6, $0x400;
	vm8 =	vle.f32 v7, v4  }
0xec: {  	vm1 =	vmand vm8, vm9;
	_ =	sdelay $0x5  }
0xed: {  	v8 =	vadd.s32 $0xC0, v5;
	[tilespmem:v6+s12+$0x0] =	vst.idx.msk vm1, v7  }
0xee: {  	[tilespmem:v6+s13+$0x0] =	vst.idx.msk vm1, v8  }
0xef: {  	v7 =	vld [tilespmem:s20+$0x50];
	_ =	sdelay $0x2  }
0xf0: {  	v8 =	vsel vm8, $0x10, v2  }
0xf1: {  	v6 =	vadd.s32 v6, v8  }
0xf2: {  	vm11 =	vlt.s32 v6, $0x400;
	vm10 =	vle.f32 v7, v4  }
0xf3: {  	vm1 =	vmand vm10, vm11;
	_ =	sdelay $0x5  }
0xf4: {  	v8 =	vadd.s32 $0xD0, v5;
	[tilespmem:v6+s12+$0x0] =	vst.idx.msk vm1, v7  }
0xf5: {  	[tilespmem:v6+s13+$0x0] =	vst.idx.msk vm1, v8  }
0xf6: {  	v7 =	vld [tilespmem:s20+$0x60];
	_ =	sdelay $0x2  }
0xf7: {  	v8 =	vsel vm10, $0x10, v2  }
0xf8: {  	v6 =	vadd.s32 v6, v8  }
0xf9: {  	vm13 =	vlt.s32 v6, $0x400;
	vm12 =	vle.f32 v7, v4  }
0xfa: {  	vm1 =	vmand vm12, vm13;
	_ =	sdelay $0x5  }
0xfb: {  	v8 =	vadd.s32 $0xE0, v5;
	[tilespmem:v6+s12+$0x0] =	vst.idx.msk vm1, v7  }
0xfc: {  	[tilespmem:v6+s13+$0x0] =	vst.idx.msk vm1, v8  }
0xfd: {  	v7 =	vld [tilespmem:s20+$0x70];
	_ =	sdelay $0x2  }
0xfe: {  	v8 =	vsel vm12, $0x10, v2  }
0xff: {  	v6 =	vadd.s32 v6, v8  }
0x100: {  	vm15 =	vlt.s32 v6, $0x400;
	vm14 =	vle.f32 v7, v4  }
0x101: {  	vm1 =	vmand vm14, vm15  }
0x102: {  	s19 =	sadd.s32 $0x10, s19  }
0x103: {  	p0 =	slt.u32 s19, $0x3F0  }
.Ltmp5:
0x104: {  	_ = 	snop;
	(pc) =	sbr.rel @p0 .LBB2_5-.Ltmp5, $3  }
0x105: {  	_ =	sdelay $0x1  }
0x106: {  	v8 =	vadd.s32 $0xF0, v5;
	[tilespmem:v6+s12+$0x0] =	vst.idx.msk vm1, v7;
	v7 =	vsel vm14, $0x10, v2  }
0x107: {  	v5 =	vadd.s32 $0x100, v5;
	s20 =	sadd.s32 $0x100, s20;
	[tilespmem:v6+s13+$0x0] =	vst.idx.msk vm1, v8;
	v6 =	vadd.s32 v6, v7  }
0x108: {  	v4 =	vadd.s32 v3, v6  }
0x109: {  	v4 =	vshra.s32 v4, $0x4  }
0x10a: {  	v4 =	vxor.u32 $0x80000000, v4  }
0x10b: {  	(xrf0) =	vmax.scan.msk.u32 $0xffff, v4;
	_ =	sdelay $0x5  }
0x10c: {  	v4, _, _ =	vpop (xrf0)  }
0x10d: {  	(v2sf) =	vpush v4, $0xF;
	_ =	sdelay $0xe  }
0x10e: {  	s19 =	spop (v2sf)  }
0x10f: {  	s21 =	sxor.u32 $0x80000000, s19  }
0x110: {  	p0 =	sgt.s32 s21, $0x10  }
.Ltmp6:
0x111: {  	_ = 	snop;
	(pc) =	sbr.rel @p0 .LBB2_11-.Ltmp6, $3  }
0x112: {  	_ =	sdelay $0x1  }
0x113: {  	s20 =	sshll.u32 s18, $0x6  }
0x114: {  	v4 =	vmov s20;
	s19 =	simm.s32 $0x0  }
0x115: {  	s21 =	simm.s32 $0x0  }
.LBB2_8:
0x116: {  	s23 =	simm.s32 $0x8020  }
0x117: {  	s22 =	simm.s32 $0x8420;
	v6 =	vld [tilespmem:s23+$0xFFFFFFE0]  }
0x118: {  	v7 =	vld [tilespmem:s22+$0xFFFFFFE0];
	_ =	sdelay $0x2  }
0x119: {  	v8 =	vld [tilespmem:s23+$0xFFFFFFF0]  }
0x11a: {  	v9 =	vimm.f32 $+Inf;
	v10 =	vimm.s32 $0x40000000;
	v11 =	vld [tilespmem:s22+$0xFFFFFFF0]  }
0x11b: {  	vm0 =	veq.f32 v6, v9;
	vm1 =	vlt.s32 v7, v10  }
0x11c: {  	vm2 =	vlt.f32 v6, v9;
	vm0 =	vmand vm0, vm1  }
0x11d: {  	vm0 =	vmor vm2, vm0  }
0x11e: {  	v5 =	vld [tilespmem:s23+$0x0];
	v9 =	vsel vm0, v6, v9;
	v7 =	vsel vm0, v7, v10  }
0x11f: {  	v6 =	vld [tilespmem:s22+$0x0];
	vm1 =	veq.f32 v8, v9;
	vm2 =	vlt.s32 v11, v7  }
0x120: {  	v12 =	vor.u32 s19, v0;
	vm1 =	vmand vm1, vm2;
	vm2 =	vlt.f32 v8, v9  }
0x121: {  	s25 =	simm.s32 $0x10;
	v12 =	vsel vm0, v12, v10;
	vm1 =	vmor vm2, vm1  }
0x122: {  	v10 =	vsel vm1, v8, v9;
	v11 =	vsel vm1, v11, v7;
	v8 =	vor.u32 s25, v0;
	v7 =	vld [tilespmem:s23+$0x10]  }
0x123: {  	v9 =	vsel vm1, v8, v12;
	v8 =	vld [tilespmem:s22+$0x10]  }
0x124: {  	s24 =	simm.s32 $0x0;
	vm2 =	veq.f32 v5, v10;
	vm3 =	vlt.s32 v6, v11  }
0x125: {  	s26 =	simm.s32 $0x20;
	s25 =	simm.s32 $0x8060;
	s23 =	simm.s32 $0x0;
	vm0 =	vlt.f32 v5, v10;
	vm1 =	vmand vm2, vm3  }
.LBB2_9:
0x126: {  	v12 =	vld [tilespmem:s25+$0xFFFFFFE0];
	v13 =	vor.u32 s26, v0;
	vm0 =	vmor vm0, vm1;
	s22 =	sadd.s32 $0x40, s22  }
0x127: {  	s24 =	sadd.s32 $0x4, s24;
	v14 =	vld [tilespmem:s22+$0xFFFFFFE0];
	v5 =	vsel vm0, v5, v10;
	v6 =	vsel vm0, v6, v11;
	v9 =	vsel vm0, v13, v9  }
0x128: {  	p0 =	slt.u32 s24, $0xC;
	vm0 =	veq.f32 v7, v5;
	vm1 =	vlt.s32 v8, v6  }
0x129: {  	s26 =	sadd.s32 $0x30, s23;
	vm2 =	vlt.f32 v7, v5;
	vm0 =	vmand vm0, vm1  }
0x12a: {  	v11 =	vor.u32 s26, v0;
	v10 =	vld [tilespmem:s25+$0xFFFFFFF0];
	vm0 =	vmor vm2, vm0  }
0x12b: {  	v13 =	vld [tilespmem:s22+$0xFFFFFFF0];
	v7 =	vsel vm0, v7, v5;
	v6 =	vsel vm0, v8, v6;
	v8 =	vsel vm0, v11, v9  }
0x12c: {  	vm0 =	veq.f32 v12, v7;
	vm1 =	vlt.s32 v14, v6  }
0x12d: {  	s23 =	sadd.s32 $0x40, s23;
	vm2 =	vlt.f32 v12, v7;
	vm0 =	vmand vm0, vm1  }
0x12e: {  	v9 =	vor.u32 s23, v0;
	vm0 =	vmor vm2, vm0;
	v5 =	vld [tilespmem:s25+$0x0]  }
0x12f: {  	v11 =	vsel vm0, v12, v7;
	v12 =	vsel vm0, v14, v6;
	v8 =	vsel vm0, v9, v8;
	v6 =	vld [tilespmem:s22+$0x0]  }
0x130: {  	vm0 =	veq.f32 v10, v11;
	vm1 =	vlt.s32 v13, v12  }
.Ltmp7:
0x131: {  	s26 =	sadd.s32 $0x10, s23;
	vm2 =	vlt.f32 v10, v11;
	vm0 =	vmand vm0, vm1;
	(pc) =	sbr.rel @p0 .LBB2_9-.Ltmp7, $4  }
0x132: {  	v9 =	vor.u32 s26, v0;
	vm0 =	vmor vm2, vm0;
	v7 =	vld [tilespmem:s25+$0x10]  }
0x133: {  	v10 =	vsel vm0, v10, v11;
	v11 =	vsel vm0, v13, v12;
	v9 =	vsel vm0, v9, v8;
	v8 =	vld [tilespmem:s22+$0x10]  }
0x134: {  	vm1 =	veq.f32 v5, v10;
	vm2 =	vlt.s32 v6, v11  }
0x135: {  	s26 =	sadd.s32 $0x20, s23;
	s25 =	sadd.s32 $0x40, s25;
	vm0 =	vlt.f32 v5, v10;
	vm1 =	vmand vm1, vm2  }
0x136: {  	vm0 =	vmor vm0, vm1  }
0x137: {  	v5 =	vsel vm0, v5, v10;
	v6 =	vsel vm0, v6, v11  }
0x138: {  	vm12 =	veq.f32 v7, v5;
	vm2 =	vlt.s32 v8, v6  }
0x139: {  	vm13 =	vlt.f32 v7, v5;
	vm1 =	vmand vm12, vm2  }
0x13a: {  	vm1 =	vmor vm13, vm1  }
0x13b: {  	v5 =	vsel vm1, v7, v5  }
0x13c: {  	(xrf0) =	vmin.scan.msk.f32 $0xffff, v5;
	_ =	sdelay $0x5  }
0x13d: {  	v7, _, _ =	vpop (xrf0)  }
0x13e: {  	v7 =	vbroadcast v7, $0xF  }
0x13f: {  	v6 =	vsel vm1, v8, v6  }
0x140: {  	vm14 =	veq.f32 v5, v7;
	v5 =	vxor.u32 $0x80000000, v6  }
0x141: {  	v5 =	vnsel vm14, $0xC0000000, v5  }
0x142: {  	(xrf0) =	vmin.scan.msk.u32 $0xffff, v5;
	_ =	sdelay $0x5  }
0x143: {  	v5, _, _ =	vpop (xrf0)  }
0x144: {  	(v2sf) =	vpush v5, $0xF;
	_ =	sdelay $0xe  }
0x145: {  	s22 =	sadd.s32 $0x30, s23;
	v5 =	vor.u32 s26, v0;
	s29 =	spop (v2sf)  }
0x146: {  	v7 =	vor.u32 s22, v0;
	v5 =	vsel vm0, v5, v9;
	s30 =	sxor.u32 $0x80000000, s29  }
0x147: {  	v5 =	vsel vm1, v7, v5;
	vm15 =	veq.s32 v6, s30  }
0x148: {  	v5 =	vxor.u32 $0x80000000, v5;
	vm0 =	vmand vm14, vm15  }
0x149: {  	v5 =	vnsel vm0, $0xC0000000, v5  }
0x14a: {  	(xrf0) =	vmin.scan.msk.u32 $0xffff, v5;
	_ =	sdelay $0x5  }
0x14b: {  	v5, _, _ =	vpop (xrf0)  }
0x14c: {  	(v2sf) =	vpush v5, $0xF;
	_ =	sdelay $0xe  }
0x14d: {  	s31 =	spop (v2sf)  }
0x14e: {  	s23 =	sxor.u32 $0x80000000, s31  }
0x14f: {  	s21 =	sadd.s32 $0x1, s21;
	v5 =	vmov s23  }
0x150: {  	p0 =	seq.s32 s21, $0x20  }
.Ltmp8:
0x151: {  	_ = 	snop;
	(pc) =	sbr.rel @!p0 .LBB2_8-.Ltmp8, $3  }
0x152: {  	_ =	sdelay $0x1  }
0x153: {  	v6 =	vmov s30;
	[tilespmem:v5+s12+$0x0] =	vst.idx.msk $0x1, v1  }
0x154: {  	[tilespmem:v4+s14+$0x0] =	vst.idx.msk $0x1, v6;
	v4 =	vadd.s32 $0x1, v4  }
.LBB2_19:
0x155: {  	s19 =	sshll.u32 s18, $0x1  }
0x156: {  	s21 =	sadd.s32 s19, s6  }
0x157: {  	s21 =	smin.u32 s21, $0x7FF  }
0x158: {  	s21 =	sshll.u32 s21, $0xB  }
0x159: {  	s21 =	sadd.s32 s3, s21  }
0x15a: {  	[tilespmem:s2], [sflag:$0x1] =	stream.linear.gather [hbm4b:s21+s2], $0x4000, $0x38;
	[tilespmem:$0x9000] =	vst v63  }
0x15b: {  	_ =	swait.ge [sflag:s15], $0x4000  }
0x15c: {  	[sflag:s15] =	ssyncset.done $0x0  }
0x15d: {  	s22 =	simm.s32 $0x4080;
	[sflag:s15] =	ssyncadd.s32 $0xFFFFC000  }
0x15e: {  	v5 =	vld [tilespmem:s22+$0xFFFFFFD0]  }
0x15f: {  	v6 =	vld [tilespmem:s22+$0xFFFFFF80]  }
0x160: {  	v7 =	vld [tilespmem:s22+$0xFFFFFF90]  }
0x161: {  	v8 =	vld [tilespmem:s22+$0xFFFFFFA0]  }
0x162: {  	v9 =	vld [tilespmem:s22+$0xFFFFFFB0]  }
0x163: {  	v10 =	vimm.f32 $+Inf;
	s21 =	simm.s32 $0x4180;
	v11 =	vld [tilespmem:s22+$0xFFFFFFC0]  }
0x164: {  	v4 =	vld [tilespmem:s21+$0xFFFFFFD0];
	v12 =	vmax.f32 v10, v6;
	v6 =	vmin.f32 v10, v6  }
0x165: {  	v10 =	vmin.f32 v10, v12;
	v12 =	vmax.f32 v6, v7;
	v6 =	vmin.f32 v6, v7;
	v7 =	vld [tilespmem:s22+$0xFFFFFFE0]  }
0x166: {  	v10 =	vmin.f32 v10, v12;
	v12 =	vmax.f32 v6, v8;
	v6 =	vmin.f32 v6, v8;
	v8 =	vld [tilespmem:s22+$0xFFFFFFF0]  }
0x167: {  	v10 =	vmin.f32 v10, v12;
	v12 =	vmax.f32 v6, v9;
	v6 =	vmin.f32 v6, v9;
	v9 =	vld [tilespmem:s22+$0x0]  }
0x168: {  	v10 =	vmin.f32 v10, v12;
	v12 =	vmax.f32 v6, v11;
	v6 =	vmin.f32 v6, v11;
	v11 =	vld [tilespmem:s22+$0x10]  }
0x169: {  	v10 =	vmin.f32 v10, v12;
	v12 =	vmax.f32 v6, v5;
	v5 =	vmin.f32 v6, v5;
	v6 =	vld [tilespmem:s22+$0x20]  }
0x16a: {  	v10 =	vmin.f32 v10, v12;
	v12 =	vmax.f32 v5, v7;
	v5 =	vmin.f32 v5, v7;
	v7 =	vld [tilespmem:s22+$0x30]  }
0x16b: {  	v10 =	vmin.f32 v10, v12;
	v12 =	vmax.f32 v5, v8;
	v5 =	vmin.f32 v5, v8;
	v8 =	vld [tilespmem:s22+$0x40]  }
0x16c: {  	v13 =	vld [tilespmem:s22+$0x50];
	v10 =	vmin.f32 v10, v12;
	v12 =	vmax.f32 v5, v9;
	v5 =	vmin.f32 v5, v9  }
0x16d: {  	v9 =	vmin.f32 v10, v12;
	v10 =	vmax.f32 v5, v11;
	v5 =	vmin.f32 v5, v11;
	v11 =	vld [tilespmem:s22+$0x60]  }
0x16e: {  	v14 =	vld [tilespmem:s22+$0x70];
	v10 =	vmin.f32 v9, v10;
	v12 =	vmax.f32 v5, v6;
	v5 =	vmin.f32 v5, v6  }
0x16f: {  	v9 =	vld [tilespmem:s21+$0xFFFFFF80];
	v6 =	vmin.f32 v10, v12;
	v10 =	vmax.f32 v5, v7;
	v7 =	vmin.f32 v5, v7  }
0x170: {  	v5 =	vld [tilespmem:s21+$0xFFFFFF90];
	v10 =	vmin.f32 v6, v10;
	v12 =	vmax.f32 v7, v8;
	v7 =	vmin.f32 v7, v8  }
0x171: {  	v6 =	vld [tilespmem:s21+$0xFFFFFFA0];
	v8 =	vmin.f32 v10, v12;
	v10 =	vmax.f32 v7, v13;
	v12 =	vmin.f32 v7, v13  }
0x172: {  	v7 =	vld [tilespmem:s21+$0xFFFFFFB0];
	v10 =	vmin.f32 v8, v10;
	v13 =	vmax.f32 v12, v11;
	v12 =	vmin.f32 v12, v11  }
0x173: {  	s23 =	simm.s32 $0x4280;
	s22 =	simm.s32 $0x10;
	v8 =	vld [tilespmem:s21+$0xFFFFFFC0];
	v10 =	vmin.f32 v10, v13;
	v11 =	vmax.f32 v12, v14;
	v12 =	vmin.f32 v12, v14  }
.LBB2_20:
0x174: {  	v13 =	vld [tilespmem:s23+$0xFFFFFFD0];
	s22 =	sadd.s32 $0x10, s22;
	v14 =	vmax.f32 v12, v9;
	v9 =	vmin.f32 v12, v9;
	v10 =	vmin.f32 v10, v11  }
0x175: {  	p0 =	slt.u32 s22, $0x3F0;
	v10 =	vmin.f32 v10, v14;
	v11 =	vmax.f32 v9, v5;
	v5 =	vmin.f32 v9, v5;
	v9 =	vld [tilespmem:s21+$0xFFFFFFE0]  }
0x176: {  	v10 =	vmin.f32 v10, v11;
	v11 =	vmax.f32 v5, v6;
	v5 =	vmin.f32 v5, v6;
	v6 =	vld [tilespmem:s21+$0xFFFFFFF0]  }
0x177: {  	v10 =	vmin.f32 v10, v11;
	v11 =	vmax.f32 v5, v7;
	v5 =	vmin.f32 v5, v7;
	v7 =	vld [tilespmem:s21+$0x0]  }
0x178: {  	v10 =	vmin.f32 v10, v11;
	v11 =	vmax.f32 v5, v8;
	v5 =	vmin.f32 v5, v8;
	v8 =	vld [tilespmem:s21+$0x10]  }
0x179: {  	v10 =	vmin.f32 v10, v11;
	v11 =	vmax.f32 v5, v4;
	v5 =	vmin.f32 v5, v4;
	v12 =	vld [tilespmem:s21+$0x20];
	v4 =	vmovc v13  }
0x17a: {  	v10 =	vmin.f32 v10, v11;
	v11 =	vmax.f32 v5, v9;
	v5 =	vmin.f32 v5, v9;
	v13 =	vld [tilespmem:s21+$0x30]  }
0x17b: {  	v9 =	vmin.f32 v10, v11;
	v10 =	vmax.f32 v5, v6;
	v5 =	vmin.f32 v5, v6;
	v6 =	vld [tilespmem:s21+$0x40]  }
0x17c: {  	v9 =	vmin.f32 v9, v10;
	v10 =	vmax.f32 v5, v7;
	v5 =	vmin.f32 v5, v7;
	v7 =	vld [tilespmem:s21+$0x50]  }
0x17d: {  	v9 =	vmin.f32 v9, v10;
	v10 =	vmax.f32 v5, v8;
	v5 =	vmin.f32 v5, v8;
	v8 =	vld [tilespmem:s21+$0x60]  }
0x17e: {  	v10 =	vmin.f32 v9, v10;
	v11 =	vmax.f32 v5, v12;
	v5 =	vmin.f32 v5, v12;
	v12 =	vld [tilespmem:s21+$0x70];
	s21 =	smov.u32 s23  }
.Ltmp9:
0x17f: {  	v9 =	vld [tilespmem:s23+$0xFFFFFF80];
	v10 =	vmin.f32 v10, v11;
	v11 =	vmax.f32 v5, v13;
	v13 =	vmin.f32 v5, v13;
	(pc) =	sbr.rel @p0 .LBB2_20-.Ltmp9, $4  }
0x180: {  	v5 =	vld [tilespmem:s23+$0xFFFFFF90];
	v10 =	vmin.f32 v10, v11;
	v11 =	vmax.f32 v13, v6;
	v13 =	vmin.f32 v13, v6  }
0x181: {  	v6 =	vld [tilespmem:s23+$0xFFFFFFA0];
	v10 =	vmin.f32 v10, v11;
	v11 =	vmax.f32 v13, v7;
	v13 =	vmin.f32 v13, v7  }
0x182: {  	v7 =	vld [tilespmem:s23+$0xFFFFFFB0];
	v10 =	vmin.f32 v10, v11;
	v11 =	vmax.f32 v13, v8;
	v13 =	vmin.f32 v13, v8  }
0x183: {  	s23 =	sadd.s32 $0x100, s23;
	v8 =	vld [tilespmem:s21+$0xFFFFFFC0];
	v10 =	vmin.f32 v10, v11;
	v11 =	vmax.f32 v13, v12;
	v12 =	vmin.f32 v13, v12  }
0x184: {  	v13 =	vld [tilespmem:s21+$0xFFFFFFE0]  }
0x185: {  	v14 =	vld [tilespmem:s21+$0xFFFFFFF0]  }
0x186: {  	v15 =	vld [tilespmem:s21+$0x0]  }
0x187: {  	v16 =	vld [tilespmem:s21+$0x10]  }
0x188: {  	v17 =	vld [tilespmem:s21+$0x20]  }
0x189: {  	v18 =	vld [tilespmem:s21+$0x30]  }
0x18a: {  	v19 =	vld [tilespmem:s21+$0x40]  }
0x18b: {  	v20 =	vld [tilespmem:s21+$0x50]  }
0x18c: {  	v21 =	vld [tilespmem:s21+$0x60]  }
0x18d: {  	v22 =	vld [tilespmem:s21+$0x70];
	[tilespmem:$0x8000] =	vst v1  }
0x18e: {  	[tilespmem:$0x8010] =	vst v1  }
0x18f: {  	[tilespmem:$0x8020] =	vst v1  }
0x190: {  	[tilespmem:$0x8030] =	vst v1  }
0x191: {  	[tilespmem:$0x8040] =	vst v1  }
0x192: {  	[tilespmem:$0x8050] =	vst v1  }
0x193: {  	[tilespmem:$0x8060] =	vst v1  }
0x194: {  	[tilespmem:$0x8070] =	vst v1  }
0x195: {  	[tilespmem:$0x8080] =	vst v1  }
0x196: {  	[tilespmem:$0x8090] =	vst v1  }
0x197: {  	[tilespmem:$0x80A0] =	vst v1  }
0x198: {  	[tilespmem:$0x80B0] =	vst v1  }
0x199: {  	[tilespmem:$0x80C0] =	vst v1  }
0x19a: {  	[tilespmem:$0x80D0] =	vst v1  }
0x19b: {  	[tilespmem:$0x80E0] =	vst v1  }
0x19c: {  	[tilespmem:$0x80F0] =	vst v1  }
0x19d: {  	[tilespmem:$0x8100] =	vst v1  }
0x19e: {  	[tilespmem:$0x8110] =	vst v1  }
0x19f: {  	[tilespmem:$0x8120] =	vst v1  }
0x1a0: {  	[tilespmem:$0x8130] =	vst v1  }
0x1a1: {  	[tilespmem:$0x8140] =	vst v1  }
0x1a2: {  	[tilespmem:$0x8150] =	vst v1  }
0x1a3: {  	[tilespmem:$0x8160] =	vst v1  }
0x1a4: {  	[tilespmem:$0x8170] =	vst v1  }
0x1a5: {  	[tilespmem:$0x8180] =	vst v1  }
0x1a6: {  	[tilespmem:$0x8190] =	vst v1  }
0x1a7: {  	[tilespmem:$0x81A0] =	vst v1  }
0x1a8: {  	[tilespmem:$0x81B0] =	vst v1  }
0x1a9: {  	[tilespmem:$0x81C0] =	vst v1  }
0x1aa: {  	[tilespmem:$0x81D0] =	vst v1  }
0x1ab: {  	[tilespmem:$0x81E0] =	vst v1  }
0x1ac: {  	[tilespmem:$0x81F0] =	vst v1  }
0x1ad: {  	[tilespmem:$0x8200] =	vst v1  }
0x1ae: {  	[tilespmem:$0x8210] =	vst v1  }
0x1af: {  	[tilespmem:$0x8220] =	vst v1  }
0x1b0: {  	[tilespmem:$0x8230] =	vst v1  }
0x1b1: {  	[tilespmem:$0x8240] =	vst v1  }
0x1b2: {  	[tilespmem:$0x8250] =	vst v1  }
0x1b3: {  	[tilespmem:$0x8260] =	vst v1  }
0x1b4: {  	v23 =	vmax.f32 v12, v9;
	v59 =	vmin.f32 v12, v9;
	v10 =	vmin.f32 v10, v11;
	[tilespmem:$0x8270] =	vst v1  }
0x1b5: {  	[tilespmem:$0x8280] =	vst v1;
	v10 =	vmin.f32 v10, v23;
	v60 =	vmax.f32 v59, v5;
	v5 =	vmin.f32 v59, v5  }
0x1b6: {  	[tilespmem:$0x8290] =	vst v1;
	v61 =	vmin.f32 v10, v60;
	v62 =	vmax.f32 v5, v6;
	v5 =	vmin.f32 v5, v6  }
0x1b7: {  	[tilespmem:$0x82A0] =	vst v1;
	v6 =	vmin.f32 v61, v62;
	v63 =	vmax.f32 v5, v7;
	v5 =	vmin.f32 v5, v7  }
0x1b8: {  	[tilespmem:$0x82B0] =	vst v1;
	v6 =	vmin.f32 v6, v63;
	v7 =	vmax.f32 v5, v8;
	v5 =	vmin.f32 v5, v8  }
0x1b9: {  	[tilespmem:$0x82C0] =	vst v1;
	v6 =	vmin.f32 v6, v7;
	v7 =	vmax.f32 v5, v4;
	v4 =	vmin.f32 v5, v4  }
0x1ba: {  	[tilespmem:$0x82D0] =	vst v1;
	v5 =	vmin.f32 v6, v7;
	v6 =	vmax.f32 v4, v13;
	v4 =	vmin.f32 v4, v13  }
0x1bb: {  	[tilespmem:$0x82E0] =	vst v1;
	v5 =	vmin.f32 v5, v6;
	v6 =	vmax.f32 v4, v14;
	v4 =	vmin.f32 v4, v14  }
0x1bc: {  	[tilespmem:$0x82F0] =	vst v1;
	v5 =	vmin.f32 v5, v6;
	v6 =	vmax.f32 v4, v15;
	v4 =	vmin.f32 v4, v15  }
0x1bd: {  	[tilespmem:$0x8300] =	vst v1;
	v5 =	vmin.f32 v5, v6;
	v6 =	vmax.f32 v4, v16;
	v4 =	vmin.f32 v4, v16  }
0x1be: {  	[tilespmem:$0x8310] =	vst v1;
	v5 =	vmin.f32 v5, v6;
	v6 =	vmax.f32 v4, v17;
	v4 =	vmin.f32 v4, v17  }
0x1bf: {  	[tilespmem:$0x8320] =	vst v1;
	v5 =	vmin.f32 v5, v6;
	v6 =	vmax.f32 v4, v18;
	v4 =	vmin.f32 v4, v18  }
0x1c0: {  	[tilespmem:$0x8330] =	vst v1;
	v5 =	vmin.f32 v5, v6;
	v6 =	vmax.f32 v4, v19;
	v4 =	vmin.f32 v4, v19  }
0x1c1: {  	[tilespmem:$0x8340] =	vst v1;
	v5 =	vmin.f32 v5, v6;
	v6 =	vmax.f32 v4, v20;
	v4 =	vmin.f32 v4, v20  }
0x1c2: {  	[tilespmem:$0x8350] =	vst v1;
	v5 =	vmin.f32 v5, v6;
	v6 =	vmax.f32 v4, v21;
	v4 =	vmin.f32 v4, v21  }
0x1c3: {  	[tilespmem:$0x8360] =	vst v1;
	v5 =	vmin.f32 v5, v6;
	v4 =	vmax.f32 v4, v22  }
0x1c4: {  	[tilespmem:$0x8370] =	vst v1;
	v4 =	vmin.f32 v5, v4  }
0x1c5: {  	[tilespmem:$0x8380] =	vst v1;
	(xrf0) =	vmax.scan.msk.f32 $0xffff, v4  }
0x1c6: {  	[tilespmem:$0x8390] =	vst v1  }
0x1c7: {  	[tilespmem:$0x83A0] =	vst v1  }
0x1c8: {  	[tilespmem:$0x83B0] =	vst v1  }
0x1c9: {  	[tilespmem:$0x83C0] =	vst v1  }
0x1ca: {  	[tilespmem:$0x83D0] =	vst v1  }
0x1cb: {  	[tilespmem:$0x83E0] =	vst v1;
	v4, _, _ =	vpop (xrf0)  }
0x1cc: {  	[tilespmem:$0x83F0] =	vst v1;
	s21 =	simm.s32 $0xFFFFFFF0;
	s22 =	simm.s32 $0x4080;
	v6 =	vlaneseq.u32;
	v5 =	vlaneseq.u32;
	v4 =	vbroadcast v4, $0xF  }
.LBB2_22:
0x1cd: {  	v7 =	vld [tilespmem:s22+$0xFFFFFF80];
	_ =	sdelay $0x4  }
0x1ce: {  	vm1 =	vlt.s32 v6, $0x400;
	vm0 =	vle.f32 v7, v4  }
0x1cf: {  	vm1 =	vmand vm1, vm0;
	_ =	sdelay $0x5  }
0x1d0: {  	[tilespmem:v6+s12+$0x0] =	vst.idx.msk vm1, v7  }
0x1d1: {  	[tilespmem:v6+s13+$0x0] =	vst.idx.msk vm1, v5  }
0x1d2: {  	v7 =	vld [tilespmem:s22+$0xFFFFFF90];
	_ =	sdelay $0x2  }
0x1d3: {  	v8 =	vsel vm0, $0x10, v2  }
0x1d4: {  	v6 =	vadd.s32 v6, v8  }
0x1d5: {  	vm11 =	vlt.s32 v6, $0x400;
	vm10 =	vle.f32 v7, v4  }
0x1d6: {  	vm1 =	vmand vm10, vm11;
	_ =	sdelay $0x5  }
0x1d7: {  	v8 =	vadd.s32 $0x10, v5;
	[tilespmem:v6+s12+$0x0] =	vst.idx.msk vm1, v7  }
0x1d8: {  	[tilespmem:v6+s13+$0x0] =	vst.idx.msk vm1, v8  }
0x1d9: {  	v7 =	vld [tilespmem:s22+$0xFFFFFFA0];
	_ =	sdelay $0x2  }
0x1da: {  	v8 =	vsel vm10, $0x10, v2  }
0x1db: {  	v6 =	vadd.s32 v6, v8  }
0x1dc: {  	vm13 =	vlt.s32 v6, $0x400;
	vm12 =	vle.f32 v7, v4  }
0x1dd: {  	vm1 =	vmand vm12, vm13;
	_ =	sdelay $0x5  }
0x1de: {  	v8 =	vadd.s32 $0x20, v5;
	[tilespmem:v6+s12+$0x0] =	vst.idx.msk vm1, v7  }
0x1df: {  	[tilespmem:v6+s13+$0x0] =	vst.idx.msk vm1, v8  }
0x1e0: {  	v7 =	vld [tilespmem:s22+$0xFFFFFFB0];
	_ =	sdelay $0x2  }
0x1e1: {  	v8 =	vsel vm12, $0x10, v2  }
0x1e2: {  	v6 =	vadd.s32 v6, v8  }
0x1e3: {  	vm15 =	vlt.s32 v6, $0x400;
	vm14 =	vle.f32 v7, v4  }
0x1e4: {  	vm1 =	vmand vm14, vm15;
	_ =	sdelay $0x5  }
0x1e5: {  	v8 =	vadd.s32 $0x30, v5;
	[tilespmem:v6+s12+$0x0] =	vst.idx.msk vm1, v7  }
0x1e6: {  	[tilespmem:v6+s13+$0x0] =	vst.idx.msk vm1, v8  }
0x1e7: {  	v7 =	vld [tilespmem:s22+$0xFFFFFFC0];
	_ =	sdelay $0x2  }
0x1e8: {  	v8 =	vsel vm14, $0x10, v2  }
0x1e9: {  	v6 =	vadd.s32 v6, v8  }
0x1ea: {  	vm5 =	vlt.s32 v6, $0x400;
	vm4 =	vle.f32 v7, v4  }
0x1eb: {  	vm1 =	vmand vm4, vm5;
	_ =	sdelay $0x5  }
0x1ec: {  	v8 =	vadd.s32 $0x40, v5;
	[tilespmem:v6+s12+$0x0] =	vst.idx.msk vm1, v7  }
0x1ed: {  	[tilespmem:v6+s13+$0x0] =	vst.idx.msk vm1, v8  }
0x1ee: {  	v7 =	vld [tilespmem:s22+$0xFFFFFFD0];
	_ =	sdelay $0x2  }
0x1ef: {  	v8 =	vsel vm4, $0x10, v2  }
0x1f0: {  	v6 =	vadd.s32 v6, v8  }
0x1f1: {  	vm7 =	vlt.s32 v6, $0x400;
	vm6 =	vle.f32 v7, v4  }
0x1f2: {  	vm1 =	vmand vm6, vm7;
	_ =	sdelay $0x5  }
0x1f3: {  	v8 =	vadd.s32 $0x50, v5;
	[tilespmem:v6+s12+$0x0] =	vst.idx.msk vm1, v7  }
0x1f4: {  	[tilespmem:v6+s13+$0x0] =	vst.idx.msk vm1, v8  }
0x1f5: {  	v7 =	vld [tilespmem:s22+$0xFFFFFFE0];
	_ =	sdelay $0x2  }
0x1f6: {  	v8 =	vsel vm6, $0x10, v2  }
0x1f7: {  	v6 =	vadd.s32 v6, v8  }
0x1f8: {  	vm9 =	vlt.s32 v6, $0x400;
	vm8 =	vle.f32 v7, v4  }
0x1f9: {  	vm1 =	vmand vm8, vm9;
	_ =	sdelay $0x5  }
0x1fa: {  	v8 =	vadd.s32 $0x60, v5;
	[tilespmem:v6+s12+$0x0] =	vst.idx.msk vm1, v7  }
0x1fb: {  	[tilespmem:v6+s13+$0x0] =	vst.idx.msk vm1, v8  }
0x1fc: {  	v7 =	vld [tilespmem:s22+$0xFFFFFFF0];
	_ =	sdelay $0x2  }
0x1fd: {  	v8 =	vsel vm8, $0x10, v2  }
0x1fe: {  	v6 =	vadd.s32 v6, v8  }
0x1ff: {  	vm11 =	vlt.s32 v6, $0x400;
	vm10 =	vle.f32 v7, v4  }
0x200: {  	vm1 =	vmand vm10, vm11;
	_ =	sdelay $0x5  }
0x201: {  	v8 =	vadd.s32 $0x70, v5;
	[tilespmem:v6+s12+$0x0] =	vst.idx.msk vm1, v7  }
0x202: {  	[tilespmem:v6+s13+$0x0] =	vst.idx.msk vm1, v8  }
0x203: {  	v7 =	vld [tilespmem:s22+$0x0];
	_ =	sdelay $0x2  }
0x204: {  	v8 =	vsel vm10, $0x10, v2  }
0x205: {  	v6 =	vadd.s32 v6, v8  }
0x206: {  	vm13 =	vlt.s32 v6, $0x400;
	vm12 =	vle.f32 v7, v4  }
0x207: {  	vm1 =	vmand vm12, vm13;
	_ =	sdelay $0x5  }
0x208: {  	v8 =	vadd.s32 $0x80, v5;
	[tilespmem:v6+s12+$0x0] =	vst.idx.msk vm1, v7  }
0x209: {  	[tilespmem:v6+s13+$0x0] =	vst.idx.msk vm1, v8  }
0x20a: {  	v7 =	vld [tilespmem:s22+$0x10];
	_ =	sdelay $0x2  }
0x20b: {  	v8 =	vsel vm12, $0x10, v2  }
0x20c: {  	v6 =	vadd.s32 v6, v8  }
0x20d: {  	vm15 =	vlt.s32 v6, $0x400;
	vm14 =	vle.f32 v7, v4  }
0x20e: {  	vm1 =	vmand vm14, vm15;
	_ =	sdelay $0x5  }
0x20f: {  	v8 =	vadd.s32 $0x90, v5;
	[tilespmem:v6+s12+$0x0] =	vst.idx.msk vm1, v7  }
0x210: {  	[tilespmem:v6+s13+$0x0] =	vst.idx.msk vm1, v8  }
0x211: {  	v7 =	vld [tilespmem:s22+$0x20];
	_ =	sdelay $0x2  }
0x212: {  	v8 =	vsel vm14, $0x10, v2  }
0x213: {  	v6 =	vadd.s32 v6, v8  }
0x214: {  	vm5 =	vlt.s32 v6, $0x400;
	vm4 =	vle.f32 v7, v4  }
0x215: {  	vm1 =	vmand vm4, vm5;
	_ =	sdelay $0x5  }
0x216: {  	v8 =	vadd.s32 $0xA0, v5;
	[tilespmem:v6+s12+$0x0] =	vst.idx.msk vm1, v7  }
0x217: {  	[tilespmem:v6+s13+$0x0] =	vst.idx.msk vm1, v8  }
0x218: {  	v7 =	vld [tilespmem:s22+$0x30];
	_ =	sdelay $0x2  }
0x219: {  	v8 =	vsel vm4, $0x10, v2  }
0x21a: {  	v6 =	vadd.s32 v6, v8  }
0x21b: {  	vm7 =	vlt.s32 v6, $0x400;
	vm6 =	vle.f32 v7, v4  }
0x21c: {  	vm1 =	vmand vm6, vm7;
	_ =	sdelay $0x5  }
0x21d: {  	v8 =	vadd.s32 $0xB0, v5;
	[tilespmem:v6+s12+$0x0] =	vst.idx.msk vm1, v7  }
0x21e: {  	[tilespmem:v6+s13+$0x0] =	vst.idx.msk vm1, v8  }
0x21f: {  	v7 =	vld [tilespmem:s22+$0x40];
	_ =	sdelay $0x2  }
0x220: {  	v8 =	vsel vm6, $0x10, v2  }
0x221: {  	v6 =	vadd.s32 v6, v8  }
0x222: {  	vm9 =	vlt.s32 v6, $0x400;
	vm8 =	vle.f32 v7, v4  }
0x223: {  	vm1 =	vmand vm8, vm9;
	_ =	sdelay $0x5  }
0x224: {  	v8 =	vadd.s32 $0xC0, v5;
	[tilespmem:v6+s12+$0x0] =	vst.idx.msk vm1, v7  }
0x225: {  	[tilespmem:v6+s13+$0x0] =	vst.idx.msk vm1, v8  }
0x226: {  	v7 =	vld [tilespmem:s22+$0x50];
	_ =	sdelay $0x2  }
0x227: {  	v8 =	vsel vm8, $0x10, v2  }
0x228: {  	v6 =	vadd.s32 v6, v8  }
0x229: {  	vm11 =	vlt.s32 v6, $0x400;
	vm10 =	vle.f32 v7, v4  }
0x22a: {  	vm1 =	vmand vm10, vm11;
	_ =	sdelay $0x5  }
0x22b: {  	v8 =	vadd.s32 $0xD0, v5;
	[tilespmem:v6+s12+$0x0] =	vst.idx.msk vm1, v7  }
0x22c: {  	[tilespmem:v6+s13+$0x0] =	vst.idx.msk vm1, v8  }
0x22d: {  	v7 =	vld [tilespmem:s22+$0x60];
	_ =	sdelay $0x2  }
0x22e: {  	v8 =	vsel vm10, $0x10, v2  }
0x22f: {  	v6 =	vadd.s32 v6, v8  }
0x230: {  	vm13 =	vlt.s32 v6, $0x400;
	vm12 =	vle.f32 v7, v4  }
0x231: {  	vm1 =	vmand vm12, vm13;
	_ =	sdelay $0x5  }
0x232: {  	v8 =	vadd.s32 $0xE0, v5;
	[tilespmem:v6+s12+$0x0] =	vst.idx.msk vm1, v7  }
0x233: {  	[tilespmem:v6+s13+$0x0] =	vst.idx.msk vm1, v8  }
0x234: {  	v7 =	vld [tilespmem:s22+$0x70];
	_ =	sdelay $0x2  }
0x235: {  	v8 =	vsel vm12, $0x10, v2  }
0x236: {  	v6 =	vadd.s32 v6, v8  }
0x237: {  	vm15 =	vlt.s32 v6, $0x400;
	vm14 =	vle.f32 v7, v4  }
0x238: {  	vm1 =	vmand vm14, vm15  }
0x239: {  	s21 =	sadd.s32 $0x10, s21  }
0x23a: {  	p0 =	slt.u32 s21, $0x3F0  }
.Ltmp10:
0x23b: {  	_ = 	snop;
	(pc) =	sbr.rel @p0 .LBB2_22-.Ltmp10, $3  }
0x23c: {  	_ =	sdelay $0x1  }
0x23d: {  	v8 =	vadd.s32 $0xF0, v5;
	[tilespmem:v6+s12+$0x0] =	vst.idx.msk vm1, v7;
	v7 =	vsel vm14, $0x10, v2  }
0x23e: {  	v5 =	vadd.s32 $0x100, v5;
	s22 =	sadd.s32 $0x100, s22;
	[tilespmem:v6+s13+$0x0] =	vst.idx.msk vm1, v8;
	v6 =	vadd.s32 v6, v7  }
0x23f: {  	v4 =	vadd.s32 v3, v6  }
0x240: {  	v4 =	vshra.s32 v4, $0x4  }
0x241: {  	v4 =	vxor.u32 $0x80000000, v4  }
0x242: {  	(xrf0) =	vmax.scan.msk.u32 $0xffff, v4;
	_ =	sdelay $0x5  }
0x243: {  	v4, _, _ =	vpop (xrf0)  }
0x244: {  	(v2sf) =	vpush v4, $0xF;
	_ =	sdelay $0xe  }
0x245: {  	s21 =	spop (v2sf)  }
0x246: {  	s21 =	sxor.u32 $0x80000000, s21  }
0x247: {  	p0 =	sgt.s32 s21, $0x10  }
.Ltmp11:
0x248: {  	_ = 	snop;
	(pc) =	sbr.rel @p0 .LBB2_28-.Ltmp11, $3  }
0x249: {  	_ =	sdelay $0x1  }
0x24a: {  	s20 =	sor.u32 $0x20, s20  }
0x24b: {  	v4 =	vmov s20;
	s20 =	simm.s32 $0x0  }
0x24c: {  	s21 =	simm.s32 $0x0  }
.LBB2_25:
0x24d: {  	s23 =	simm.s32 $0x8020  }
0x24e: {  	s22 =	simm.s32 $0x8420;
	v6 =	vld [tilespmem:s23+$0xFFFFFFE0]  }
0x24f: {  	v7 =	vld [tilespmem:s22+$0xFFFFFFE0];
	_ =	sdelay $0x2  }
0x250: {  	v8 =	vld [tilespmem:s23+$0xFFFFFFF0]  }
0x251: {  	v9 =	vimm.f32 $+Inf;
	v10 =	vimm.s32 $0x40000000;
	v11 =	vld [tilespmem:s22+$0xFFFFFFF0]  }
0x252: {  	vm0 =	veq.f32 v6, v9;
	vm1 =	vlt.s32 v7, v10  }
0x253: {  	vm2 =	vlt.f32 v6, v9;
	vm0 =	vmand vm0, vm1  }
0x254: {  	vm0 =	vmor vm2, vm0  }
0x255: {  	v5 =	vld [tilespmem:s23+$0x0];
	v9 =	vsel vm0, v6, v9;
	v7 =	vsel vm0, v7, v10  }
0x256: {  	v6 =	vld [tilespmem:s22+$0x0];
	vm1 =	veq.f32 v8, v9;
	vm2 =	vlt.s32 v11, v7  }
0x257: {  	v12 =	vor.u32 s20, v0;
	vm1 =	vmand vm1, vm2;
	vm2 =	vlt.f32 v8, v9  }
0x258: {  	s25 =	simm.s32 $0x10;
	v12 =	vsel vm0, v12, v10;
	vm1 =	vmor vm2, vm1  }
0x259: {  	v10 =	vsel vm1, v8, v9;
	v11 =	vsel vm1, v11, v7;
	v8 =	vor.u32 s25, v0;
	v7 =	vld [tilespmem:s23+$0x10]  }
0x25a: {  	v9 =	vsel vm1, v8, v12;
	v8 =	vld [tilespmem:s22+$0x10]  }
0x25b: {  	s24 =	simm.s32 $0x0;
	vm2 =	veq.f32 v5, v10;
	vm3 =	vlt.s32 v6, v11  }
0x25c: {  	s26 =	simm.s32 $0x20;
	s25 =	simm.s32 $0x8060;
	s23 =	simm.s32 $0x0;
	vm0 =	vlt.f32 v5, v10;
	vm1 =	vmand vm2, vm3  }
.LBB2_26:
0x25d: {  	v12 =	vld [tilespmem:s25+$0xFFFFFFE0];
	v13 =	vor.u32 s26, v0;
	vm0 =	vmor vm0, vm1;
	s22 =	sadd.s32 $0x40, s22  }
0x25e: {  	s24 =	sadd.s32 $0x4, s24;
	v14 =	vld [tilespmem:s22+$0xFFFFFFE0];
	v5 =	vsel vm0, v5, v10;
	v6 =	vsel vm0, v6, v11;
	v9 =	vsel vm0, v13, v9  }
0x25f: {  	p0 =	slt.u32 s24, $0xC;
	vm0 =	veq.f32 v7, v5;
	vm1 =	vlt.s32 v8, v6  }
0x260: {  	s26 =	sadd.s32 $0x30, s23;
	vm2 =	vlt.f32 v7, v5;
	vm0 =	vmand vm0, vm1  }
0x261: {  	v11 =	vor.u32 s26, v0;
	v10 =	vld [tilespmem:s25+$0xFFFFFFF0];
	vm0 =	vmor vm2, vm0  }
0x262: {  	v13 =	vld [tilespmem:s22+$0xFFFFFFF0];
	v7 =	vsel vm0, v7, v5;
	v6 =	vsel vm0, v8, v6;
	v8 =	vsel vm0, v11, v9  }
0x263: {  	vm0 =	veq.f32 v12, v7;
	vm1 =	vlt.s32 v14, v6  }
0x264: {  	s23 =	sadd.s32 $0x40, s23;
	vm2 =	vlt.f32 v12, v7;
	vm0 =	vmand vm0, vm1  }
0x265: {  	v9 =	vor.u32 s23, v0;
	vm0 =	vmor vm2, vm0;
	v5 =	vld [tilespmem:s25+$0x0]  }
0x266: {  	v11 =	vsel vm0, v12, v7;
	v12 =	vsel vm0, v14, v6;
	v8 =	vsel vm0, v9, v8;
	v6 =	vld [tilespmem:s22+$0x0]  }
0x267: {  	vm0 =	veq.f32 v10, v11;
	vm1 =	vlt.s32 v13, v12  }
.Ltmp12:
0x268: {  	s26 =	sadd.s32 $0x10, s23;
	vm2 =	vlt.f32 v10, v11;
	vm0 =	vmand vm0, vm1;
	(pc) =	sbr.rel @p0 .LBB2_26-.Ltmp12, $4  }
0x269: {  	v9 =	vor.u32 s26, v0;
	vm0 =	vmor vm2, vm0;
	v7 =	vld [tilespmem:s25+$0x10]  }
0x26a: {  	v10 =	vsel vm0, v10, v11;
	v11 =	vsel vm0, v13, v12;
	v9 =	vsel vm0, v9, v8;
	v8 =	vld [tilespmem:s22+$0x10]  }
0x26b: {  	vm1 =	veq.f32 v5, v10;
	vm2 =	vlt.s32 v6, v11  }
0x26c: {  	s26 =	sadd.s32 $0x20, s23;
	s25 =	sadd.s32 $0x40, s25;
	vm0 =	vlt.f32 v5, v10;
	vm1 =	vmand vm1, vm2  }
0x26d: {  	vm0 =	vmor vm0, vm1  }
0x26e: {  	v5 =	vsel vm0, v5, v10;
	v6 =	vsel vm0, v6, v11  }
0x26f: {  	vm12 =	veq.f32 v7, v5;
	vm2 =	vlt.s32 v8, v6  }
0x270: {  	vm13 =	vlt.f32 v7, v5;
	vm1 =	vmand vm12, vm2  }
0x271: {  	vm1 =	vmor vm13, vm1  }
0x272: {  	v5 =	vsel vm1, v7, v5  }
0x273: {  	(xrf0) =	vmin.scan.msk.f32 $0xffff, v5;
	_ =	sdelay $0x5  }
0x274: {  	v7, _, _ =	vpop (xrf0)  }
0x275: {  	v7 =	vbroadcast v7, $0xF  }
0x276: {  	v6 =	vsel vm1, v8, v6  }
0x277: {  	vm14 =	veq.f32 v5, v7;
	v5 =	vxor.u32 $0x80000000, v6  }
0x278: {  	v5 =	vnsel vm14, $0xC0000000, v5  }
0x279: {  	(xrf0) =	vmin.scan.msk.u32 $0xffff, v5;
	_ =	sdelay $0x5  }
0x27a: {  	v5, _, _ =	vpop (xrf0)  }
0x27b: {  	(v2sf) =	vpush v5, $0xF;
	_ =	sdelay $0xe  }
0x27c: {  	s22 =	sadd.s32 $0x30, s23;
	v5 =	vor.u32 s26, v0;
	s29 =	spop (v2sf)  }
0x27d: {  	v7 =	vor.u32 s22, v0;
	v5 =	vsel vm0, v5, v9;
	s30 =	sxor.u32 $0x80000000, s29  }
0x27e: {  	v5 =	vsel vm1, v7, v5;
	vm15 =	veq.s32 v6, s30  }
0x27f: {  	v5 =	vxor.u32 $0x80000000, v5;
	vm0 =	vmand vm14, vm15  }
0x280: {  	v5 =	vnsel vm0, $0xC0000000, v5  }
0x281: {  	(xrf0) =	vmin.scan.msk.u32 $0xffff, v5;
	_ =	sdelay $0x5  }
0x282: {  	v5, _, _ =	vpop (xrf0)  }
0x283: {  	(v2sf) =	vpush v5, $0xF;
	_ =	sdelay $0xe  }
0x284: {  	s31 =	spop (v2sf)  }
0x285: {  	s23 =	sxor.u32 $0x80000000, s31  }
0x286: {  	s21 =	sadd.s32 $0x1, s21;
	v5 =	vmov s23  }
0x287: {  	p0 =	seq.s32 s21, $0x20  }
.Ltmp13:
0x288: {  	_ = 	snop;
	(pc) =	sbr.rel @!p0 .LBB2_25-.Ltmp13, $4  }
.Ltmp14:
0x289: {  	_ = 	snop;
	(pc) =	sbr.rel @p0 .LBB2_36-.Ltmp14, $4  }
0x28a: {  	_ = 	snop  }
0x28b: {  	v6 =	vmov s30;
	[tilespmem:v5+s12+$0x0] =	vst.idx.msk $0x1, v1  }
0x28c: {  	[tilespmem:v4+s14+$0x0] =	vst.idx.msk $0x1, v6;
	v4 =	vadd.s32 $0x1, v4  }
0x28d: {  	_ = 	snop  }
.LBB2_11:
0x28e: {  	p0 =	slt.s32 s21, $0x40  }
0x28f: {  	s22 =	simm.s32 $0x0;
	s21 =	simm.s32 @!p0 $0x40  }
.LBB2_12:
0x290: {  	p1 =	sne.s32 s21, $0x1  }
.Ltmp15:
0x291: {  	_ = 	snop;
	(pc) =	sbr.rel @!p1 .LBB2_13-.Ltmp15, $4  }
0x292: {  	_ = 	snop  }
0x293: {  	s23 =	simm.s32 $0x8000  }
0x294: {  	s24 =	simm.s32 $0x8400;
	v7 =	vld [tilespmem:s23+$0x0]  }
0x295: {  	v5 =	vimm.f32 $+Inf;
	v10 =	vimm.s32 $0x40000000;
	p0 =	por $0x0, $0x0;
	v9 =	vld [tilespmem:s24+$0x0];
	s23 =	sadd.s32 $0xFFFFFFFF, s21;
	s24 =	simm.s32 $0x8010  }
0x296: {  	_ =	sdelay $0x1  }
0x297: {  	v11 =	vld [tilespmem:s24+$0x0];
	s24 =	simm.s32 $0x8410;
	p1 =	sne.s32 s23, $0x1  }
.Ltmp16:
0x298: {  	v12 =	vld [tilespmem:s24+$0x0];
	(pc) =	sbr.rel @!p1 .LBB2_15-.Ltmp16, $4  }
0x299: {  	vm0 =	veq.f32 v7, v5;
	vm1 =	vlt.s32 v9, v10  }
0x29a: {  	vm2 =	vlt.f32 v7, v5;
	vm0 =	vmand vm0, vm1  }
0x29b: {  	s25 =	sadd.s32 $0xFFFFFFFF, s23;
	v6 =	vor.u32 s19, v0;
	vm0 =	vmor vm2, vm0  }
0x29c: {  	s26 =	simm.s32 $0x8020;
	p0 =	por $0x1, $0x1;
	s23 =	simm.s32 $0x0;
	v5 =	vsel vm0, v7, v5;
	v8 =	vsel vm0, v9, v10;
	v6 =	vsel vm0, v6, v10  }
.LBB2_16:
0x29d: {  	v7 =	vld [tilespmem:s26+$0x0];
	vm0 =	veq.f32 v11, v5;
	vm1 =	vlt.s32 v12, v8;
	s24 =	sadd.s32 $0x10, s24;
	v9 =	vmov v12;
	p1 =	sne.s32 s25, $0x1  }
.Ltmp17:
0x29e: {  	s25 =	sadd.s32 $0xFFFFFFFF, s25;
	vm2 =	vlt.f32 v11, v5;
	s23 =	sadd.s32 $0x10, s23;
	v12 =	vld [tilespmem:s24+$0x0];
	vm0 =	vmand vm0, vm1;
	(pc) =	sbr.rel @p1 .LBB2_16-.Ltmp17, $3  }
0x29f: {  	v10 =	vor.u32 s23, v0;
	vm0 =	vmor vm2, vm0  }
0x2a0: {  	v5 =	vsel vm0, v11, v5;
	v8 =	vsel vm0, v9, v8;
	v6 =	vsel vm0, v10, v6;
	_ =	sdelay $0x1  }
0x2a1: {  	s26 =	sadd.s32 $0x10, s26;
	v11 =	vmov v7  }
0x2a2: {  	v7 =	vmov v11;
	v9 =	vmov v12;
	v10 =	vmov v8  }
.LBB2_18:
0x2a3: {  	vm0 =	veq.f32 v7, v5;
	vm1 =	vlt.s32 v9, v10  }
0x2a4: {  	vm2 =	vlt.f32 v7, v5;
	vm0 =	vmand vm0, vm1  }
0x2a5: {  	vm0 =	vmor vm2, vm0  }
0x2a6: {  	v5 =	vsel vm0, v7, v5  }
0x2a7: {  	(xrf0) =	vmin.scan.msk.f32 $0xffff, v5;
	_ =	sdelay $0x5  }
0x2a8: {  	v7, _, _ =	vpop (xrf0)  }
0x2a9: {  	v7 =	vbroadcast v7, $0xF  }
0x2aa: {  	v8 =	vsel vm0, v9, v10  }
0x2ab: {  	vm14 =	veq.f32 v5, v7;
	v5 =	vxor.u32 $0x80000000, v8  }
0x2ac: {  	v5 =	vnsel vm14, $0xC0000000, v5  }
0x2ad: {  	(xrf0) =	vmin.scan.msk.u32 $0xffff, v5;
	_ =	sdelay $0x5  }
0x2ae: {  	v5, _, _ =	vpop (xrf0)  }
0x2af: {  	(v2sf) =	vpush v5, $0xF;
	_ =	sdelay $0xd  }
0x2b0: {  	s23 =	sadd.s32 @p0 $0x10, s23;
	s24 =	simm.s32 $0x0  }
0x2b1: {  	s24 =	smov.u32 @p0 s23;
	s30 =	spop (v2sf)  }
0x2b2: {  	v5 =	vor.u32 s24, v0;
	s23 =	sxor.u32 $0x80000000, s30  }
0x2b3: {  	v5 =	vsel vm0, v5, v6;
	vm15 =	veq.s32 v8, s23  }
0x2b4: {  	v5 =	vxor.u32 $0x80000000, v5;
	vm0 =	vmand vm14, vm15  }
0x2b5: {  	v5 =	vnsel vm0, $0xC0000000, v5  }
0x2b6: {  	(xrf0) =	vmin.scan.msk.u32 $0xffff, v5;
	_ =	sdelay $0x5  }
0x2b7: {  	v5, _, _ =	vpop (xrf0)  }
0x2b8: {  	(v2sf) =	vpush v5, $0xF;
	_ =	sdelay $0xe  }
0x2b9: {  	s31 =	spop (v2sf)  }
0x2ba: {  	s24 =	sxor.u32 $0x80000000, s31  }
0x2bb: {  	s22 =	sadd.s32 $0x1, s22;
	v5 =	vmov s24  }
0x2bc: {  	p0 =	sne.s32 s22, $0x20  }
.Ltmp18:
0x2bd: {  	_ = 	snop;
	(pc) =	sbr.rel @p0 .LBB2_12-.Ltmp18, $4  }
.Ltmp19:
0x2be: {  	_ = 	snop;
	(pc) =	sbr.rel @!p0 .LBB2_19-.Ltmp19, $4  }
0x2bf: {  	_ = 	snop  }
0x2c0: {  	v6 =	vmov s23;
	[tilespmem:v5+s12+$0x0] =	vst.idx.msk $0x1, v1  }
0x2c1: {  	[tilespmem:v4+s14+$0x0] =	vst.idx.msk $0x1, v6;
	v4 =	vadd.s32 $0x1, v4  }
0x2c2: {  	_ = 	snop  }
.LBB2_13:
.Ltmp20:
0x2c3: {  	(pc) =	sbr.rel .LBB2_18-.Ltmp20, $2  }
0x2c4: {  	_ =	sdelay $0x2  }
0x2c5: {  	s23 =	simm.s32 $0x0;
	v6 =	vimm.s32 $0x40000000  }
.LBB2_15:
.Ltmp21:
0x2c6: {  	(pc) =	sbr.rel .LBB2_18-.Ltmp21, $2  }
0x2c7: {  	_ =	sdelay $0x2  }
0x2c8: {  	v7 =	vmov v11;
	v9 =	vmov v12;
	v10 =	vmov v8;
	s23 =	simm.s32 $0x0  }
.LBB2_28:
0x2c9: {  	p0 =	slt.s32 s21, $0x40  }
0x2ca: {  	s22 =	simm.s32 $0x0;
	s21 =	simm.s32 @!p0 $0x40  }
.LBB2_29:
0x2cb: {  	p1 =	sne.s32 s21, $0x1  }
.Ltmp22:
0x2cc: {  	_ = 	snop;
	(pc) =	sbr.rel @!p1 .LBB2_30-.Ltmp22, $4  }
0x2cd: {  	_ = 	snop  }
0x2ce: {  	s23 =	simm.s32 $0x8000  }
0x2cf: {  	s24 =	simm.s32 $0x8400;
	v7 =	vld [tilespmem:s23+$0x0]  }
0x2d0: {  	v5 =	vimm.f32 $+Inf;
	v10 =	vimm.s32 $0x40000000;
	p0 =	por $0x0, $0x0;
	v9 =	vld [tilespmem:s24+$0x0];
	s23 =	sadd.s32 $0xFFFFFFFF, s21;
	s24 =	simm.s32 $0x8010  }
0x2d1: {  	_ =	sdelay $0x1  }
0x2d2: {  	v11 =	vld [tilespmem:s24+$0x0];
	s24 =	simm.s32 $0x8410;
	p1 =	sne.s32 s23, $0x1  }
.Ltmp23:
0x2d3: {  	v12 =	vld [tilespmem:s24+$0x0];
	(pc) =	sbr.rel @!p1 .LBB2_32-.Ltmp23, $4  }
0x2d4: {  	vm0 =	veq.f32 v7, v5;
	vm1 =	vlt.s32 v9, v10  }
0x2d5: {  	vm2 =	vlt.f32 v7, v5;
	vm0 =	vmand vm0, vm1  }
0x2d6: {  	s25 =	sadd.s32 $0xFFFFFFFF, s23;
	v6 =	vor.u32 s20, v0;
	vm0 =	vmor vm2, vm0  }
0x2d7: {  	s26 =	simm.s32 $0x8020;
	p0 =	por $0x1, $0x1;
	s23 =	simm.s32 $0x0;
	v5 =	vsel vm0, v7, v5;
	v8 =	vsel vm0, v9, v10;
	v6 =	vsel vm0, v6, v10  }
.LBB2_33:
0x2d8: {  	v7 =	vld [tilespmem:s26+$0x0];
	vm0 =	veq.f32 v11, v5;
	vm1 =	vlt.s32 v12, v8;
	s24 =	sadd.s32 $0x10, s24;
	v9 =	vmov v12;
	p1 =	sne.s32 s25, $0x1  }
.Ltmp24:
0x2d9: {  	s25 =	sadd.s32 $0xFFFFFFFF, s25;
	vm2 =	vlt.f32 v11, v5;
	s23 =	sadd.s32 $0x10, s23;
	v12 =	vld [tilespmem:s24+$0x0];
	vm0 =	vmand vm0, vm1;
	(pc) =	sbr.rel @p1 .LBB2_33-.Ltmp24, $3  }
0x2da: {  	v10 =	vor.u32 s23, v0;
	vm0 =	vmor vm2, vm0  }
0x2db: {  	v5 =	vsel vm0, v11, v5;
	v8 =	vsel vm0, v9, v8;
	v6 =	vsel vm0, v10, v6;
	_ =	sdelay $0x1  }
0x2dc: {  	s26 =	sadd.s32 $0x10, s26;
	v11 =	vmov v7  }
0x2dd: {  	v7 =	vmov v11;
	v9 =	vmov v12;
	v10 =	vmov v8  }
.LBB2_35:
0x2de: {  	vm0 =	veq.f32 v7, v5;
	vm1 =	vlt.s32 v9, v10  }
0x2df: {  	vm2 =	vlt.f32 v7, v5;
	vm0 =	vmand vm0, vm1  }
0x2e0: {  	vm0 =	vmor vm2, vm0  }
0x2e1: {  	v5 =	vsel vm0, v7, v5  }
0x2e2: {  	(xrf0) =	vmin.scan.msk.f32 $0xffff, v5;
	_ =	sdelay $0x5  }
0x2e3: {  	v7, _, _ =	vpop (xrf0)  }
0x2e4: {  	v7 =	vbroadcast v7, $0xF  }
0x2e5: {  	v8 =	vsel vm0, v9, v10  }
0x2e6: {  	vm14 =	veq.f32 v5, v7;
	v5 =	vxor.u32 $0x80000000, v8  }
0x2e7: {  	v5 =	vnsel vm14, $0xC0000000, v5  }
0x2e8: {  	(xrf0) =	vmin.scan.msk.u32 $0xffff, v5;
	_ =	sdelay $0x5  }
0x2e9: {  	v5, _, _ =	vpop (xrf0)  }
0x2ea: {  	(v2sf) =	vpush v5, $0xF;
	_ =	sdelay $0xd  }
0x2eb: {  	s23 =	sadd.s32 @p0 $0x10, s23;
	s24 =	simm.s32 $0x0  }
0x2ec: {  	s24 =	smov.u32 @p0 s23;
	s30 =	spop (v2sf)  }
0x2ed: {  	v5 =	vor.u32 s24, v0;
	s23 =	sxor.u32 $0x80000000, s30  }
0x2ee: {  	v5 =	vsel vm0, v5, v6;
	vm15 =	veq.s32 v8, s23  }
0x2ef: {  	v5 =	vxor.u32 $0x80000000, v5;
	vm0 =	vmand vm14, vm15  }
0x2f0: {  	v5 =	vnsel vm0, $0xC0000000, v5  }
0x2f1: {  	(xrf0) =	vmin.scan.msk.u32 $0xffff, v5;
	_ =	sdelay $0x5  }
0x2f2: {  	v5, _, _ =	vpop (xrf0)  }
0x2f3: {  	(v2sf) =	vpush v5, $0xF;
	_ =	sdelay $0xe  }
0x2f4: {  	s31 =	spop (v2sf)  }
0x2f5: {  	s24 =	sxor.u32 $0x80000000, s31  }
0x2f6: {  	s22 =	sadd.s32 $0x1, s22;
	v5 =	vmov s24  }
0x2f7: {  	p0 =	sne.s32 s22, $0x20  }
.Ltmp25:
0x2f8: {  	_ = 	snop;
	(pc) =	sbr.rel @p0 .LBB2_29-.Ltmp25, $4  }
.Ltmp26:
0x2f9: {  	_ = 	snop;
	(pc) =	sbr.rel @!p0 .LBB2_36-.Ltmp26, $4  }
0x2fa: {  	_ = 	snop  }
0x2fb: {  	v6 =	vmov s23;
	[tilespmem:v5+s12+$0x0] =	vst.idx.msk $0x1, v1  }
0x2fc: {  	[tilespmem:v4+s14+$0x0] =	vst.idx.msk $0x1, v6;
	v4 =	vadd.s32 $0x1, v4  }
0x2fd: {  	_ = 	snop  }
.LBB2_30:
.Ltmp27:
0x2fe: {  	(pc) =	sbr.rel .LBB2_35-.Ltmp27, $2  }
0x2ff: {  	_ =	sdelay $0x2  }
0x300: {  	s23 =	simm.s32 $0x0;
	v6 =	vimm.s32 $0x40000000  }
.LBB2_32:
.Ltmp28:
0x301: {  	(pc) =	sbr.rel .LBB2_35-.Ltmp28, $2  }
0x302: {  	_ =	sdelay $0x2  }
0x303: {  	v7 =	vmov v11;
	v9 =	vmov v12;
	v10 =	vmov v8;
	s23 =	simm.s32 $0x0  }
.LBB2_38:
0x304: {  	_ =	sfence.sel $0x180000  }
0x305: {  	[bflag:$0x0] =	sbarrier.arrive $0xFFFF  }
0x306: {  	p0 =	sne.s32 s1, $0x0;
	_ =	strace $0x9000004A  }
0x307: {  	s0 =	sadd.s32 @!p0 $0x100000, s0;
	[bflag:$0x2] =	sbarrier.arrive $0xFFFF  }
0x308: {  	[sflag:s0] =	ssyncadd.tile.s32 @!p0 $0x1;
	_ =	shalt  }
.Lfunc_end2:
_tile_overlayer_lowered:
.L_overlay_start_2:
0x309: {  	(tag) =	ssettag $0x2  }
0x30a: {  	s0 =	rddreg [dreg:$0x0];
	s2 =	stileid.u32  }
0x30b: {  	s1 =	rddreg [dreg:$0x1];
	p0 =	sne.s32 s2, $0x0  }
0x30c: {  	s3 =	rddreg [dreg:$0x2];
	[bflag:$0x3] =	sbarrier.arrive $0xFFFF;
	s2 =	simm.s32 @!p0 $0x1C03  }
0x30d: {  	[timem:s3], [sflag:s2] =	dma.local @!p0 [hbm:s0], s1  }
0x30e: {  	s0 =	simm.s32 @!p0 $0x3  }
0x30f: {  	_ =	swait.ge @!p0 [sflag:s0], s1  }
0x310: {  	s1 =	ssub.s32 @!p0 $0x0, s1;
	[sflag:s0] =	ssyncset.done @!p0 $0x0  }
0x311: {  	[sflag:s0] =	ssyncadd.s32 @!p0 s1  }
0x312: {  	[bflag:$0x3] =	sbarrier.arrive $0xFFFF  }
0x313: {  	_ =	shalt  }

// kernel: sparse-core-data-format-call.cloned.1.call-start
scs
called_computation_lowered:
.L_overlay_start_0:
0x0: {  	s1 =	sld [smem:$0x3FD9]  }
0x1: {  	s2 =	sld [smem:$0x3FFE];
	_ =	sdelay $0x1  }
0x2: {  	s3 =	srdreg.scid  }
0x3: {  	s0 =	sand.u32 $0x1, s3  }
0x4: {  	s17 =	sshll.u32 s0, $0xA;
	s1 =	sadd.s32 s2, s1  }
0x5: {  	s1 =	sadd.s32 s1, s17  }
0x6: {  	[smem:$0x3FC7] =	sst s1  }
0x7: {  	_ = 	snop  }
0x8: {  	(tm) =	ssettm $0x1  }
0x9: {  	s18 =	sld [smem:$0x3FFB];
	_ =	sdelay $0x3  }
0xa: {  	_ =	strace s18  }
0xb: {  	s1 =	sld [smem:$0x3FFC];
	_ =	sdelay $0x3  }
0xc: {  	_ =	strace s1  }
0xd: {  	s1 =	sld [smem:$0x3FFD];
	_ =	sdelay $0x3  }
0xe: {  	_ =	strace s1  }
0xf: {  	_ =	strace $0x8FFFFFFF  }
0x10: {  	s19 =	sld [smem:$0x3FDB];
	_ =	sdelay $0x1  }
0x11: {  	s20 =	simm.s32 $_scs_section_size  }
0x12: {  	s4 =	simm.s32 $_size__tile_overlayer_lowered;
	s5 =	simm.s32 $_tile_overlayer_lowered  }
0x13: {  	s23 =	simm.s32 $0x1BFF;
	s22 =	sshll.u32 s5, $0x1;
	s1 =	sadd.s32 s20, s19  }
0x14: {  	s6 =	simm.s32 $0x0;
	s21 =	sshll.u32 s4, $0x1;
	s4 =	sadd.s32 s22, s1  }
0x15: {  	[timem:s6], [sflag:s23] =	dma.local [hbm:s4], s21  }
0x16: {  	_ =	swait.ge [sflag:s23], s21  }
0x17: {  	s2 =	ssub.s32 $0x0, s21;
	[sflag:s23] =	ssyncset.done $0x0  }
0x18: {  	[sflag:s23] =	ssyncadd.s32 s2;
	_ =	sdelay $0x1  }
0x19: {  	s24 =	simm.s32 $0x1B8B  }
0x1a: {  	_ =	swait.ge [sflag:s24], $0x1  }
0x1b: {  	[sflag:s24] =	ssyncset.done $0x0  }
0x1c: {  	s26 =	simm.s32 $0x1B8E;
	s25 =	sld [smem:$0x3FFE];
	[sflag:s24] =	ssyncadd.s32 $0xFFFFFFFF  }
0x1d: {  	s27 =	simm.s32 $execute0_lowered;
	[smem:$0x3FD2] =	sst s26  }
0x1e: {  	s4 =	sshll.u32 s27, $0x1;
	_ =	strace $0x80000046;
	[dreg:$0x1] =	wrdreg $0xFFFFFFFF  }
0x1f: {  	s28 =	simm.s32 $_size_execute0_lowered;
	s1 =	sadd.s32 s1, s4;
	[dreg:$0x0] =	wrdreg $0x0  }
0x20: {  	s4 =	sshll.u32 s28, $0x1;
	[dreg:$0x2] =	wrdreg s1  }
0x21: {  	[dreg:$0x3] =	wrdreg s4  }
0x22: {  	[dreg:$0x4] =	wrdreg $0xC0  }
0x23: {  	_ =	task [dreg:s6], $0x5FFFF  }
0x24: {  	[dreg:$0x1] =	wrdreg $0xFFFFFFFF  }
0x25: {  	[dreg:$0x0] =	wrdreg $0x60  }
0x26: {  	[dreg:$0x2] =	wrdreg s25  }
0x27: {  	[dreg:$0x3] =	wrdreg $0x9  }
0x28: {  	_ =	task.clear_ibuf [dreg:s6], $0x4FFFF;
	_ =	strace $0x90000046  }
0x29: {  	s29 =	simm.s32 $0x9;
	_ =	strace $0x80000048  }
0x2a: {  	_ =	swait.ge [sflag:s29], $0x1  }
0x2b: {  	[sflag:s29] =	ssyncadd.s32 $0xFFFFFFFF  }
0x2c: {  	_ =	strace $0x90000048  }
0x2d: {  	_ =	sfence  }
0x2e: {  	s30 =	sld [smem:$0x0];
	_ =	sdelay $0x2  }
0x2f: {  	s31 =	sshll.u32 s3, $0xD;
	s3 =	sshrl.u32 s3, $0x2  }
0x30: {  	s2 =	sand.u32 $0x4000, s31;
	s1 =	sadd.s32 s3, s30  }
0x31: {  	s0 =	sor.u32 s2, s0;
	s1 =	sshll.u32 s1, $0x11  }
0x32: {  	s0 =	sor.u32 s1, s0  }
0x33: {  	s0 =	sadd.s32 $0x8F2B, s0  }
0x34: {  	[sflag:s0] =	ssyncadd.remote.s32 $0x1  }
0x35: {  	_ =	sfence.sel $0xFFFF  }
0x36: {  	[dreg:$0x0] =	wrdreg $0xFFFFFFFF;
	(pc) =	sbr.abs _section_cstart, $3  }
0x37: {  	[dreg:$0x1] =	wrdreg $0xFFFFFFFF  }
0x38: {  	_ =	task.clear_ibuf [dreg:s6], $0x2FFFF;
	_ =	strace $0x9FFFFFFF  }
0x39: {  	(tm) =	ssettm $0x7FFFFFFF  }
tec
execute0_lowered:
.L_overlay_start_1:
0x0: {  	(tag) =	ssettag $0x1  }
0x1: {  	s1 =	rddreg [dreg:$0x0]  }
0x2: {  	s0 =	rddreg [dreg:$0x1]  }
0x3: {  	_ =	strace $0x80000047;
	s4 =	srdreg.scid;
	s6 =	simm.s32 $0x2  }
0x4: {  	s11 =	simm.s32 $0x0;
	p0 =	por $0x0, $0x0;
	s7 =	simm.s32 $0x4000  }
.Ltmp0:
0x5: {  	s12 =	simm.s32 $0x0;
	s9 =	simm.s32 $0x0;
	(pc) =	sbr.rel .LBB1_1-.Ltmp0, $4  }
0x6: {  	s2 =	sadd.s32 $0x2200, s1;
	s3 =	sadd.s32 $0x402200, s1;
	s5 =	sshll.u32 s4, $0x4  }
0x7: {  	s1 =	stileid.u32;
	s4 =	simm.s32 $0x1;
	s5 =	sand.u32 $0x10, s5  }
0x8: {  	s8 =	simm.s32 $0x0;
	[sflag:s4] =	ssyncpa.u1 $0x0;
	s5 =	sor.u32 s1, s5  }
0x9: {  	[sflag:s6] =	ssyncpa.u1 $0x0;
	s6 =	simm.s32 $0x800;
	s10 =	smov.u32 s5  }
.LBB1_7:
0xa: {  	s13 =	sadd.s32 $0x10, s9  }
0xb: {  	s11 =	sadd.s32 $0x20, s10;
	s15 =	smov.u32 s10;
	p2 =	sgt.s32 s13, $0x7F  }
0xc: {  	p1 =	slt.u32 s8, $0x2;
	s15 =	smov.u32 @p2 s11  }
0xd: {  	s8 =	sadd.s32 $0x1, s8;
	s13 =	simm.s32 @p2 $0x0;
	p2 =	sgt.s32 s15, $0xFF  }
0xe: {  	s15 =	smov.u32 @p2 s5;
	p2 =	sne.s32 s8, $0x42  }
.Ltmp1:
0xf: {  	_ = 	snop;
	(pc) =	sbr.rel @!p2 .LBB1_8-.Ltmp1, $4  }
0x10: {  	s14 =	simm.s32 @!p1 $0x2  }
0x11: {  	s12 =	smov.u32 s10;
	_ =	swait.ge @!p1 [sflag:s14], $0x4000  }
0x12: {  	p0 =	por !p0, !p0;
	s11 =	smov.u32 s9;
	[sflag:s14] =	ssyncset.done @!p1 $0x0  }
0x13: {  	s9 =	smov.u32 s13;
	[sflag:s14] =	ssyncadd.s32 @!p1 $0xFFFFC000;
	s10 =	smov.u32 s15  }
.LBB1_1:
0x14: {  	p1 =	sgt.u32 s8, $0x3F  }
0x15: {  	s13 =	sxor.u32 @!p1 $0xFFFFFFFF, s8;
	s14 =	sshll.u32 @!p1 s10, $0xE  }
0x16: {  	s15 =	sshll.u32 @!p1 s9, $0x7;
	s13 =	sshll.u32 @!p1 s13, $0xE;
	s14 =	sadd.s32 @!p1 s2, s14  }
0x17: {  	s13 =	sand.u32 @!p1 $0x4000, s13;
	s14 =	sadd.s32 @!p1 s15, s14;
	s15 =	simm.s32 @!p1 $0x0  }
0x18: {  	[tilespmem:s13], [sflag:$0x1] =	stream.linear.gather @!p1 [hbm4b:s14+s15], $0x4000, $0x38;
	[tilespmem:$0x10000] =	vst v63  }
0x19: {  	p1 =	seq.s32 s8, $0x0  }
0x1a: {  	p2 =	seq.s32 @!p1 s8, $0x41  }
0x1b: {  	p1 =	por p1, p2  }
.Ltmp2:
0x1c: {  	_ = 	snop;
	(pc) =	sbr.rel @p1 .LBB1_7-.Ltmp2, $1  }
0x1d: {  	_ =	sdelay $0x3  }
0x1e: {  	s13 =	simm.s32 $0x1;
	_ =	swait.ge [sflag:s4], $0x4000;
	s16 =	sshll.u32 s8, $0xE  }
0x1f: {  	s13 =	simm.s32 @!p0 $0x0;
	[sflag:s4] =	ssyncset.done $0x0;
	s31 =	sand.u32 $0x4000, s16  }
0x20: {  	s16 =	simm.s32 $0x0;
	s14 =	sshll.u32 s13, $0xE;
	[sflag:s4] =	ssyncadd.s32 $0xFFFFC000  }
0x21: {  	s13 =	sor.u32 $0x8040, s14;
	s15 =	sor.u32 $0x40, s14;
	s14 =	sor.u32 $0x8000, s31  }
.LBB1_3:
0x22: {  	v0 =	vmov s15;
	_ =	sdelay $0x3  }
0x23: {  	s18 =	simm.s32 $0x0  }
0x24: {  	v6 =	vld.idx.msk [tilespmem:v0+s18+$0x30 ss:$0x1], $0xffff  }
0x25: {  	v7 =	vld.idx.msk [tilespmem:v0+s18+$0xFFFFFFC0 ss:$0x1], $0xffff  }
0x26: {  	v5 =	vld.idx.msk [tilespmem:v0+s18+$0xFFFFFFD0 ss:$0x1], $0xffff  }
0x27: {  	v4 =	vld.idx.msk [tilespmem:v0+s18+$0xFFFFFFE0 ss:$0x1], $0xffff  }
0x28: {  	v3 =	vld.idx.msk [tilespmem:v0+s18+$0xFFFFFFF0 ss:$0x1], $0xffff  }
0x29: {  	v1 =	vld.idx.msk [tilespmem:v0+s18+$0x0 ss:$0x1], $0xffff  }
0x2a: {  	v2 =	vld.idx.msk [tilespmem:v0+s18+$0x10 ss:$0x1], $0xffff;
	[tilespmem:s13+$0x30] =	vst v6  }
0x2b: {  	s17 =	simm.s32 $0x80;
	s19 =	simm.s32 $0x400;
	[tilespmem:s13+$0xFFFFFFC0] =	vst v7;
	v6 =	vld.idx.msk [tilespmem:v0+s18+$0x20 ss:$0x1], $0xffff;
	s18 =	smov.u32 s13  }
.LBB1_4:
0x2c: {  	p1 =	sne.s32 s19, $0xE00;
	v7 =	vld.idx.msk [tilespmem:v0+s17+$0x30 ss:$0x1], $0xffff;
	[tilespmem:s18+$0xFFFFFFD0] =	vst v5  }
0x2d: {  	v8 =	vld.idx.msk [tilespmem:v0+s17+$0xFFFFFFC0 ss:$0x1], $0xffff;
	[tilespmem:s18+$0xFFFFFFE0] =	vst v4  }
0x2e: {  	v5 =	vld.idx.msk [tilespmem:v0+s17+$0xFFFFFFD0 ss:$0x1], $0xffff;
	[tilespmem:s18+$0xFFFFFFF0] =	vst v3  }
.Ltmp3:
0x2f: {  	v4 =	vld.idx.msk [tilespmem:v0+s17+$0xFFFFFFE0 ss:$0x1], $0xffff;
	[tilespmem:s18+$0x0] =	vst v1;
	(pc) =	sbr.rel @p1 .LBB1_4-.Ltmp3, $4  }
0x30: {  	v3 =	vld.idx.msk [tilespmem:v0+s17+$0xFFFFFFF0 ss:$0x1], $0xffff;
	[tilespmem:s18+$0x10] =	vst v2  }
0x31: {  	v1 =	vld.idx.msk [tilespmem:v0+s17+$0x0 ss:$0x1], $0xffff;
	[tilespmem:s18+$0x20] =	vst v6;
	s18 =	sadd.s32 $0x800, s18  }
0x32: {  	v2 =	vld.idx.msk [tilespmem:v0+s17+$0x10 ss:$0x1], $0xffff;
	[tilespmem:s18+$0x30] =	vst v7  }
0x33: {  	[tilespmem:s18+$0xFFFFFFC0] =	vst v8;
	v6 =	vld.idx.msk [tilespmem:v0+s17+$0x20 ss:$0x1], $0xffff;
	s17 =	sshra.s32 s19, $0x2;
	s19 =	sadd.s32 $0x200, s19  }
0x34: {  	_ =	sdelay $0x2  }
0x35: {  	[tilespmem:s18+$0xFFFFFFD0] =	vst v5  }
0x36: {  	v56 =	vld.idx.msk [tilespmem:v0+s17+$0x30 ss:$0x1], $0xffff;
	[tilespmem:s18+$0xFFFFFFE0] =	vst v4  }
0x37: {  	v57 =	vld.idx.msk [tilespmem:v0+s17+$0xFFFFFFC0 ss:$0x1], $0xffff;
	[tilespmem:s18+$0xFFFFFFF0] =	vst v3  }
0x38: {  	v58 =	vld.idx.msk [tilespmem:v0+s17+$0xFFFFFFD0 ss:$0x1], $0xffff;
	[tilespmem:s18+$0x0] =	vst v1  }
0x39: {  	v59 =	vld.idx.msk [tilespmem:v0+s17+$0xFFFFFFE0 ss:$0x1], $0xffff;
	[tilespmem:s18+$0x10] =	vst v2  }
0x3a: {  	v60 =	vld.idx.msk [tilespmem:v0+s17+$0xFFFFFFF0 ss:$0x1], $0xffff;
	s31 =	sadd.s32 $0x800, s18;
	[tilespmem:s18+$0x20] =	vst v6  }
0x3b: {  	v61 =	vld.idx.msk [tilespmem:v0+s17+$0x0 ss:$0x1], $0xffff;
	[tilespmem:s31+$0x30] =	vst v56  }
0x3c: {  	v62 =	vld.idx.msk [tilespmem:v0+s17+$0x10 ss:$0x1], $0xffff;
	s16 =	sadd.s32 $0x1, s16;
	[tilespmem:s31+$0xFFFFFFC0] =	vst v57  }
0x3d: {  	v63 =	vld.idx.msk [tilespmem:v0+s17+$0x20 ss:$0x1], $0xffff;
	p1 =	sne.s32 s16, $0x10;
	[tilespmem:s31+$0xFFFFFFD0] =	vst v58  }
.Ltmp4:
0x3e: {  	[tilespmem:s31+$0xFFFFFFE0] =	vst v59;
	(pc) =	sbr.rel @p1 .LBB1_3-.Ltmp4, $4  }
0x3f: {  	[tilespmem:s31+$0xFFFFFFF0] =	vst v60  }
0x40: {  	[tilespmem:s31+$0x0] =	vst v61  }
0x41: {  	[tilespmem:s31+$0x10] =	vst v62  }
0x42: {  	s13 =	sadd.s32 $0x80, s13;
	s15 =	sadd.s32 $0x400, s15;
	[tilespmem:s31+$0x20] =	vst v63  }
.Ltmp5:
0x43: {  	(pc) =	sbr.rel .LBB1_7-.Ltmp5, $4  }
0x44: {  	s12 =	sshll.u32 s12, $0xE;
	s11 =	sshll.u32 s11, $0x4  }
0x45: {  	s11 =	sand.u32 $0x7F0, s11;
	s12 =	sadd.s32 s3, s12  }
0x46: {  	s11 =	sadd.s32 s11, s12  }
0x47: {  	[hbm4b:s11+s6] =	stream.strided.scatter [tilespmem:s14], [sflag:$0x2], $0x4000, s7, s6, $0x38;
	[tilespmem:$0x10000] =	vst v63  }
.LBB1_8:
0x48: {  	_ =	sfence.sel $0x180000  }
0x49: {  	s2 =	simm.s32 $0x1;
	[bflag:$0x0] =	sbarrier.arrive $0xFFFF  }
0x4a: {  	s31 =	simm.s32 $0x2;
	[sflag:s2] =	ssyncpa.u1 $0x1  }
0x4b: {  	[sflag:s31] =	ssyncpa.u1 $0x1  }
0x4c: {  	p0 =	sne.s32 s1, $0x0;
	_ =	strace $0x90000047  }
0x4d: {  	s0 =	sadd.s32 @!p0 $0x100000, s0;
	[bflag:$0x2] =	sbarrier.arrive $0xFFFF  }
0x4e: {  	[sflag:s0] =	ssyncadd.tile.s32 @!p0 $0x1;
	_ =	shalt  }
.Lfunc_end1:
_tile_overlayer_lowered:
.L_overlay_start_2:
0x4f: {  	(tag) =	ssettag $0x2  }
0x50: {  	s0 =	rddreg [dreg:$0x0];
	s2 =	stileid.u32  }
0x51: {  	s1 =	rddreg [dreg:$0x1];
	p0 =	sne.s32 s2, $0x0  }
0x52: {  	s3 =	rddreg [dreg:$0x2];
	[bflag:$0x3] =	sbarrier.arrive $0xFFFF;
	s2 =	simm.s32 @!p0 $0x1C01  }
0x53: {  	[timem:s3], [sflag:s2] =	dma.local @!p0 [hbm:s0], s1  }
0x54: {  	s0 =	simm.s32 @!p0 $0x1  }
0x55: {  	_ =	swait.ge @!p0 [sflag:s0], s1  }
0x56: {  	s1 =	ssub.s32 @!p0 $0x0, s1;
	[sflag:s0] =	ssyncset.done @!p0 $0x0  }
0x57: {  	[sflag:s0] =	ssyncadd.s32 @!p0 s1  }
0x58: {  	[bflag:$0x3] =	sbarrier.arrive $0xFFFF  }
0x59: {  	_ =	shalt  }

</sc_bundles>
